<compile_context>
chip_gen: v7x
topology: tpu7x:2x2x1
jax: 0.10.2.dev20260603
libtpu: 0.0.44.dev20260713+nightly
codegen_flags: <defaults>
</compile_context>

<pallas_src>
import functools

import jax
import jax.numpy as jnp
from jax import lax
from jax.experimental import pallas as pl
from jax.experimental.pallas import tpu as pltpu
from jax.experimental.pallas import tpu_sc as plsc

N = 10000
E = 320000
ROW_BLK = 2528
NPAD = 10112
GRID = NPAD // ROW_BLK
NC = 2
NS = 16
NW = NC * NS
EPW = 10240
EPAD = NW * EPW
RPT = NPAD // NS
DEG_W = 16

W_CHUNK = 128
N_BATCH = 1024
N_NB = EPW // N_BATCH


@functools.cache
def _mesh():
  return plsc.VectorSubcoreMesh(
      core_axis_name="c", subcore_axis_name="s", num_cores=NC, num_subcores=NS)


@functools.cache
def _make_propagate_wide():
  n_batch = EPW // W_CHUNK
  n_phase = 2
  idx_rows = n_batch // n_phase

  @functools.partial(
      pl.kernel,
      out_type=[
          jax.ShapeDtypeStruct((NPAD, 128), jnp.float32),
          jax.ShapeDtypeStruct((NPAD, 128), jnp.float32),
      ],
      mesh=_mesh(),
      scratch_types=[
          pltpu.VMEM((idx_rows, W_CHUNK), jnp.int32),
          pltpu.VMEM((idx_rows, W_CHUNK), jnp.int32),
          pltpu.VMEM((W_CHUNK, 128), jnp.float32),
          pltpu.VMEM((W_CHUNK, 128), jnp.float32),
          pltpu.VMEM_SHARED((NPAD, 128), jnp.float32),
          pltpu.SemaphoreType.DMA,
          pltpu.SemaphoreType.DMA,
      ],
      compiler_params=pltpu.CompilerParams(use_tc_tiling_on_sc=True),
  )
  def propagate(u_hbm, edges_hbm, out0, out1, src_v, dst_v, rows0, rows1, acc,
                sem0, sem1):
    c = lax.axis_index("c")
    s = lax.axis_index("s")
    wid = c * NS + s

    def load_idx(ph):
      base = wid * n_batch + ph * idx_rows
      pltpu.sync_copy(edges_hbm.at[0, pl.ds(base, idx_rows)], src_v)
      pltpu.sync_copy(edges_hbm.at[1, pl.ds(base, idx_rows)], dst_v)

    pltpu.sync_copy(u_hbm.at[pl.ds(s * RPT, RPT)], acc.at[pl.ds(s * RPT, RPT)])
    load_idx(0)
    plsc.subcore_barrier()

    def body(i, carry):
      j0 = 2 * i
      pltpu.async_copy(u_hbm.at[src_v.at[j0 + 1]], rows1, sem1)
      pltpu.make_async_copy(u_hbm.at[src_v.at[j0]], rows0, sem0).wait()
      pltpu.sync_copy(rows0, acc.at[dst_v.at[j0]], add=True)

      @pl.when(j0 + 2 < idx_rows)
      def _():
        pltpu.async_copy(u_hbm.at[src_v.at[j0 + 2]], rows0, sem0)

      pltpu.make_async_copy(u_hbm.at[src_v.at[j0 + 1]], rows1, sem1).wait()
      pltpu.sync_copy(rows1, acc.at[dst_v.at[j0 + 1]], add=True)
      return carry

    for ph in range(n_phase):
      if ph:
        load_idx(ph)
      pltpu.async_copy(u_hbm.at[src_v.at[0]], rows0, sem0)
      lax.fori_loop(0, idx_rows // 2, body, 0)
    plsc.subcore_barrier()

    @pl.when(c == 0)
    def _():
      pltpu.sync_copy(acc.at[pl.ds(s * RPT, RPT)], out0.at[pl.ds(s * RPT, RPT)])

    @pl.when(c == 1)
    def _():
      pltpu.sync_copy(acc.at[pl.ds(s * RPT, RPT)], out1.at[pl.ds(s * RPT, RPT)])

  return propagate


@functools.cache
def _make_propagate_narrow(D):

  @functools.partial(
      pl.kernel,
      out_type=[
          jax.ShapeDtypeStruct((NPAD, D), jnp.float32),
          jax.ShapeDtypeStruct((NPAD, D), jnp.float32),
      ],
      mesh=_mesh(),
      scratch_types=[
          pltpu.VMEM((N_NB, N_BATCH), jnp.int32),
          pltpu.VMEM((N_NB, N_BATCH), jnp.int32),
          pltpu.VMEM((N_BATCH, D), jnp.float32),
          pltpu.VMEM((N_BATCH, D), jnp.float32),
          pltpu.VMEM_SHARED((NPAD, D), jnp.float32),
          pltpu.VMEM_SHARED((NPAD, D), jnp.float32),
          pltpu.SemaphoreType.DMA,
          pltpu.SemaphoreType.DMA,
      ],
      compiler_params=pltpu.CompilerParams(use_tc_tiling_on_sc=False),
  )
  def propagate(u_hbm, edges_hbm, out0, out1, src_v, dst_v, rows0, rows1, acc,
                u_sp, sem0, sem1):
    c = lax.axis_index("c")
    s = lax.axis_index("s")
    wid = c * NS + s
    pltpu.sync_copy(u_hbm.at[pl.ds(s * RPT, RPT)], acc.at[pl.ds(s * RPT, RPT)])
    pltpu.sync_copy(u_hbm.at[pl.ds(s * RPT, RPT)], u_sp.at[pl.ds(s * RPT, RPT)])
    pltpu.sync_copy(edges_hbm.at[0, pl.ds(wid * N_NB, N_NB)], src_v)
    pltpu.sync_copy(edges_hbm.at[1, pl.ds(wid * N_NB, N_NB)], dst_v)
    plsc.subcore_barrier()

    def body(i, carry):
      j0 = 2 * i
      pltpu.async_copy(u_sp.at[src_v.at[j0 + 1]], rows1, sem1)
      pltpu.make_async_copy(u_sp.at[src_v.at[j0]], rows0, sem0).wait()
      pltpu.sync_copy(rows0, acc.at[dst_v.at[j0]], add=True)

      @pl.when(j0 + 2 < N_NB)
      def _():
        pltpu.async_copy(u_sp.at[src_v.at[j0 + 2]], rows0, sem0)

      pltpu.make_async_copy(u_sp.at[src_v.at[j0 + 1]], rows1, sem1).wait()
      pltpu.sync_copy(rows1, acc.at[dst_v.at[j0 + 1]], add=True)
      return carry

    pltpu.async_copy(u_sp.at[src_v.at[0]], rows0, sem0)
    lax.fori_loop(0, N_NB // 2, body, 0)
    plsc.subcore_barrier()

    @pl.when(c == 0)
    def _():
      pltpu.sync_copy(acc.at[pl.ds(s * RPT, RPT)], out0.at[pl.ds(s * RPT, RPT)])

    @pl.when(c == 1)
    def _():
      pltpu.sync_copy(acc.at[pl.ds(s * RPT, RPT)], out1.at[pl.ds(s * RPT, RPT)])

  return propagate


@functools.cache
def _make_degree():
  @functools.partial(
      pl.kernel,
      out_type=[
          jax.ShapeDtypeStruct((NPAD, DEG_W), jnp.float32),
          jax.ShapeDtypeStruct((NPAD, DEG_W), jnp.float32),
      ],
      mesh=_mesh(),
      scratch_types=[
          pltpu.VMEM((N_NB, N_BATCH), jnp.int32),
          pltpu.VMEM((N_BATCH, DEG_W), jnp.float32),
          pltpu.VMEM_SHARED((NPAD, DEG_W), jnp.float32),
          pltpu.SemaphoreType.DMA,
      ],
      compiler_params=pltpu.CompilerParams(use_tc_tiling_on_sc=False),
  )
  def degree(edges_hbm, ones_hbm, zeros_hbm, out0, out1, dst_v, ones_v, acc,
             sem):
    c = lax.axis_index("c")
    s = lax.axis_index("s")
    wid = c * NS + s
    pltpu.sync_copy(zeros_hbm.at[pl.ds(s * RPT, RPT)],
                    acc.at[pl.ds(s * RPT, RPT)])
    pltpu.sync_copy(ones_hbm, ones_v)
    pltpu.sync_copy(edges_hbm.at[1, pl.ds(wid * N_NB, N_NB)], dst_v)
    plsc.subcore_barrier()

    def body(j, carry):
      pltpu.sync_copy(ones_v, acc.at[dst_v.at[j]], add=True)
      return carry

    lax.fori_loop(0, N_NB, body, 0)
    plsc.subcore_barrier()

    @pl.when(c == 0)
    def _():
      pltpu.sync_copy(acc.at[pl.ds(s * RPT, RPT)], out0.at[pl.ds(s * RPT, RPT)])

    @pl.when(c == 1)
    def _():
      pltpu.sync_copy(acc.at[pl.ds(s * RPT, RPT)], out1.at[pl.ds(s * RPT, RPT)])

  return degree


def _dinv_col(d0_ref, d1_ref):
  return lax.rsqrt(d0_ref[:, :1] + d1_ref[:, :1] + 1.0)


def _mm_scale_body(x_ref, w_ref, d0_ref, d1_ref, u_ref):
  dinv = _dinv_col(d0_ref, d1_ref)
  u_ref[...] = (
      jnp.dot(x_ref[...], w_ref[...], preferred_element_type=jnp.float32)
      * dinv)


def _combine_mm_body(p0_ref, p1_ref, u_ref, d0_ref, d1_ref, w_ref, b_ref,
                     o_ref):
  dinv = _dinv_col(d0_ref, d1_ref)
  h = jnp.maximum(
      dinv * (p0_ref[...] + p1_ref[...] - u_ref[...]) + b_ref[...], 0.0)
  o_ref[...] = (
      jnp.dot(h, w_ref[...], preferred_element_type=jnp.float32) * dinv)


def _head_body(p0_ref, p1_ref, u_ref, d0_ref, d1_ref, b3_ref, w1_ref, c1_ref,
               w2_ref, c2_ref, o_ref):
  dinv = _dinv_col(d0_ref, d1_ref)
  h3 = jnp.maximum(
      dinv * (p0_ref[...] + p1_ref[...] - u_ref[...]) + b3_ref[...], 0.0)
  h4 = jnp.maximum(
      jnp.dot(h3, w1_ref[...], preferred_element_type=jnp.float32)
      + c1_ref[...], 0.0)
  o_ref[...] = (
      jnp.dot(h4, w2_ref[...], preferred_element_type=jnp.float32)
      + c2_ref[...])


def _rows(shape):
  return pl.BlockSpec((ROW_BLK, shape), lambda i: (i, 0))


def _full(shape):
  return pl.BlockSpec(shape, lambda i: (0,) * len(shape))


def _mm_scale(xp, w, d0, d1):
  fo = w.shape[1]
  return pl.pallas_call(
      _mm_scale_body,
      grid=(GRID,),
      in_specs=[
          _rows(xp.shape[1]), _full(w.shape), _rows(DEG_W), _rows(DEG_W)
      ],
      out_specs=_rows(fo),
      out_shape=jax.ShapeDtypeStruct((NPAD, fo), jnp.float32),
  )(xp, w, d0, d1)


def _combine_mm(p0, p1, u, d0, d1, w, b):
  fi = u.shape[1]
  fo = w.shape[1]
  return pl.pallas_call(
      _combine_mm_body,
      grid=(GRID,),
      in_specs=[
          _rows(fi), _rows(fi), _rows(fi), _rows(DEG_W), _rows(DEG_W),
          _full(w.shape), _full(b.shape)
      ],
      out_specs=_rows(fo),
      out_shape=jax.ShapeDtypeStruct((NPAD, fo), jnp.float32),
  )(p0, p1, u, d0, d1, w, b)


def _head(p0, p1, u, d0, d1, b3, w1, c1, w2, c2):
  fo = w2.shape[1]
  return pl.pallas_call(
      _head_body,
      grid=(GRID,),
      in_specs=[
          _rows(16), _rows(16), _rows(16), _rows(DEG_W), _rows(DEG_W),
          _full(b3.shape), _full(w1.shape), _full(c1.shape), _full(w2.shape),
          _full(c2.shape)
      ],
      out_specs=_rows(fo),
      out_shape=jax.ShapeDtypeStruct((N, fo), jnp.float32),
  )(p0, p1, u, d0, d1, b3, w1, c1, w2, c2)


def kernel(x, edge_index, W1, b1, W2, b2, W3, b3, L1W, L1b, L2W, L2b):
  ei = edge_index.astype(jnp.int32)
  n_pad_e = EPAD - E
  pad_iota = jnp.arange(n_pad_e, dtype=jnp.int32)
  pad_pair = jnp.stack([pad_iota % N, N + pad_iota % (NPAD - N)])
  ei_pad = jnp.concatenate([ei, pad_pair], axis=1)
  e128 = ei_pad.reshape(2, EPAD // W_CHUNK, W_CHUNK)
  e1024 = ei_pad.reshape(2, EPAD // N_BATCH, N_BATCH)
  ones = jnp.ones((N_BATCH, DEG_W), jnp.float32)
  zeros = jnp.zeros((NPAD, DEG_W), jnp.float32)

  d0, d1 = _make_degree()(e1024, ones, zeros)

  u1 = _mm_scale(x, W1, d0, d1)
  p0, p1 = _make_propagate_wide()(u1, e128)
  u2 = _combine_mm(p0, p1, u1, d0, d1, W2, b1.reshape(1, -1))
  q0, q1 = _make_propagate_narrow(32)(u2, e1024)
  u3 = _combine_mm(q0, q1, u2, d0, d1, W3, b2.reshape(1, -1))
  r0, r1 = _make_propagate_narrow(16)(u3, e1024)
  return _head(r0, r1, u3, d0, d1, b3.reshape(1, -1), L1W, L1b.reshape(1, -1),
               L2W, L2b.reshape(1, -1))

# --- scband reference (transcript-rebuilt; emitter-appended) ---
"""Pipeline reference for scband-gcn-model-67216238182971 (READ-ONLY COPY).

The authoritative reference and input builder live on the scoring server;
editing this copy changes nothing except your own understanding.
"""

import jax, jax.numpy as jnp
import numpy as np

N_NODES = 10000
N_EDGES = 320000


def gcn_conv(x, edge_index, W, b):
    # PyG GCNConv default: add self-loops, symmetric normalization,
    # linear transform (no bias in lin), scatter-add aggregate, then add bias.
    num_nodes = x.shape[0]
    src = edge_index[0]
    dst = edge_index[1]
    loop = jnp.arange(num_nodes, dtype=src.dtype)
    src = jnp.concatenate([src, loop])
    dst = jnp.concatenate([dst, loop])
    deg = jnp.zeros((num_nodes,), dtype=x.dtype).at[dst].add(1.0)
    dinv = jnp.where(deg > 0, deg ** -0.5, 0.0)
    norm = dinv[src] * dinv[dst]
    xw = x @ W
    msg = xw[src] * norm[:, None]
    out = jnp.zeros((num_nodes, W.shape[1]), dtype=x.dtype).at[dst].add(msg)
    return out + b


def setup_inputs(seed: int = 0) -> dict:
    key = jax.random.key(seed)
    ks = jax.random.split(key, 12)
    x = jax.random.normal(ks[0], (N_NODES, 128), dtype=jnp.float32)
    edge_index = jax.random.randint(ks[1], (2, N_EDGES), 0, N_NODES, dtype=jnp.int64)
    def glorot(k, fi, fo):
        lim = (6.0 / (fi + fo)) ** 0.5
        return jax.random.uniform(k, (fi, fo), minval=-lim, maxval=lim, dtype=jnp.float32)
    return {
        "x": x,
        "edge_index": edge_index,
        "W1": glorot(ks[2], 128, 128), "b1": jnp.zeros((128,), jnp.float32),
        "W2": glorot(ks[3], 128, 32),  "b2": jnp.zeros((32,), jnp.float32),
        "W3": glorot(ks[4], 32, 16),   "b3": jnp.zeros((16,), jnp.float32),
        "L1W": glorot(ks[5], 16, 8),   "L1b": jnp.zeros((8,), jnp.float32),
        "L2W": glorot(ks[6], 8, 16),   "L2b": jnp.zeros((16,), jnp.float32),
    }


def reference(x, edge_index, W1, b1, W2, b2, W3, b3, L1W, L1b, L2W, L2b):
    h = jax.nn.relu(gcn_conv(x, edge_index, W1, b1))
    h = jax.nn.relu(gcn_conv(h, edge_index, W2, b2))
    h = jax.nn.relu(gcn_conv(h, edge_index, W3, b3))
    h = jax.nn.relu(h @ L1W + L1b)
    out = h @ L2W + L2b
    return out

if __name__ == "__main__":
    import jax
    _d = setup_inputs()
    print(jax.jit(kernel)(*tuple(_d.values())))

</pallas_src>

<mosaic_0001>
#map = affine_map<(d0, d1) -> (0, 0)>
#map1 = affine_map<(d0, d1) -> (0, 0, 0)>
module attributes {stable_mosaic.version = 14 : i64} {
  func.func @propagate(%arg0: i32, %arg1: i32, %arg2: memref<10112x128xf32, #tpu.memory_space<hbm>>, %arg3: memref<2x2560x128xi32, #tpu.memory_space<hbm>>, %arg4: memref<10112x128xf32, #tpu.memory_space<hbm>>, %arg5: memref<10112x128xf32, #tpu.memory_space<hbm>>, %arg6: memref<40x128xi32, #tpu.memory_space<vmem>>, %arg7: memref<40x128xi32, #tpu.memory_space<vmem>>, %arg8: memref<128x128xf32, #tpu.memory_space<vmem>>, %arg9: memref<128x128xf32, #tpu.memory_space<vmem>>, %arg10: memref<10112x128xf32, #tpu.memory_space<vmem_shared>>, %arg11: memref<!tpu.dma_semaphore, #tpu.memory_space<semaphore_mem>>, %arg12: memref<!tpu.dma_semaphore, #tpu.memory_space<semaphore_mem>>) attributes {dimension_semantics = [#tpu.dimension_semantics<core_parallel>, #tpu.dimension_semantics<subcore_parallel>], iteration_bounds = array<i64: 2, 16>, scalar_prefetch = 0 : i64, scratch_operands = 7 : i64, tpu.core_type = #tpu.core_type<sc_vector_subcore>, window_params = [{transform_indices = #map}, {transform_indices = #map1}, {transform_indices = #map}, {transform_indices = #map}]} {
    %mul3A = arith.constant 16 : i32
    %mul3A_0 = arith.muli %arg0, %mul3A : i32
    %add3A = arith.addi %mul3A_0, %arg1 : i32
    %mul3A_1 = arith.constant 632 : i32
    %mul3A_2 = arith.muli %arg1, %mul3A_1 : i32
    %mul3A_3 = arith.constant 632 : i32
    %mul3A_4 = arith.muli %arg1, %mul3A_3 : i32
    "tpu.region"() ({
      %run_scoped3A_48 = tpu.sem_alloc : memref<!tpu.dma_semaphore, #tpu.memory_space<semaphore_mem>>
      %dma_start3A_49 = arith.constant 0 : i32
      %dma_start3A_50 = tpu.memref_slice %arg10[%mul3A_4, %dma_start3A_49] : memref<10112x128xf32, #tpu.memory_space<vmem_shared>> -> memref<632x128xf32, #tpu.memory_space<vmem_shared>>
      %dma_start3A_51 = arith.constant 0 : i32
      %dma_start3A_52 = tpu.memref_slice %arg2[%mul3A_2, %dma_start3A_51] : memref<10112x128xf32, #tpu.memory_space<hbm>> -> memref<632x128xf32, #tpu.memory_space<hbm>>
      tpu.enqueue_dma source(%dma_start3A_52 : memref<632x128xf32, #tpu.memory_space<hbm>>) target(%dma_start3A_50 : memref<632x128xf32, #tpu.memory_space<vmem_shared>>) target_semaphore(%run_scoped3A_48 : memref<!tpu.dma_semaphore, #tpu.memory_space<semaphore_mem>>)
      %dma_wait3A = arith.constant 0 : i32
      %dma_wait3A_53 = tpu.memref_slice %arg10[%mul3A_4, %dma_wait3A] : memref<10112x128xf32, #tpu.memory_space<vmem_shared>> -> memref<632x128xf32, #tpu.memory_space<vmem_shared>>
      %dma_wait3A_54 = arith.constant 0 : i32
      %dma_wait3A_55 = tpu.memref_slice %arg2[%mul3A_2, %dma_wait3A_54] : memref<10112x128xf32, #tpu.memory_space<hbm>> -> memref<632x128xf32, #tpu.memory_space<hbm>>
      tpu.wait_dma2 semaphore(%run_scoped3A_48 : memref<!tpu.dma_semaphore, #tpu.memory_space<semaphore_mem>>) src(%dma_wait3A_55 : memref<632x128xf32, #tpu.memory_space<hbm>>) dst(%dma_wait3A_53 : memref<632x128xf32, #tpu.memory_space<vmem_shared>>)
      tpu.yield
    }) : () -> ()
    %mul3A_5 = arith.constant 80 : i32
    %mul3A_6 = arith.muli %add3A, %mul3A_5 : i32
    %add3A_7 = arith.constant 0 : i32
    %add3A_8 = arith.addi %mul3A_6, %add3A_7 : i32
    %run_scoped3A = arith.constant 0 : i32
    "tpu.region"() ({
      %run_scoped3A_48 = tpu.sem_alloc : memref<!tpu.dma_semaphore, #tpu.memory_space<semaphore_mem>>
      %dma_start3A_49 = arith.constant 0 : i32
      %dma_start3A_50 = tpu.memref_slice %arg3[%run_scoped3A, %add3A_8, %dma_start3A_49] : memref<2x2560x128xi32, #tpu.memory_space<hbm>> -> memref<1x40x128xi32, #tpu.memory_space<hbm>>
      %dma_start3A_51 = tpu.memref_squeeze %dma_start3A_50 : memref<1x40x128xi32, #tpu.memory_space<hbm>> -> memref<40x128xi32, #tpu.memory_space<hbm>>
      %dma_start3A_52 = arith.constant 0 : i32
      %dma_start3A_53 = tpu.memref_slice %arg3[%run_scoped3A, %add3A_8, %dma_start3A_52] : memref<2x2560x128xi32, #tpu.memory_space<hbm>> -> memref<1x40x128xi32, #tpu.memory_space<hbm>>
      %dma_start3A_54 = tpu.memref_squeeze %dma_start3A_53 : memref<1x40x128xi32, #tpu.memory_space<hbm>> -> memref<40x128xi32, #tpu.memory_space<hbm>>
      tpu.enqueue_dma source(%dma_start3A_54 : memref<40x128xi32, #tpu.memory_space<hbm>>) target(%arg6 : memref<40x128xi32, #tpu.memory_space<vmem>>) target_semaphore(%run_scoped3A_48 : memref<!tpu.dma_semaphore, #tpu.memory_space<semaphore_mem>>)
      %dma_wait3A = arith.constant 0 : i32
      %dma_wait3A_55 = tpu.memref_slice %arg3[%run_scoped3A, %add3A_8, %dma_wait3A] : memref<2x2560x128xi32, #tpu.memory_space<hbm>> -> memref<1x40x128xi32, #tpu.memory_space<hbm>>
      %dma_wait3A_56 = tpu.memref_squeeze %dma_wait3A_55 : memref<1x40x128xi32, #tpu.memory_space<hbm>> -> memref<40x128xi32, #tpu.memory_space<hbm>>
      %dma_wait3A_57 = arith.constant 0 : i32
      %dma_wait3A_58 = tpu.memref_slice %arg3[%run_scoped3A, %add3A_8, %dma_wait3A_57] : memref<2x2560x128xi32, #tpu.memory_space<hbm>> -> memref<1x40x128xi32, #tpu.memory_space<hbm>>
      %dma_wait3A_59 = tpu.memref_squeeze %dma_wait3A_58 : memref<1x40x128xi32, #tpu.memory_space<hbm>> -> memref<40x128xi32, #tpu.memory_space<hbm>>
      tpu.wait_dma2 semaphore(%run_scoped3A_48 : memref<!tpu.dma_semaphore, #tpu.memory_space<semaphore_mem>>) src(%dma_wait3A_59 : memref<40x128xi32, #tpu.memory_space<hbm>>) dst(%arg6 : memref<40x128xi32, #tpu.memory_space<vmem>>)
      tpu.yield
    }) : () -> ()
    %run_scoped3A_9 = arith.constant 1 : i32
    "tpu.region"() ({
      %run_scoped3A_48 = tpu.sem_alloc : memref<!tpu.dma_semaphore, #tpu.memory_space<semaphore_mem>>
      %dma_start3A_49 = arith.constant 0 : i32
      %dma_start3A_50 = tpu.memref_slice %arg3[%run_scoped3A_9, %add3A_8, %dma_start3A_49] : memref<2x2560x128xi32, #tpu.memory_space<hbm>> -> memref<1x40x128xi32, #tpu.memory_space<hbm>>
      %dma_start3A_51 = tpu.memref_squeeze %dma_start3A_50 : memref<1x40x128xi32, #tpu.memory_space<hbm>> -> memref<40x128xi32, #tpu.memory_space<hbm>>
      %dma_start3A_52 = arith.constant 0 : i32
      %dma_start3A_53 = tpu.memref_slice %arg3[%run_scoped3A_9, %add3A_8, %dma_start3A_52] : memref<2x2560x128xi32, #tpu.memory_space<hbm>> -> memref<1x40x128xi32, #tpu.memory_space<hbm>>
      %dma_start3A_54 = tpu.memref_squeeze %dma_start3A_53 : memref<1x40x128xi32, #tpu.memory_space<hbm>> -> memref<40x128xi32, #tpu.memory_space<hbm>>
      tpu.enqueue_dma source(%dma_start3A_54 : memref<40x128xi32, #tpu.memory_space<hbm>>) target(%arg7 : memref<40x128xi32, #tpu.memory_space<vmem>>) target_semaphore(%run_scoped3A_48 : memref<!tpu.dma_semaphore, #tpu.memory_space<semaphore_mem>>)
      %dma_wait3A = arith.constant 0 : i32
      %dma_wait3A_55 = tpu.memref_slice %arg3[%run_scoped3A_9, %add3A_8, %dma_wait3A] : memref<2x2560x128xi32, #tpu.memory_space<hbm>> -> memref<1x40x128xi32, #tpu.memory_space<hbm>>
      %dma_wait3A_56 = tpu.memref_squeeze %dma_wait3A_55 : memref<1x40x128xi32, #tpu.memory_space<hbm>> -> memref<40x128xi32, #tpu.memory_space<hbm>>
      %dma_wait3A_57 = arith.constant 0 : i32
      %dma_wait3A_58 = tpu.memref_slice %arg3[%run_scoped3A_9, %add3A_8, %dma_wait3A_57] : memref<2x2560x128xi32, #tpu.memory_space<hbm>> -> memref<1x40x128xi32, #tpu.memory_space<hbm>>
      %dma_wait3A_59 = tpu.memref_squeeze %dma_wait3A_58 : memref<1x40x128xi32, #tpu.memory_space<hbm>> -> memref<40x128xi32, #tpu.memory_space<hbm>>
      tpu.wait_dma2 semaphore(%run_scoped3A_48 : memref<!tpu.dma_semaphore, #tpu.memory_space<semaphore_mem>>) src(%dma_wait3A_59 : memref<40x128xi32, #tpu.memory_space<hbm>>) dst(%arg7 : memref<40x128xi32, #tpu.memory_space<vmem>>)
      tpu.yield
    }) : () -> ()
    %barrier3A = arith.constant 0 : index
    tpu.barrier barrier_id(%barrier3A)
    %dma_start3A = arith.constant 0 : i32
    %dma_start3A_10 = arith.constant 0 : i32
    %dma_start3A_11 = tpu.memref_slice %arg6[%dma_start3A, %dma_start3A_10] : memref<40x128xi32, #tpu.memory_space<vmem>> -> memref<1x128xi32, #tpu.memory_space<vmem>>
    %dma_start3A_12 = tpu.memref_squeeze %dma_start3A_11 : memref<1x128xi32, #tpu.memory_space<vmem>> -> memref<128xi32, #tpu.memory_space<vmem>>
    %dma_start3A_13 = arith.constant 0 : i32
    %dma_start3A_14 = arith.constant 0 : i32
    %dma_start3A_15 = tpu.memref_slice %arg2[%dma_start3A_13, %dma_start3A_14] : memref<10112x128xf32, #tpu.memory_space<hbm>> -> memref<10112x128xf32, #tpu.memory_space<hbm>>
    tpu.enqueue_indirect_dma source(%dma_start3A_15 : memref<10112x128xf32, #tpu.memory_space<hbm>>) target(%arg8 : memref<128x128xf32, #tpu.memory_space<vmem>>) offsets(%dma_start3A_12 : memref<128xi32, #tpu.memory_space<vmem>>) semaphore(%arg11 : memref<!tpu.dma_semaphore, #tpu.memory_space<semaphore_mem>>)
    %scan3A = arith.constant 0 : i32
    %scan3A_16 = arith.constant 0 : i32
    %scan3A_17 = arith.constant 20 : i32
    %scan3A_18 = arith.addi %scan3A_16, %scan3A_17 : i32
    %scan3A_19 = arith.constant 1 : i32
    scf.for %scan3A_48 = %scan3A_16 to %scan3A_18 step %scan3A_19  : i32 {
      %mul3A_49 = arith.constant 2 : i32
      %mul3A_50 = arith.muli %mul3A_49, %scan3A_48 : i32
      %add3A_51 = arith.constant 1 : i32
      %add3A_52 = arith.addi %mul3A_50, %add3A_51 : i32
      %dma_start3A_53 = arith.constant 0 : i32
      %dma_start3A_54 = tpu.memref_slice %arg6[%add3A_52, %dma_start3A_53] : memref<40x128xi32, #tpu.memory_space<vmem>> -> memref<1x128xi32, #tpu.memory_space<vmem>>
      %dma_start3A_55 = tpu.memref_squeeze %dma_start3A_54 : memref<1x128xi32, #tpu.memory_space<vmem>> -> memref<128xi32, #tpu.memory_space<vmem>>
      %dma_start3A_56 = arith.constant 0 : i32
      %dma_start3A_57 = arith.constant 0 : i32
      %dma_start3A_58 = tpu.memref_slice %arg2[%dma_start3A_56, %dma_start3A_57] : memref<10112x128xf32, #tpu.memory_space<hbm>> -> memref<10112x128xf32, #tpu.memory_space<hbm>>
      tpu.enqueue_indirect_dma source(%dma_start3A_58 : memref<10112x128xf32, #tpu.memory_space<hbm>>) target(%arg9 : memref<128x128xf32, #tpu.memory_space<vmem>>) offsets(%dma_start3A_55 : memref<128xi32, #tpu.memory_space<vmem>>) semaphore(%arg12 : memref<!tpu.dma_semaphore, #tpu.memory_space<semaphore_mem>>)
      %dma_wait3A = arith.constant 0 : i32
      %dma_wait3A_59 = tpu.memref_slice %arg6[%mul3A_50, %dma_wait3A] : memref<40x128xi32, #tpu.memory_space<vmem>> -> memref<1x128xi32, #tpu.memory_space<vmem>>
      %dma_wait3A_60 = tpu.memref_squeeze %dma_wait3A_59 : memref<1x128xi32, #tpu.memory_space<vmem>> -> memref<128xi32, #tpu.memory_space<vmem>>
      %dma_wait3A_61 = arith.constant 0 : i32
      %dma_wait3A_62 = arith.constant 0 : i32
      %dma_wait3A_63 = tpu.memref_slice %arg2[%dma_wait3A_61, %dma_wait3A_62] : memref<10112x128xf32, #tpu.memory_space<hbm>> -> memref<10112x128xf32, #tpu.memory_space<hbm>>
      tpu.wait_indirect_dma semaphore(%arg11 : memref<!tpu.dma_semaphore, #tpu.memory_space<semaphore_mem>>) src(%dma_wait3A_63 : memref<10112x128xf32, #tpu.memory_space<hbm>>) dst(%arg8 : memref<128x128xf32, #tpu.memory_space<vmem>>)
      "tpu.region"() ({
        %run_scoped3A_80 = tpu.sem_alloc : memref<!tpu.dma_semaphore, #tpu.memory_space<semaphore_mem>>
        %dma_start3A_81 = arith.constant 0 : i32
        %dma_start3A_82 = tpu.memref_slice %arg7[%mul3A_50, %dma_start3A_81] : memref<40x128xi32, #tpu.memory_space<vmem>> -> memref<1x128xi32, #tpu.memory_space<vmem>>
        %dma_start3A_83 = tpu.memref_squeeze %dma_start3A_82 : memref<1x128xi32, #tpu.memory_space<vmem>> -> memref<128xi32, #tpu.memory_space<vmem>>
        %dma_start3A_84 = arith.constant 0 : i32
        %dma_start3A_85 = arith.constant 0 : i32
        %dma_start3A_86 = tpu.memref_slice %arg10[%dma_start3A_84, %dma_start3A_85] : memref<10112x128xf32, #tpu.memory_space<vmem_shared>> -> memref<10112x128xf32, #tpu.memory_space<vmem_shared>>
        tpu.enqueue_indirect_dma source(%arg8 : memref<128x128xf32, #tpu.memory_space<vmem>>) target(%dma_start3A_86 : memref<10112x128xf32, #tpu.memory_space<vmem_shared>>) offsets(%dma_start3A_83 : memref<128xi32, #tpu.memory_space<vmem>>) semaphore(%run_scoped3A_80 : memref<!tpu.dma_semaphore, #tpu.memory_space<semaphore_mem>>) {add = true}
        %dma_wait3A_87 = arith.constant 0 : i32
        %dma_wait3A_88 = tpu.memref_slice %arg7[%mul3A_50, %dma_wait3A_87] : memref<40x128xi32, #tpu.memory_space<vmem>> -> memref<1x128xi32, #tpu.memory_space<vmem>>
        %dma_wait3A_89 = tpu.memref_squeeze %dma_wait3A_88 : memref<1x128xi32, #tpu.memory_space<vmem>> -> memref<128xi32, #tpu.memory_space<vmem>>
        %dma_wait3A_90 = arith.constant 0 : i32
        %dma_wait3A_91 = arith.constant 0 : i32
        %dma_wait3A_92 = tpu.memref_slice %arg10[%dma_wait3A_90, %dma_wait3A_91] : memref<10112x128xf32, #tpu.memory_space<vmem_shared>> -> memref<10112x128xf32, #tpu.memory_space<vmem_shared>>
        tpu.wait_indirect_dma semaphore(%run_scoped3A_80 : memref<!tpu.dma_semaphore, #tpu.memory_space<semaphore_mem>>) src(%arg8 : memref<128x128xf32, #tpu.memory_space<vmem>>) dst(%dma_wait3A_92 : memref<10112x128xf32, #tpu.memory_space<vmem_shared>>)
        tpu.yield
      }) : () -> ()
      %add3A_64 = arith.constant 2 : i32
      %add3A_65 = arith.addi %mul3A_50, %add3A_64 : i32
      %lt3A = arith.constant 40 : i32
      %lt3A_66 = arith.cmpi slt, %add3A_65, %lt3A : i32
      %convert_element_type3A_67 = arith.extui %lt3A_66 : i1 to i32
      %cond3A_68 = arith.constant 0 : i32
      %cond3A_69 = arith.cmpi ne, %convert_element_type3A_67, %cond3A_68 : i32
      scf.if %cond3A_69 {
        %add3A_80 = arith.constant 2 : i32
        %add3A_81 = arith.addi %mul3A_50, %add3A_80 : i32
        %dma_start3A_82 = arith.constant 0 : i32
        %dma_start3A_83 = tpu.memref_slice %arg6[%add3A_81, %dma_start3A_82] : memref<40x128xi32, #tpu.memory_space<vmem>> -> memref<1x128xi32, #tpu.memory_space<vmem>>
        %dma_start3A_84 = tpu.memref_squeeze %dma_start3A_83 : memref<1x128xi32, #tpu.memory_space<vmem>> -> memref<128xi32, #tpu.memory_space<vmem>>
        %dma_start3A_85 = arith.constant 0 : i32
        %dma_start3A_86 = arith.constant 0 : i32
        %dma_start3A_87 = tpu.memref_slice %arg2[%dma_start3A_85, %dma_start3A_86] : memref<10112x128xf32, #tpu.memory_space<hbm>> -> memref<10112x128xf32, #tpu.memory_space<hbm>>
        tpu.enqueue_indirect_dma source(%dma_start3A_87 : memref<10112x128xf32, #tpu.memory_space<hbm>>) target(%arg8 : memref<128x128xf32, #tpu.memory_space<vmem>>) offsets(%dma_start3A_84 : memref<128xi32, #tpu.memory_space<vmem>>) semaphore(%arg11 : memref<!tpu.dma_semaphore, #tpu.memory_space<semaphore_mem>>)
      } else {
      }
      %add3A_70 = arith.constant 1 : i32
      %add3A_71 = arith.addi %mul3A_50, %add3A_70 : i32
      %dma_wait3A_72 = arith.constant 0 : i32
      %dma_wait3A_73 = tpu.memref_slice %arg6[%add3A_71, %dma_wait3A_72] : memref<40x128xi32, #tpu.memory_space<vmem>> -> memref<1x128xi32, #tpu.memory_space<vmem>>
      %dma_wait3A_74 = tpu.memref_squeeze %dma_wait3A_73 : memref<1x128xi32, #tpu.memory_space<vmem>> -> memref<128xi32, #tpu.memory_space<vmem>>
      %dma_wait3A_75 = arith.constant 0 : i32
      %dma_wait3A_76 = arith.constant 0 : i32
      %dma_wait3A_77 = tpu.memref_slice %arg2[%dma_wait3A_75, %dma_wait3A_76] : memref<10112x128xf32, #tpu.memory_space<hbm>> -> memref<10112x128xf32, #tpu.memory_space<hbm>>
      tpu.wait_indirect_dma semaphore(%arg12 : memref<!tpu.dma_semaphore, #tpu.memory_space<semaphore_mem>>) src(%dma_wait3A_77 : memref<10112x128xf32, #tpu.memory_space<hbm>>) dst(%arg9 : memref<128x128xf32, #tpu.memory_space<vmem>>)
      %add3A_78 = arith.constant 1 : i32
      %add3A_79 = arith.addi %mul3A_50, %add3A_78 : i32
      "tpu.region"() ({
        %run_scoped3A_80 = tpu.sem_alloc : memref<!tpu.dma_semaphore, #tpu.memory_space<semaphore_mem>>
        %dma_start3A_81 = arith.constant 0 : i32
        %dma_start3A_82 = tpu.memref_slice %arg7[%add3A_79, %dma_start3A_81] : memref<40x128xi32, #tpu.memory_space<vmem>> -> memref<1x128xi32, #tpu.memory_space<vmem>>
        %dma_start3A_83 = tpu.memref_squeeze %dma_start3A_82 : memref<1x128xi32, #tpu.memory_space<vmem>> -> memref<128xi32, #tpu.memory_space<vmem>>
        %dma_start3A_84 = arith.constant 0 : i32
        %dma_start3A_85 = arith.constant 0 : i32
        %dma_start3A_86 = tpu.memref_slice %arg10[%dma_start3A_84, %dma_start3A_85] : memref<10112x128xf32, #tpu.memory_space<vmem_shared>> -> memref<10112x128xf32, #tpu.memory_space<vmem_shared>>
        tpu.enqueue_indirect_dma source(%arg9 : memref<128x128xf32, #tpu.memory_space<vmem>>) target(%dma_start3A_86 : memref<10112x128xf32, #tpu.memory_space<vmem_shared>>) offsets(%dma_start3A_83 : memref<128xi32, #tpu.memory_space<vmem>>) semaphore(%run_scoped3A_80 : memref<!tpu.dma_semaphore, #tpu.memory_space<semaphore_mem>>) {add = true}
        %dma_wait3A_87 = arith.constant 0 : i32
        %dma_wait3A_88 = tpu.memref_slice %arg7[%add3A_79, %dma_wait3A_87] : memref<40x128xi32, #tpu.memory_space<vmem>> -> memref<1x128xi32, #tpu.memory_space<vmem>>
        %dma_wait3A_89 = tpu.memref_squeeze %dma_wait3A_88 : memref<1x128xi32, #tpu.memory_space<vmem>> -> memref<128xi32, #tpu.memory_space<vmem>>
        %dma_wait3A_90 = arith.constant 0 : i32
        %dma_wait3A_91 = arith.constant 0 : i32
        %dma_wait3A_92 = tpu.memref_slice %arg10[%dma_wait3A_90, %dma_wait3A_91] : memref<10112x128xf32, #tpu.memory_space<vmem_shared>> -> memref<10112x128xf32, #tpu.memory_space<vmem_shared>>
        tpu.wait_indirect_dma semaphore(%run_scoped3A_80 : memref<!tpu.dma_semaphore, #tpu.memory_space<semaphore_mem>>) src(%arg9 : memref<128x128xf32, #tpu.memory_space<vmem>>) dst(%dma_wait3A_92 : memref<10112x128xf32, #tpu.memory_space<vmem_shared>>)
        tpu.yield
      }) : () -> ()
    }
    %scan3A_20 = arith.constant 20 : i32
    %mul3A_21 = arith.constant 80 : i32
    %mul3A_22 = arith.muli %add3A, %mul3A_21 : i32
    %add3A_23 = arith.constant 40 : i32
    %add3A_24 = arith.addi %mul3A_22, %add3A_23 : i32
    %run_scoped3A_25 = arith.constant 0 : i32
    "tpu.region"() ({
      %run_scoped3A_48 = tpu.sem_alloc : memref<!tpu.dma_semaphore, #tpu.memory_space<semaphore_mem>>
      %dma_start3A_49 = arith.constant 0 : i32
      %dma_start3A_50 = tpu.memref_slice %arg3[%run_scoped3A_25, %add3A_24, %dma_start3A_49] : memref<2x2560x128xi32, #tpu.memory_space<hbm>> -> memref<1x40x128xi32, #tpu.memory_space<hbm>>
      %dma_start3A_51 = tpu.memref_squeeze %dma_start3A_50 : memref<1x40x128xi32, #tpu.memory_space<hbm>> -> memref<40x128xi32, #tpu.memory_space<hbm>>
      %dma_start3A_52 = arith.constant 0 : i32
      %dma_start3A_53 = tpu.memref_slice %arg3[%run_scoped3A_25, %add3A_24, %dma_start3A_52] : memref<2x2560x128xi32, #tpu.memory_space<hbm>> -> memref<1x40x128xi32, #tpu.memory_space<hbm>>
      %dma_start3A_54 = tpu.memref_squeeze %dma_start3A_53 : memref<1x40x128xi32, #tpu.memory_space<hbm>> -> memref<40x128xi32, #tpu.memory_space<hbm>>
      tpu.enqueue_dma source(%dma_start3A_54 : memref<40x128xi32, #tpu.memory_space<hbm>>) target(%arg6 : memref<40x128xi32, #tpu.memory_space<vmem>>) target_semaphore(%run_scoped3A_48 : memref<!tpu.dma_semaphore, #tpu.memory_space<semaphore_mem>>)
      %dma_wait3A = arith.constant 0 : i32
      %dma_wait3A_55 = tpu.memref_slice %arg3[%run_scoped3A_25, %add3A_24, %dma_wait3A] : memref<2x2560x128xi32, #tpu.memory_space<hbm>> -> memref<1x40x128xi32, #tpu.memory_space<hbm>>
      %dma_wait3A_56 = tpu.memref_squeeze %dma_wait3A_55 : memref<1x40x128xi32, #tpu.memory_space<hbm>> -> memref<40x128xi32, #tpu.memory_space<hbm>>
      %dma_wait3A_57 = arith.constant 0 : i32
      %dma_wait3A_58 = tpu.memref_slice %arg3[%run_scoped3A_25, %add3A_24, %dma_wait3A_57] : memref<2x2560x128xi32, #tpu.memory_space<hbm>> -> memref<1x40x128xi32, #tpu.memory_space<hbm>>
      %dma_wait3A_59 = tpu.memref_squeeze %dma_wait3A_58 : memref<1x40x128xi32, #tpu.memory_space<hbm>> -> memref<40x128xi32, #tpu.memory_space<hbm>>
      tpu.wait_dma2 semaphore(%run_scoped3A_48 : memref<!tpu.dma_semaphore, #tpu.memory_space<semaphore_mem>>) src(%dma_wait3A_59 : memref<40x128xi32, #tpu.memory_space<hbm>>) dst(%arg6 : memref<40x128xi32, #tpu.memory_space<vmem>>)
      tpu.yield
    }) : () -> ()
    %run_scoped3A_26 = arith.constant 1 : i32
    "tpu.region"() ({
      %run_scoped3A_48 = tpu.sem_alloc : memref<!tpu.dma_semaphore, #tpu.memory_space<semaphore_mem>>
      %dma_start3A_49 = arith.constant 0 : i32
      %dma_start3A_50 = tpu.memref_slice %arg3[%run_scoped3A_26, %add3A_24, %dma_start3A_49] : memref<2x2560x128xi32, #tpu.memory_space<hbm>> -> memref<1x40x128xi32, #tpu.memory_space<hbm>>
      %dma_start3A_51 = tpu.memref_squeeze %dma_start3A_50 : memref<1x40x128xi32, #tpu.memory_space<hbm>> -> memref<40x128xi32, #tpu.memory_space<hbm>>
      %dma_start3A_52 = arith.constant 0 : i32
      %dma_start3A_53 = tpu.memref_slice %arg3[%run_scoped3A_26, %add3A_24, %dma_start3A_52] : memref<2x2560x128xi32, #tpu.memory_space<hbm>> -> memref<1x40x128xi32, #tpu.memory_space<hbm>>
      %dma_start3A_54 = tpu.memref_squeeze %dma_start3A_53 : memref<1x40x128xi32, #tpu.memory_space<hbm>> -> memref<40x128xi32, #tpu.memory_space<hbm>>
      tpu.enqueue_dma source(%dma_start3A_54 : memref<40x128xi32, #tpu.memory_space<hbm>>) target(%arg7 : memref<40x128xi32, #tpu.memory_space<vmem>>) target_semaphore(%run_scoped3A_48 : memref<!tpu.dma_semaphore, #tpu.memory_space<semaphore_mem>>)
      %dma_wait3A = arith.constant 0 : i32
      %dma_wait3A_55 = tpu.memref_slice %arg3[%run_scoped3A_26, %add3A_24, %dma_wait3A] : memref<2x2560x128xi32, #tpu.memory_space<hbm>> -> memref<1x40x128xi32, #tpu.memory_space<hbm>>
      %dma_wait3A_56 = tpu.memref_squeeze %dma_wait3A_55 : memref<1x40x128xi32, #tpu.memory_space<hbm>> -> memref<40x128xi32, #tpu.memory_space<hbm>>
      %dma_wait3A_57 = arith.constant 0 : i32
      %dma_wait3A_58 = tpu.memref_slice %arg3[%run_scoped3A_26, %add3A_24, %dma_wait3A_57] : memref<2x2560x128xi32, #tpu.memory_space<hbm>> -> memref<1x40x128xi32, #tpu.memory_space<hbm>>
      %dma_wait3A_59 = tpu.memref_squeeze %dma_wait3A_58 : memref<1x40x128xi32, #tpu.memory_space<hbm>> -> memref<40x128xi32, #tpu.memory_space<hbm>>
      tpu.wait_dma2 semaphore(%run_scoped3A_48 : memref<!tpu.dma_semaphore, #tpu.memory_space<semaphore_mem>>) src(%dma_wait3A_59 : memref<40x128xi32, #tpu.memory_space<hbm>>) dst(%arg7 : memref<40x128xi32, #tpu.memory_space<vmem>>)
      tpu.yield
    }) : () -> ()
    %dma_start3A_27 = arith.constant 0 : i32
    %dma_start3A_28 = arith.constant 0 : i32
    %dma_start3A_29 = tpu.memref_slice %arg6[%dma_start3A_27, %dma_start3A_28] : memref<40x128xi32, #tpu.memory_space<vmem>> -> memref<1x128xi32, #tpu.memory_space<vmem>>
    %dma_start3A_30 = tpu.memref_squeeze %dma_start3A_29 : memref<1x128xi32, #tpu.memory_space<vmem>> -> memref<128xi32, #tpu.memory_space<vmem>>
    %dma_start3A_31 = arith.constant 0 : i32
    %dma_start3A_32 = arith.constant 0 : i32
    %dma_start3A_33 = tpu.memref_slice %arg2[%dma_start3A_31, %dma_start3A_32] : memref<10112x128xf32, #tpu.memory_space<hbm>> -> memref<10112x128xf32, #tpu.memory_space<hbm>>
    tpu.enqueue_indirect_dma source(%dma_start3A_33 : memref<10112x128xf32, #tpu.memory_space<hbm>>) target(%arg8 : memref<128x128xf32, #tpu.memory_space<vmem>>) offsets(%dma_start3A_30 : memref<128xi32, #tpu.memory_space<vmem>>) semaphore(%arg11 : memref<!tpu.dma_semaphore, #tpu.memory_space<semaphore_mem>>)
    %scan3A_34 = arith.constant 0 : i32
    %scan3A_35 = arith.constant 0 : i32
    %scan3A_36 = arith.constant 20 : i32
    %scan3A_37 = arith.addi %scan3A_35, %scan3A_36 : i32
    %scan3A_38 = arith.constant 1 : i32
    scf.for %scan3A_48 = %scan3A_35 to %scan3A_37 step %scan3A_38  : i32 {
      %mul3A_49 = arith.constant 2 : i32
      %mul3A_50 = arith.muli %mul3A_49, %scan3A_48 : i32
      %add3A_51 = arith.constant 1 : i32
      %add3A_52 = arith.addi %mul3A_50, %add3A_51 : i32
      %dma_start3A_53 = arith.constant 0 : i32
      %dma_start3A_54 = tpu.memref_slice %arg6[%add3A_52, %dma_start3A_53] : memref<40x128xi32, #tpu.memory_space<vmem>> -> memref<1x128xi32, #tpu.memory_space<vmem>>
      %dma_start3A_55 = tpu.memref_squeeze %dma_start3A_54 : memref<1x128xi32, #tpu.memory_space<vmem>> -> memref<128xi32, #tpu.memory_space<vmem>>
      %dma_start3A_56 = arith.constant 0 : i32
      %dma_start3A_57 = arith.constant 0 : i32
      %dma_start3A_58 = tpu.memref_slice %arg2[%dma_start3A_56, %dma_start3A_57] : memref<10112x128xf32, #tpu.memory_space<hbm>> -> memref<10112x128xf32, #tpu.memory_space<hbm>>
      tpu.enqueue_indirect_dma source(%dma_start3A_58 : memref<10112x128xf32, #tpu.memory_space<hbm>>) target(%arg9 : memref<128x128xf32, #tpu.memory_space<vmem>>) offsets(%dma_start3A_55 : memref<128xi32, #tpu.memory_space<vmem>>) semaphore(%arg12 : memref<!tpu.dma_semaphore, #tpu.memory_space<semaphore_mem>>)
      %dma_wait3A = arith.constant 0 : i32
      %dma_wait3A_59 = tpu.memref_slice %arg6[%mul3A_50, %dma_wait3A] : memref<40x128xi32, #tpu.memory_space<vmem>> -> memref<1x128xi32, #tpu.memory_space<vmem>>
      %dma_wait3A_60 = tpu.memref_squeeze %dma_wait3A_59 : memref<1x128xi32, #tpu.memory_space<vmem>> -> memref<128xi32, #tpu.memory_space<vmem>>
      %dma_wait3A_61 = arith.constant 0 : i32
      %dma_wait3A_62 = arith.constant 0 : i32
      %dma_wait3A_63 = tpu.memref_slice %arg2[%dma_wait3A_61, %dma_wait3A_62] : memref<10112x128xf32, #tpu.memory_space<hbm>> -> memref<10112x128xf32, #tpu.memory_space<hbm>>
      tpu.wait_indirect_dma semaphore(%arg11 : memref<!tpu.dma_semaphore, #tpu.memory_space<semaphore_mem>>) src(%dma_wait3A_63 : memref<10112x128xf32, #tpu.memory_space<hbm>>) dst(%arg8 : memref<128x128xf32, #tpu.memory_space<vmem>>)
      "tpu.region"() ({
        %run_scoped3A_80 = tpu.sem_alloc : memref<!tpu.dma_semaphore, #tpu.memory_space<semaphore_mem>>
        %dma_start3A_81 = arith.constant 0 : i32
        %dma_start3A_82 = tpu.memref_slice %arg7[%mul3A_50, %dma_start3A_81] : memref<40x128xi32, #tpu.memory_space<vmem>> -> memref<1x128xi32, #tpu.memory_space<vmem>>
        %dma_start3A_83 = tpu.memref_squeeze %dma_start3A_82 : memref<1x128xi32, #tpu.memory_space<vmem>> -> memref<128xi32, #tpu.memory_space<vmem>>
        %dma_start3A_84 = arith.constant 0 : i32
        %dma_start3A_85 = arith.constant 0 : i32
        %dma_start3A_86 = tpu.memref_slice %arg10[%dma_start3A_84, %dma_start3A_85] : memref<10112x128xf32, #tpu.memory_space<vmem_shared>> -> memref<10112x128xf32, #tpu.memory_space<vmem_shared>>
        tpu.enqueue_indirect_dma source(%arg8 : memref<128x128xf32, #tpu.memory_space<vmem>>) target(%dma_start3A_86 : memref<10112x128xf32, #tpu.memory_space<vmem_shared>>) offsets(%dma_start3A_83 : memref<128xi32, #tpu.memory_space<vmem>>) semaphore(%run_scoped3A_80 : memref<!tpu.dma_semaphore, #tpu.memory_space<semaphore_mem>>) {add = true}
        %dma_wait3A_87 = arith.constant 0 : i32
        %dma_wait3A_88 = tpu.memref_slice %arg7[%mul3A_50, %dma_wait3A_87] : memref<40x128xi32, #tpu.memory_space<vmem>> -> memref<1x128xi32, #tpu.memory_space<vmem>>
        %dma_wait3A_89 = tpu.memref_squeeze %dma_wait3A_88 : memref<1x128xi32, #tpu.memory_space<vmem>> -> memref<128xi32, #tpu.memory_space<vmem>>
        %dma_wait3A_90 = arith.constant 0 : i32
        %dma_wait3A_91 = arith.constant 0 : i32
        %dma_wait3A_92 = tpu.memref_slice %arg10[%dma_wait3A_90, %dma_wait3A_91] : memref<10112x128xf32, #tpu.memory_space<vmem_shared>> -> memref<10112x128xf32, #tpu.memory_space<vmem_shared>>
        tpu.wait_indirect_dma semaphore(%run_scoped3A_80 : memref<!tpu.dma_semaphore, #tpu.memory_space<semaphore_mem>>) src(%arg8 : memref<128x128xf32, #tpu.memory_space<vmem>>) dst(%dma_wait3A_92 : memref<10112x128xf32, #tpu.memory_space<vmem_shared>>)
        tpu.yield
      }) : () -> ()
      %add3A_64 = arith.constant 2 : i32
      %add3A_65 = arith.addi %mul3A_50, %add3A_64 : i32
      %lt3A = arith.constant 40 : i32
      %lt3A_66 = arith.cmpi slt, %add3A_65, %lt3A : i32
      %convert_element_type3A_67 = arith.extui %lt3A_66 : i1 to i32
      %cond3A_68 = arith.constant 0 : i32
      %cond3A_69 = arith.cmpi ne, %convert_element_type3A_67, %cond3A_68 : i32
      scf.if %cond3A_69 {
        %add3A_80 = arith.constant 2 : i32
        %add3A_81 = arith.addi %mul3A_50, %add3A_80 : i32
        %dma_start3A_82 = arith.constant 0 : i32
        %dma_start3A_83 = tpu.memref_slice %arg6[%add3A_81, %dma_start3A_82] : memref<40x128xi32, #tpu.memory_space<vmem>> -> memref<1x128xi32, #tpu.memory_space<vmem>>
        %dma_start3A_84 = tpu.memref_squeeze %dma_start3A_83 : memref<1x128xi32, #tpu.memory_space<vmem>> -> memref<128xi32, #tpu.memory_space<vmem>>
        %dma_start3A_85 = arith.constant 0 : i32
        %dma_start3A_86 = arith.constant 0 : i32
        %dma_start3A_87 = tpu.memref_slice %arg2[%dma_start3A_85, %dma_start3A_86] : memref<10112x128xf32, #tpu.memory_space<hbm>> -> memref<10112x128xf32, #tpu.memory_space<hbm>>
        tpu.enqueue_indirect_dma source(%dma_start3A_87 : memref<10112x128xf32, #tpu.memory_space<hbm>>) target(%arg8 : memref<128x128xf32, #tpu.memory_space<vmem>>) offsets(%dma_start3A_84 : memref<128xi32, #tpu.memory_space<vmem>>) semaphore(%arg11 : memref<!tpu.dma_semaphore, #tpu.memory_space<semaphore_mem>>)
      } else {
      }
      %add3A_70 = arith.constant 1 : i32
      %add3A_71 = arith.addi %mul3A_50, %add3A_70 : i32
      %dma_wait3A_72 = arith.constant 0 : i32
      %dma_wait3A_73 = tpu.memref_slice %arg6[%add3A_71, %dma_wait3A_72] : memref<40x128xi32, #tpu.memory_space<vmem>> -> memref<1x128xi32, #tpu.memory_space<vmem>>
      %dma_wait3A_74 = tpu.memref_squeeze %dma_wait3A_73 : memref<1x128xi32, #tpu.memory_space<vmem>> -> memref<128xi32, #tpu.memory_space<vmem>>
      %dma_wait3A_75 = arith.constant 0 : i32
      %dma_wait3A_76 = arith.constant 0 : i32
      %dma_wait3A_77 = tpu.memref_slice %arg2[%dma_wait3A_75, %dma_wait3A_76] : memref<10112x128xf32, #tpu.memory_space<hbm>> -> memref<10112x128xf32, #tpu.memory_space<hbm>>
      tpu.wait_indirect_dma semaphore(%arg12 : memref<!tpu.dma_semaphore, #tpu.memory_space<semaphore_mem>>) src(%dma_wait3A_77 : memref<10112x128xf32, #tpu.memory_space<hbm>>) dst(%arg9 : memref<128x128xf32, #tpu.memory_space<vmem>>)
      %add3A_78 = arith.constant 1 : i32
      %add3A_79 = arith.addi %mul3A_50, %add3A_78 : i32
      "tpu.region"() ({
        %run_scoped3A_80 = tpu.sem_alloc : memref<!tpu.dma_semaphore, #tpu.memory_space<semaphore_mem>>
        %dma_start3A_81 = arith.constant 0 : i32
        %dma_start3A_82 = tpu.memref_slice %arg7[%add3A_79, %dma_start3A_81] : memref<40x128xi32, #tpu.memory_space<vmem>> -> memref<1x128xi32, #tpu.memory_space<vmem>>
        %dma_start3A_83 = tpu.memref_squeeze %dma_start3A_82 : memref<1x128xi32, #tpu.memory_space<vmem>> -> memref<128xi32, #tpu.memory_space<vmem>>
        %dma_start3A_84 = arith.constant 0 : i32
        %dma_start3A_85 = arith.constant 0 : i32
        %dma_start3A_86 = tpu.memref_slice %arg10[%dma_start3A_84, %dma_start3A_85] : memref<10112x128xf32, #tpu.memory_space<vmem_shared>> -> memref<10112x128xf32, #tpu.memory_space<vmem_shared>>
        tpu.enqueue_indirect_dma source(%arg9 : memref<128x128xf32, #tpu.memory_space<vmem>>) target(%dma_start3A_86 : memref<10112x128xf32, #tpu.memory_space<vmem_shared>>) offsets(%dma_start3A_83 : memref<128xi32, #tpu.memory_space<vmem>>) semaphore(%run_scoped3A_80 : memref<!tpu.dma_semaphore, #tpu.memory_space<semaphore_mem>>) {add = true}
        %dma_wait3A_87 = arith.constant 0 : i32
        %dma_wait3A_88 = tpu.memref_slice %arg7[%add3A_79, %dma_wait3A_87] : memref<40x128xi32, #tpu.memory_space<vmem>> -> memref<1x128xi32, #tpu.memory_space<vmem>>
        %dma_wait3A_89 = tpu.memref_squeeze %dma_wait3A_88 : memref<1x128xi32, #tpu.memory_space<vmem>> -> memref<128xi32, #tpu.memory_space<vmem>>
        %dma_wait3A_90 = arith.constant 0 : i32
        %dma_wait3A_91 = arith.constant 0 : i32
        %dma_wait3A_92 = tpu.memref_slice %arg10[%dma_wait3A_90, %dma_wait3A_91] : memref<10112x128xf32, #tpu.memory_space<vmem_shared>> -> memref<10112x128xf32, #tpu.memory_space<vmem_shared>>
        tpu.wait_indirect_dma semaphore(%run_scoped3A_80 : memref<!tpu.dma_semaphore, #tpu.memory_space<semaphore_mem>>) src(%arg9 : memref<128x128xf32, #tpu.memory_space<vmem>>) dst(%dma_wait3A_92 : memref<10112x128xf32, #tpu.memory_space<vmem_shared>>)
        tpu.yield
      }) : () -> ()
    }
    %scan3A_39 = arith.constant 20 : i32
    %barrier3A_40 = arith.constant 0 : index
    tpu.barrier barrier_id(%barrier3A_40)
    %eq3A = arith.constant 0 : i32
    %eq3A_41 = arith.cmpi eq, %arg0, %eq3A : i32
    %convert_element_type3A = arith.extui %eq3A_41 : i1 to i32
    %cond3A = arith.constant 0 : i32
    %cond3A_42 = arith.cmpi ne, %convert_element_type3A, %cond3A : i32
    scf.if %cond3A_42 {
      %mul3A_48 = arith.constant 632 : i32
      %mul3A_49 = arith.muli %arg1, %mul3A_48 : i32
      %mul3A_50 = arith.constant 632 : i32
      %mul3A_51 = arith.muli %arg1, %mul3A_50 : i32
      "tpu.region"() ({
        %run_scoped3A_52 = tpu.sem_alloc : memref<!tpu.dma_semaphore, #tpu.memory_space<semaphore_mem>>
        %dma_start3A_53 = arith.constant 0 : i32
        %dma_start3A_54 = tpu.memref_slice %arg4[%mul3A_51, %dma_start3A_53] : memref<10112x128xf32, #tpu.memory_space<hbm>> -> memref<632x128xf32, #tpu.memory_space<hbm>>
        %dma_start3A_55 = arith.constant 0 : i32
        %dma_start3A_56 = tpu.memref_slice %arg10[%mul3A_49, %dma_start3A_55] : memref<10112x128xf32, #tpu.memory_space<vmem_shared>> -> memref<632x128xf32, #tpu.memory_space<vmem_shared>>
        tpu.enqueue_dma source(%dma_start3A_56 : memref<632x128xf32, #tpu.memory_space<vmem_shared>>) target(%dma_start3A_54 : memref<632x128xf32, #tpu.memory_space<hbm>>) target_semaphore(%run_scoped3A_52 : memref<!tpu.dma_semaphore, #tpu.memory_space<semaphore_mem>>)
        %dma_wait3A = arith.constant 0 : i32
        %dma_wait3A_57 = tpu.memref_slice %arg4[%mul3A_51, %dma_wait3A] : memref<10112x128xf32, #tpu.memory_space<hbm>> -> memref<632x128xf32, #tpu.memory_space<hbm>>
        %dma_wait3A_58 = arith.constant 0 : i32
        %dma_wait3A_59 = tpu.memref_slice %arg10[%mul3A_49, %dma_wait3A_58] : memref<10112x128xf32, #tpu.memory_space<vmem_shared>> -> memref<632x128xf32, #tpu.memory_space<vmem_shared>>
        tpu.wait_dma2 semaphore(%run_scoped3A_52 : memref<!tpu.dma_semaphore, #tpu.memory_space<semaphore_mem>>) src(%dma_wait3A_59 : memref<632x128xf32, #tpu.memory_space<vmem_shared>>) dst(%dma_wait3A_57 : memref<632x128xf32, #tpu.memory_space<hbm>>)
        tpu.yield
      }) : () -> ()
    } else {
    }
    %eq3A_43 = arith.constant 1 : i32
    %eq3A_44 = arith.cmpi eq, %arg0, %eq3A_43 : i32
    %convert_element_type3A_45 = arith.extui %eq3A_44 : i1 to i32
    %cond3A_46 = arith.constant 0 : i32
    %cond3A_47 = arith.cmpi ne, %convert_element_type3A_45, %cond3A_46 : i32
    scf.if %cond3A_47 {
      %mul3A_48 = arith.constant 632 : i32
      %mul3A_49 = arith.muli %arg1, %mul3A_48 : i32
      %mul3A_50 = arith.constant 632 : i32
      %mul3A_51 = arith.muli %arg1, %mul3A_50 : i32
      "tpu.region"() ({
        %run_scoped3A_52 = tpu.sem_alloc : memref<!tpu.dma_semaphore, #tpu.memory_space<semaphore_mem>>
        %dma_start3A_53 = arith.constant 0 : i32
        %dma_start3A_54 = tpu.memref_slice %arg5[%mul3A_51, %dma_start3A_53] : memref<10112x128xf32, #tpu.memory_space<hbm>> -> memref<632x128xf32, #tpu.memory_space<hbm>>
        %dma_start3A_55 = arith.constant 0 : i32
        %dma_start3A_56 = tpu.memref_slice %arg10[%mul3A_49, %dma_start3A_55] : memref<10112x128xf32, #tpu.memory_space<vmem_shared>> -> memref<632x128xf32, #tpu.memory_space<vmem_shared>>
        tpu.enqueue_dma source(%dma_start3A_56 : memref<632x128xf32, #tpu.memory_space<vmem_shared>>) target(%dma_start3A_54 : memref<632x128xf32, #tpu.memory_space<hbm>>) target_semaphore(%run_scoped3A_52 : memref<!tpu.dma_semaphore, #tpu.memory_space<semaphore_mem>>)
        %dma_wait3A = arith.constant 0 : i32
        %dma_wait3A_57 = tpu.memref_slice %arg5[%mul3A_51, %dma_wait3A] : memref<10112x128xf32, #tpu.memory_space<hbm>> -> memref<632x128xf32, #tpu.memory_space<hbm>>
        %dma_wait3A_58 = arith.constant 0 : i32
        %dma_wait3A_59 = tpu.memref_slice %arg10[%mul3A_49, %dma_wait3A_58] : memref<10112x128xf32, #tpu.memory_space<vmem_shared>> -> memref<632x128xf32, #tpu.memory_space<vmem_shared>>
        tpu.wait_dma2 semaphore(%run_scoped3A_52 : memref<!tpu.dma_semaphore, #tpu.memory_space<semaphore_mem>>) src(%dma_wait3A_59 : memref<632x128xf32, #tpu.memory_space<vmem_shared>>) dst(%dma_wait3A_57 : memref<632x128xf32, #tpu.memory_space<hbm>>)
        tpu.yield
      }) : () -> ()
    } else {
    }
    return
  }
}

#map = affine_map<(d0, d1) -> (0, 0, 0)>
#map1 = affine_map<(d0, d1) -> (0, 0)>
module attributes {stable_mosaic.version = 14 : i64} {
  func.func @degree(%arg0: i32, %arg1: i32, %arg2: memref<2x320x1024xi32, #tpu.memory_space<hbm>>, %arg3: memref<1024x16xf32, #tpu.memory_space<hbm>>, %arg4: memref<10112x16xf32, #tpu.memory_space<hbm>>, %arg5: memref<10112x16xf32, #tpu.memory_space<hbm>>, %arg6: memref<10112x16xf32, #tpu.memory_space<hbm>>, %arg7: memref<10x1024xi32, #tpu.memory_space<vmem>>, %arg8: memref<1024x16xf32, #tpu.memory_space<vmem>>, %arg9: memref<10112x16xf32, #tpu.memory_space<vmem_shared>>, %arg10: memref<!tpu.dma_semaphore, #tpu.memory_space<semaphore_mem>>) attributes {dimension_semantics = [#tpu.dimension_semantics<core_parallel>, #tpu.dimension_semantics<subcore_parallel>], iteration_bounds = array<i64: 2, 16>, scalar_prefetch = 0 : i64, scratch_operands = 4 : i64, tpu.core_type = #tpu.core_type<sc_vector_subcore>, window_params = [{transform_indices = #map}, {transform_indices = #map1}, {transform_indices = #map1}, {transform_indices = #map1}, {transform_indices = #map1}]} {
    %mul3A = arith.constant 16 : i32
    %mul3A_0 = arith.muli %arg0, %mul3A : i32
    %add3A = arith.addi %mul3A_0, %arg1 : i32
    %mul3A_1 = arith.constant 632 : i32
    %mul3A_2 = arith.muli %arg1, %mul3A_1 : i32
    %mul3A_3 = arith.constant 632 : i32
    %mul3A_4 = arith.muli %arg1, %mul3A_3 : i32
    "tpu.region"() ({
      %run_scoped3A_20 = tpu.sem_alloc : memref<!tpu.dma_semaphore, #tpu.memory_space<semaphore_mem>>
      %dma_start3A = arith.constant 0 : i32
      %dma_start3A_21 = tpu.memref_slice %arg9[%mul3A_4, %dma_start3A] : memref<10112x16xf32, #tpu.memory_space<vmem_shared>> -> memref<632x16xf32, #tpu.memory_space<vmem_shared>>
      %dma_start3A_22 = arith.constant 0 : i32
      %dma_start3A_23 = tpu.memref_slice %arg4[%mul3A_2, %dma_start3A_22] : memref<10112x16xf32, #tpu.memory_space<hbm>> -> memref<632x16xf32, #tpu.memory_space<hbm>>
      tpu.enqueue_dma source(%dma_start3A_23 : memref<632x16xf32, #tpu.memory_space<hbm>>) target(%dma_start3A_21 : memref<632x16xf32, #tpu.memory_space<vmem_shared>>) target_semaphore(%run_scoped3A_20 : memref<!tpu.dma_semaphore, #tpu.memory_space<semaphore_mem>>)
      %dma_wait3A = arith.constant 0 : i32
      %dma_wait3A_24 = tpu.memref_slice %arg9[%mul3A_4, %dma_wait3A] : memref<10112x16xf32, #tpu.memory_space<vmem_shared>> -> memref<632x16xf32, #tpu.memory_space<vmem_shared>>
      %dma_wait3A_25 = arith.constant 0 : i32
      %dma_wait3A_26 = tpu.memref_slice %arg4[%mul3A_2, %dma_wait3A_25] : memref<10112x16xf32, #tpu.memory_space<hbm>> -> memref<632x16xf32, #tpu.memory_space<hbm>>
      tpu.wait_dma2 semaphore(%run_scoped3A_20 : memref<!tpu.dma_semaphore, #tpu.memory_space<semaphore_mem>>) src(%dma_wait3A_26 : memref<632x16xf32, #tpu.memory_space<hbm>>) dst(%dma_wait3A_24 : memref<632x16xf32, #tpu.memory_space<vmem_shared>>)
      tpu.yield
    }) : () -> ()
    "tpu.region"() ({
      %run_scoped3A_20 = tpu.sem_alloc : memref<!tpu.dma_semaphore, #tpu.memory_space<semaphore_mem>>
      tpu.enqueue_dma source(%arg3 : memref<1024x16xf32, #tpu.memory_space<hbm>>) target(%arg8 : memref<1024x16xf32, #tpu.memory_space<vmem>>) target_semaphore(%run_scoped3A_20 : memref<!tpu.dma_semaphore, #tpu.memory_space<semaphore_mem>>)
      tpu.wait_dma2 semaphore(%run_scoped3A_20 : memref<!tpu.dma_semaphore, #tpu.memory_space<semaphore_mem>>) src(%arg3 : memref<1024x16xf32, #tpu.memory_space<hbm>>) dst(%arg8 : memref<1024x16xf32, #tpu.memory_space<vmem>>)
      tpu.yield
    }) : () -> ()
    %mul3A_5 = arith.constant 10 : i32
    %mul3A_6 = arith.muli %add3A, %mul3A_5 : i32
    %run_scoped3A = arith.constant 1 : i32
    "tpu.region"() ({
      %run_scoped3A_20 = tpu.sem_alloc : memref<!tpu.dma_semaphore, #tpu.memory_space<semaphore_mem>>
      %dma_start3A = arith.constant 0 : i32
      %dma_start3A_21 = tpu.memref_slice %arg2[%run_scoped3A, %mul3A_6, %dma_start3A] : memref<2x320x1024xi32, #tpu.memory_space<hbm>> -> memref<1x10x1024xi32, #tpu.memory_space<hbm>>
      %dma_start3A_22 = tpu.memref_squeeze %dma_start3A_21 : memref<1x10x1024xi32, #tpu.memory_space<hbm>> -> memref<10x1024xi32, #tpu.memory_space<hbm>>
      %dma_start3A_23 = arith.constant 0 : i32
      %dma_start3A_24 = tpu.memref_slice %arg2[%run_scoped3A, %mul3A_6, %dma_start3A_23] : memref<2x320x1024xi32, #tpu.memory_space<hbm>> -> memref<1x10x1024xi32, #tpu.memory_space<hbm>>
      %dma_start3A_25 = tpu.memref_squeeze %dma_start3A_24 : memref<1x10x1024xi32, #tpu.memory_space<hbm>> -> memref<10x1024xi32, #tpu.memory_space<hbm>>
      tpu.enqueue_dma source(%dma_start3A_25 : memref<10x1024xi32, #tpu.memory_space<hbm>>) target(%arg7 : memref<10x1024xi32, #tpu.memory_space<vmem>>) target_semaphore(%run_scoped3A_20 : memref<!tpu.dma_semaphore, #tpu.memory_space<semaphore_mem>>)
      %dma_wait3A = arith.constant 0 : i32
      %dma_wait3A_26 = tpu.memref_slice %arg2[%run_scoped3A, %mul3A_6, %dma_wait3A] : memref<2x320x1024xi32, #tpu.memory_space<hbm>> -> memref<1x10x1024xi32, #tpu.memory_space<hbm>>
      %dma_wait3A_27 = tpu.memref_squeeze %dma_wait3A_26 : memref<1x10x1024xi32, #tpu.memory_space<hbm>> -> memref<10x1024xi32, #tpu.memory_space<hbm>>
      %dma_wait3A_28 = arith.constant 0 : i32
      %dma_wait3A_29 = tpu.memref_slice %arg2[%run_scoped3A, %mul3A_6, %dma_wait3A_28] : memref<2x320x1024xi32, #tpu.memory_space<hbm>> -> memref<1x10x1024xi32, #tpu.memory_space<hbm>>
      %dma_wait3A_30 = tpu.memref_squeeze %dma_wait3A_29 : memref<1x10x1024xi32, #tpu.memory_space<hbm>> -> memref<10x1024xi32, #tpu.memory_space<hbm>>
      tpu.wait_dma2 semaphore(%run_scoped3A_20 : memref<!tpu.dma_semaphore, #tpu.memory_space<semaphore_mem>>) src(%dma_wait3A_30 : memref<10x1024xi32, #tpu.memory_space<hbm>>) dst(%arg7 : memref<10x1024xi32, #tpu.memory_space<vmem>>)
      tpu.yield
    }) : () -> ()
    %barrier3A = arith.constant 0 : index
    tpu.barrier barrier_id(%barrier3A)
    %scan3A = arith.constant 0 : i32
    %scan3A_7 = arith.constant 0 : i32
    %scan3A_8 = arith.constant 10 : i32
    %scan3A_9 = arith.addi %scan3A_7, %scan3A_8 : i32
    %scan3A_10 = arith.constant 1 : i32
    scf.for %scan3A_20 = %scan3A_7 to %scan3A_9 step %scan3A_10  : i32 {
      "tpu.region"() ({
        %run_scoped3A_21 = tpu.sem_alloc : memref<!tpu.dma_semaphore, #tpu.memory_space<semaphore_mem>>
        %dma_start3A = arith.constant 0 : i32
        %dma_start3A_22 = tpu.memref_slice %arg7[%scan3A_20, %dma_start3A] : memref<10x1024xi32, #tpu.memory_space<vmem>> -> memref<1x1024xi32, #tpu.memory_space<vmem>>
        %dma_start3A_23 = tpu.memref_squeeze %dma_start3A_22 : memref<1x1024xi32, #tpu.memory_space<vmem>> -> memref<1024xi32, #tpu.memory_space<vmem>>
        %dma_start3A_24 = arith.constant 0 : i32
        %dma_start3A_25 = arith.constant 0 : i32
        %dma_start3A_26 = tpu.memref_slice %arg9[%dma_start3A_24, %dma_start3A_25] : memref<10112x16xf32, #tpu.memory_space<vmem_shared>> -> memref<10112x16xf32, #tpu.memory_space<vmem_shared>>
        tpu.enqueue_indirect_dma source(%arg8 : memref<1024x16xf32, #tpu.memory_space<vmem>>) target(%dma_start3A_26 : memref<10112x16xf32, #tpu.memory_space<vmem_shared>>) offsets(%dma_start3A_23 : memref<1024xi32, #tpu.memory_space<vmem>>) semaphore(%run_scoped3A_21 : memref<!tpu.dma_semaphore, #tpu.memory_space<semaphore_mem>>) {add = true}
        %dma_wait3A = arith.constant 0 : i32
        %dma_wait3A_27 = tpu.memref_slice %arg7[%scan3A_20, %dma_wait3A] : memref<10x1024xi32, #tpu.memory_space<vmem>> -> memref<1x1024xi32, #tpu.memory_space<vmem>>
        %dma_wait3A_28 = tpu.memref_squeeze %dma_wait3A_27 : memref<1x1024xi32, #tpu.memory_space<vmem>> -> memref<1024xi32, #tpu.memory_space<vmem>>
        %dma_wait3A_29 = arith.constant 0 : i32
        %dma_wait3A_30 = arith.constant 0 : i32
        %dma_wait3A_31 = tpu.memref_slice %arg9[%dma_wait3A_29, %dma_wait3A_30] : memref<10112x16xf32, #tpu.memory_space<vmem_shared>> -> memref<10112x16xf32, #tpu.memory_space<vmem_shared>>
        tpu.wait_indirect_dma semaphore(%run_scoped3A_21 : memref<!tpu.dma_semaphore, #tpu.memory_space<semaphore_mem>>) src(%arg8 : memref<1024x16xf32, #tpu.memory_space<vmem>>) dst(%dma_wait3A_31 : memref<10112x16xf32, #tpu.memory_space<vmem_shared>>)
        tpu.yield
      }) : () -> ()
    }
    %scan3A_11 = arith.constant 10 : i32
    %barrier3A_12 = arith.constant 0 : index
    tpu.barrier barrier_id(%barrier3A_12)
    %eq3A = arith.constant 0 : i32
    %eq3A_13 = arith.cmpi eq, %arg0, %eq3A : i32
    %convert_element_type3A = arith.extui %eq3A_13 : i1 to i32
    %cond3A = arith.constant 0 : i32
    %cond3A_14 = arith.cmpi ne, %convert_element_type3A, %cond3A : i32
    scf.if %cond3A_14 {
      %mul3A_20 = arith.constant 632 : i32
      %mul3A_21 = arith.muli %arg1, %mul3A_20 : i32
      %mul3A_22 = arith.constant 632 : i32
      %mul3A_23 = arith.muli %arg1, %mul3A_22 : i32
      "tpu.region"() ({
        %run_scoped3A_24 = tpu.sem_alloc : memref<!tpu.dma_semaphore, #tpu.memory_space<semaphore_mem>>
        %dma_start3A = arith.constant 0 : i32
        %dma_start3A_25 = tpu.memref_slice %arg5[%mul3A_23, %dma_start3A] : memref<10112x16xf32, #tpu.memory_space<hbm>> -> memref<632x16xf32, #tpu.memory_space<hbm>>
        %dma_start3A_26 = arith.constant 0 : i32
        %dma_start3A_27 = tpu.memref_slice %arg9[%mul3A_21, %dma_start3A_26] : memref<10112x16xf32, #tpu.memory_space<vmem_shared>> -> memref<632x16xf32, #tpu.memory_space<vmem_shared>>
        tpu.enqueue_dma source(%dma_start3A_27 : memref<632x16xf32, #tpu.memory_space<vmem_shared>>) target(%dma_start3A_25 : memref<632x16xf32, #tpu.memory_space<hbm>>) target_semaphore(%run_scoped3A_24 : memref<!tpu.dma_semaphore, #tpu.memory_space<semaphore_mem>>)
        %dma_wait3A = arith.constant 0 : i32
        %dma_wait3A_28 = tpu.memref_slice %arg5[%mul3A_23, %dma_wait3A] : memref<10112x16xf32, #tpu.memory_space<hbm>> -> memref<632x16xf32, #tpu.memory_space<hbm>>
        %dma_wait3A_29 = arith.constant 0 : i32
        %dma_wait3A_30 = tpu.memref_slice %arg9[%mul3A_21, %dma_wait3A_29] : memref<10112x16xf32, #tpu.memory_space<vmem_shared>> -> memref<632x16xf32, #tpu.memory_space<vmem_shared>>
        tpu.wait_dma2 semaphore(%run_scoped3A_24 : memref<!tpu.dma_semaphore, #tpu.memory_space<semaphore_mem>>) src(%dma_wait3A_30 : memref<632x16xf32, #tpu.memory_space<vmem_shared>>) dst(%dma_wait3A_28 : memref<632x16xf32, #tpu.memory_space<hbm>>)
        tpu.yield
      }) : () -> ()
    } else {
    }
    %eq3A_15 = arith.constant 1 : i32
    %eq3A_16 = arith.cmpi eq, %arg0, %eq3A_15 : i32
    %convert_element_type3A_17 = arith.extui %eq3A_16 : i1 to i32
    %cond3A_18 = arith.constant 0 : i32
    %cond3A_19 = arith.cmpi ne, %convert_element_type3A_17, %cond3A_18 : i32
    scf.if %cond3A_19 {
      %mul3A_20 = arith.constant 632 : i32
      %mul3A_21 = arith.muli %arg1, %mul3A_20 : i32
      %mul3A_22 = arith.constant 632 : i32
      %mul3A_23 = arith.muli %arg1, %mul3A_22 : i32
      "tpu.region"() ({
        %run_scoped3A_24 = tpu.sem_alloc : memref<!tpu.dma_semaphore, #tpu.memory_space<semaphore_mem>>
        %dma_start3A = arith.constant 0 : i32
        %dma_start3A_25 = tpu.memref_slice %arg6[%mul3A_23, %dma_start3A] : memref<10112x16xf32, #tpu.memory_space<hbm>> -> memref<632x16xf32, #tpu.memory_space<hbm>>
        %dma_start3A_26 = arith.constant 0 : i32
        %dma_start3A_27 = tpu.memref_slice %arg9[%mul3A_21, %dma_start3A_26] : memref<10112x16xf32, #tpu.memory_space<vmem_shared>> -> memref<632x16xf32, #tpu.memory_space<vmem_shared>>
        tpu.enqueue_dma source(%dma_start3A_27 : memref<632x16xf32, #tpu.memory_space<vmem_shared>>) target(%dma_start3A_25 : memref<632x16xf32, #tpu.memory_space<hbm>>) target_semaphore(%run_scoped3A_24 : memref<!tpu.dma_semaphore, #tpu.memory_space<semaphore_mem>>)
        %dma_wait3A = arith.constant 0 : i32
        %dma_wait3A_28 = tpu.memref_slice %arg6[%mul3A_23, %dma_wait3A] : memref<10112x16xf32, #tpu.memory_space<hbm>> -> memref<632x16xf32, #tpu.memory_space<hbm>>
        %dma_wait3A_29 = arith.constant 0 : i32
        %dma_wait3A_30 = tpu.memref_slice %arg9[%mul3A_21, %dma_wait3A_29] : memref<10112x16xf32, #tpu.memory_space<vmem_shared>> -> memref<632x16xf32, #tpu.memory_space<vmem_shared>>
        tpu.wait_dma2 semaphore(%run_scoped3A_24 : memref<!tpu.dma_semaphore, #tpu.memory_space<semaphore_mem>>) src(%dma_wait3A_30 : memref<632x16xf32, #tpu.memory_space<vmem_shared>>) dst(%dma_wait3A_28 : memref<632x16xf32, #tpu.memory_space<hbm>>)
        tpu.yield
      }) : () -> ()
    } else {
    }
    return
  }
}

#map = affine_map<(d0, d1) -> (0, 0)>
#map1 = affine_map<(d0, d1) -> (0, 0, 0)>
module attributes {stable_mosaic.version = 14 : i64} {
  func.func @propagate(%arg0: i32, %arg1: i32, %arg2: memref<10112x16xf32, #tpu.memory_space<hbm>>, %arg3: memref<2x320x1024xi32, #tpu.memory_space<hbm>>, %arg4: memref<10112x16xf32, #tpu.memory_space<hbm>>, %arg5: memref<10112x16xf32, #tpu.memory_space<hbm>>, %arg6: memref<10x1024xi32, #tpu.memory_space<vmem>>, %arg7: memref<10x1024xi32, #tpu.memory_space<vmem>>, %arg8: memref<1024x16xf32, #tpu.memory_space<vmem>>, %arg9: memref<1024x16xf32, #tpu.memory_space<vmem>>, %arg10: memref<10112x16xf32, #tpu.memory_space<vmem_shared>>, %arg11: memref<10112x16xf32, #tpu.memory_space<vmem_shared>>, %arg12: memref<!tpu.dma_semaphore, #tpu.memory_space<semaphore_mem>>, %arg13: memref<!tpu.dma_semaphore, #tpu.memory_space<semaphore_mem>>) attributes {dimension_semantics = [#tpu.dimension_semantics<core_parallel>, #tpu.dimension_semantics<subcore_parallel>], iteration_bounds = array<i64: 2, 16>, scalar_prefetch = 0 : i64, scratch_operands = 8 : i64, tpu.core_type = #tpu.core_type<sc_vector_subcore>, window_params = [{transform_indices = #map}, {transform_indices = #map1}, {transform_indices = #map}, {transform_indices = #map}]} {
    %mul3A = arith.constant 16 : i32
    %mul3A_0 = arith.muli %arg0, %mul3A : i32
    %add3A = arith.addi %mul3A_0, %arg1 : i32
    %mul3A_1 = arith.constant 632 : i32
    %mul3A_2 = arith.muli %arg1, %mul3A_1 : i32
    %mul3A_3 = arith.constant 632 : i32
    %mul3A_4 = arith.muli %arg1, %mul3A_3 : i32
    "tpu.region"() ({
      %run_scoped3A_33 = tpu.sem_alloc : memref<!tpu.dma_semaphore, #tpu.memory_space<semaphore_mem>>
      %dma_start3A_34 = arith.constant 0 : i32
      %dma_start3A_35 = tpu.memref_slice %arg10[%mul3A_4, %dma_start3A_34] : memref<10112x16xf32, #tpu.memory_space<vmem_shared>> -> memref<632x16xf32, #tpu.memory_space<vmem_shared>>
      %dma_start3A_36 = arith.constant 0 : i32
      %dma_start3A_37 = tpu.memref_slice %arg2[%mul3A_2, %dma_start3A_36] : memref<10112x16xf32, #tpu.memory_space<hbm>> -> memref<632x16xf32, #tpu.memory_space<hbm>>
      tpu.enqueue_dma source(%dma_start3A_37 : memref<632x16xf32, #tpu.memory_space<hbm>>) target(%dma_start3A_35 : memref<632x16xf32, #tpu.memory_space<vmem_shared>>) target_semaphore(%run_scoped3A_33 : memref<!tpu.dma_semaphore, #tpu.memory_space<semaphore_mem>>)
      %dma_wait3A = arith.constant 0 : i32
      %dma_wait3A_38 = tpu.memref_slice %arg10[%mul3A_4, %dma_wait3A] : memref<10112x16xf32, #tpu.memory_space<vmem_shared>> -> memref<632x16xf32, #tpu.memory_space<vmem_shared>>
      %dma_wait3A_39 = arith.constant 0 : i32
      %dma_wait3A_40 = tpu.memref_slice %arg2[%mul3A_2, %dma_wait3A_39] : memref<10112x16xf32, #tpu.memory_space<hbm>> -> memref<632x16xf32, #tpu.memory_space<hbm>>
      tpu.wait_dma2 semaphore(%run_scoped3A_33 : memref<!tpu.dma_semaphore, #tpu.memory_space<semaphore_mem>>) src(%dma_wait3A_40 : memref<632x16xf32, #tpu.memory_space<hbm>>) dst(%dma_wait3A_38 : memref<632x16xf32, #tpu.memory_space<vmem_shared>>)
      tpu.yield
    }) : () -> ()
    %mul3A_5 = arith.constant 632 : i32
    %mul3A_6 = arith.muli %arg1, %mul3A_5 : i32
    %mul3A_7 = arith.constant 632 : i32
    %mul3A_8 = arith.muli %arg1, %mul3A_7 : i32
    "tpu.region"() ({
      %run_scoped3A_33 = tpu.sem_alloc : memref<!tpu.dma_semaphore, #tpu.memory_space<semaphore_mem>>
      %dma_start3A_34 = arith.constant 0 : i32
      %dma_start3A_35 = tpu.memref_slice %arg11[%mul3A_8, %dma_start3A_34] : memref<10112x16xf32, #tpu.memory_space<vmem_shared>> -> memref<632x16xf32, #tpu.memory_space<vmem_shared>>
      %dma_start3A_36 = arith.constant 0 : i32
      %dma_start3A_37 = tpu.memref_slice %arg2[%mul3A_6, %dma_start3A_36] : memref<10112x16xf32, #tpu.memory_space<hbm>> -> memref<632x16xf32, #tpu.memory_space<hbm>>
      tpu.enqueue_dma source(%dma_start3A_37 : memref<632x16xf32, #tpu.memory_space<hbm>>) target(%dma_start3A_35 : memref<632x16xf32, #tpu.memory_space<vmem_shared>>) target_semaphore(%run_scoped3A_33 : memref<!tpu.dma_semaphore, #tpu.memory_space<semaphore_mem>>)
      %dma_wait3A = arith.constant 0 : i32
      %dma_wait3A_38 = tpu.memref_slice %arg11[%mul3A_8, %dma_wait3A] : memref<10112x16xf32, #tpu.memory_space<vmem_shared>> -> memref<632x16xf32, #tpu.memory_space<vmem_shared>>
      %dma_wait3A_39 = arith.constant 0 : i32
      %dma_wait3A_40 = tpu.memref_slice %arg2[%mul3A_6, %dma_wait3A_39] : memref<10112x16xf32, #tpu.memory_space<hbm>> -> memref<632x16xf32, #tpu.memory_space<hbm>>
      tpu.wait_dma2 semaphore(%run_scoped3A_33 : memref<!tpu.dma_semaphore, #tpu.memory_space<semaphore_mem>>) src(%dma_wait3A_40 : memref<632x16xf32, #tpu.memory_space<hbm>>) dst(%dma_wait3A_38 : memref<632x16xf32, #tpu.memory_space<vmem_shared>>)
      tpu.yield
    }) : () -> ()
    %mul3A_9 = arith.constant 10 : i32
    %mul3A_10 = arith.muli %add3A, %mul3A_9 : i32
    %run_scoped3A = arith.constant 0 : i32
    "tpu.region"() ({
      %run_scoped3A_33 = tpu.sem_alloc : memref<!tpu.dma_semaphore, #tpu.memory_space<semaphore_mem>>
      %dma_start3A_34 = arith.constant 0 : i32
      %dma_start3A_35 = tpu.memref_slice %arg3[%run_scoped3A, %mul3A_10, %dma_start3A_34] : memref<2x320x1024xi32, #tpu.memory_space<hbm>> -> memref<1x10x1024xi32, #tpu.memory_space<hbm>>
      %dma_start3A_36 = tpu.memref_squeeze %dma_start3A_35 : memref<1x10x1024xi32, #tpu.memory_space<hbm>> -> memref<10x1024xi32, #tpu.memory_space<hbm>>
      %dma_start3A_37 = arith.constant 0 : i32
      %dma_start3A_38 = tpu.memref_slice %arg3[%run_scoped3A, %mul3A_10, %dma_start3A_37] : memref<2x320x1024xi32, #tpu.memory_space<hbm>> -> memref<1x10x1024xi32, #tpu.memory_space<hbm>>
      %dma_start3A_39 = tpu.memref_squeeze %dma_start3A_38 : memref<1x10x1024xi32, #tpu.memory_space<hbm>> -> memref<10x1024xi32, #tpu.memory_space<hbm>>
      tpu.enqueue_dma source(%dma_start3A_39 : memref<10x1024xi32, #tpu.memory_space<hbm>>) target(%arg6 : memref<10x1024xi32, #tpu.memory_space<vmem>>) target_semaphore(%run_scoped3A_33 : memref<!tpu.dma_semaphore, #tpu.memory_space<semaphore_mem>>)
      %dma_wait3A = arith.constant 0 : i32
      %dma_wait3A_40 = tpu.memref_slice %arg3[%run_scoped3A, %mul3A_10, %dma_wait3A] : memref<2x320x1024xi32, #tpu.memory_space<hbm>> -> memref<1x10x1024xi32, #tpu.memory_space<hbm>>
      %dma_wait3A_41 = tpu.memref_squeeze %dma_wait3A_40 : memref<1x10x1024xi32, #tpu.memory_space<hbm>> -> memref<10x1024xi32, #tpu.memory_space<hbm>>
      %dma_wait3A_42 = arith.constant 0 : i32
      %dma_wait3A_43 = tpu.memref_slice %arg3[%run_scoped3A, %mul3A_10, %dma_wait3A_42] : memref<2x320x1024xi32, #tpu.memory_space<hbm>> -> memref<1x10x1024xi32, #tpu.memory_space<hbm>>
      %dma_wait3A_44 = tpu.memref_squeeze %dma_wait3A_43 : memref<1x10x1024xi32, #tpu.memory_space<hbm>> -> memref<10x1024xi32, #tpu.memory_space<hbm>>
      tpu.wait_dma2 semaphore(%run_scoped3A_33 : memref<!tpu.dma_semaphore, #tpu.memory_space<semaphore_mem>>) src(%dma_wait3A_44 : memref<10x1024xi32, #tpu.memory_space<hbm>>) dst(%arg6 : memref<10x1024xi32, #tpu.memory_space<vmem>>)
      tpu.yield
    }) : () -> ()
    %mul3A_11 = arith.constant 10 : i32
    %mul3A_12 = arith.muli %add3A, %mul3A_11 : i32
    %run_scoped3A_13 = arith.constant 1 : i32
    "tpu.region"() ({
      %run_scoped3A_33 = tpu.sem_alloc : memref<!tpu.dma_semaphore, #tpu.memory_space<semaphore_mem>>
      %dma_start3A_34 = arith.constant 0 : i32
      %dma_start3A_35 = tpu.memref_slice %arg3[%run_scoped3A_13, %mul3A_12, %dma_start3A_34] : memref<2x320x1024xi32, #tpu.memory_space<hbm>> -> memref<1x10x1024xi32, #tpu.memory_space<hbm>>
      %dma_start3A_36 = tpu.memref_squeeze %dma_start3A_35 : memref<1x10x1024xi32, #tpu.memory_space<hbm>> -> memref<10x1024xi32, #tpu.memory_space<hbm>>
      %dma_start3A_37 = arith.constant 0 : i32
      %dma_start3A_38 = tpu.memref_slice %arg3[%run_scoped3A_13, %mul3A_12, %dma_start3A_37] : memref<2x320x1024xi32, #tpu.memory_space<hbm>> -> memref<1x10x1024xi32, #tpu.memory_space<hbm>>
      %dma_start3A_39 = tpu.memref_squeeze %dma_start3A_38 : memref<1x10x1024xi32, #tpu.memory_space<hbm>> -> memref<10x1024xi32, #tpu.memory_space<hbm>>
      tpu.enqueue_dma source(%dma_start3A_39 : memref<10x1024xi32, #tpu.memory_space<hbm>>) target(%arg7 : memref<10x1024xi32, #tpu.memory_space<vmem>>) target_semaphore(%run_scoped3A_33 : memref<!tpu.dma_semaphore, #tpu.memory_space<semaphore_mem>>)
      %dma_wait3A = arith.constant 0 : i32
      %dma_wait3A_40 = tpu.memref_slice %arg3[%run_scoped3A_13, %mul3A_12, %dma_wait3A] : memref<2x320x1024xi32, #tpu.memory_space<hbm>> -> memref<1x10x1024xi32, #tpu.memory_space<hbm>>
      %dma_wait3A_41 = tpu.memref_squeeze %dma_wait3A_40 : memref<1x10x1024xi32, #tpu.memory_space<hbm>> -> memref<10x1024xi32, #tpu.memory_space<hbm>>
      %dma_wait3A_42 = arith.constant 0 : i32
      %dma_wait3A_43 = tpu.memref_slice %arg3[%run_scoped3A_13, %mul3A_12, %dma_wait3A_42] : memref<2x320x1024xi32, #tpu.memory_space<hbm>> -> memref<1x10x1024xi32, #tpu.memory_space<hbm>>
      %dma_wait3A_44 = tpu.memref_squeeze %dma_wait3A_43 : memref<1x10x1024xi32, #tpu.memory_space<hbm>> -> memref<10x1024xi32, #tpu.memory_space<hbm>>
      tpu.wait_dma2 semaphore(%run_scoped3A_33 : memref<!tpu.dma_semaphore, #tpu.memory_space<semaphore_mem>>) src(%dma_wait3A_44 : memref<10x1024xi32, #tpu.memory_space<hbm>>) dst(%arg7 : memref<10x1024xi32, #tpu.memory_space<vmem>>)
      tpu.yield
    }) : () -> ()
    %barrier3A = arith.constant 0 : index
    tpu.barrier barrier_id(%barrier3A)
    %dma_start3A = arith.constant 0 : i32
    %dma_start3A_14 = arith.constant 0 : i32
    %dma_start3A_15 = tpu.memref_slice %arg6[%dma_start3A, %dma_start3A_14] : memref<10x1024xi32, #tpu.memory_space<vmem>> -> memref<1x1024xi32, #tpu.memory_space<vmem>>
    %dma_start3A_16 = tpu.memref_squeeze %dma_start3A_15 : memref<1x1024xi32, #tpu.memory_space<vmem>> -> memref<1024xi32, #tpu.memory_space<vmem>>
    %dma_start3A_17 = arith.constant 0 : i32
    %dma_start3A_18 = arith.constant 0 : i32
    %dma_start3A_19 = tpu.memref_slice %arg11[%dma_start3A_17, %dma_start3A_18] : memref<10112x16xf32, #tpu.memory_space<vmem_shared>> -> memref<10112x16xf32, #tpu.memory_space<vmem_shared>>
    tpu.enqueue_indirect_dma source(%dma_start3A_19 : memref<10112x16xf32, #tpu.memory_space<vmem_shared>>) target(%arg8 : memref<1024x16xf32, #tpu.memory_space<vmem>>) offsets(%dma_start3A_16 : memref<1024xi32, #tpu.memory_space<vmem>>) semaphore(%arg12 : memref<!tpu.dma_semaphore, #tpu.memory_space<semaphore_mem>>)
    %scan3A = arith.constant 0 : i32
    %scan3A_20 = arith.constant 0 : i32
    %scan3A_21 = arith.constant 5 : i32
    %scan3A_22 = arith.addi %scan3A_20, %scan3A_21 : i32
    %scan3A_23 = arith.constant 1 : i32
    scf.for %scan3A_33 = %scan3A_20 to %scan3A_22 step %scan3A_23  : i32 {
      %mul3A_34 = arith.constant 2 : i32
      %mul3A_35 = arith.muli %mul3A_34, %scan3A_33 : i32
      %add3A_36 = arith.constant 1 : i32
      %add3A_37 = arith.addi %mul3A_35, %add3A_36 : i32
      %dma_start3A_38 = arith.constant 0 : i32
      %dma_start3A_39 = tpu.memref_slice %arg6[%add3A_37, %dma_start3A_38] : memref<10x1024xi32, #tpu.memory_space<vmem>> -> memref<1x1024xi32, #tpu.memory_space<vmem>>
      %dma_start3A_40 = tpu.memref_squeeze %dma_start3A_39 : memref<1x1024xi32, #tpu.memory_space<vmem>> -> memref<1024xi32, #tpu.memory_space<vmem>>
      %dma_start3A_41 = arith.constant 0 : i32
      %dma_start3A_42 = arith.constant 0 : i32
      %dma_start3A_43 = tpu.memref_slice %arg11[%dma_start3A_41, %dma_start3A_42] : memref<10112x16xf32, #tpu.memory_space<vmem_shared>> -> memref<10112x16xf32, #tpu.memory_space<vmem_shared>>
      tpu.enqueue_indirect_dma source(%dma_start3A_43 : memref<10112x16xf32, #tpu.memory_space<vmem_shared>>) target(%arg9 : memref<1024x16xf32, #tpu.memory_space<vmem>>) offsets(%dma_start3A_40 : memref<1024xi32, #tpu.memory_space<vmem>>) semaphore(%arg13 : memref<!tpu.dma_semaphore, #tpu.memory_space<semaphore_mem>>)
      %dma_wait3A = arith.constant 0 : i32
      %dma_wait3A_44 = tpu.memref_slice %arg6[%mul3A_35, %dma_wait3A] : memref<10x1024xi32, #tpu.memory_space<vmem>> -> memref<1x1024xi32, #tpu.memory_space<vmem>>
      %dma_wait3A_45 = tpu.memref_squeeze %dma_wait3A_44 : memref<1x1024xi32, #tpu.memory_space<vmem>> -> memref<1024xi32, #tpu.memory_space<vmem>>
      %dma_wait3A_46 = arith.constant 0 : i32
      %dma_wait3A_47 = arith.constant 0 : i32
      %dma_wait3A_48 = tpu.memref_slice %arg11[%dma_wait3A_46, %dma_wait3A_47] : memref<10112x16xf32, #tpu.memory_space<vmem_shared>> -> memref<10112x16xf32, #tpu.memory_space<vmem_shared>>
      tpu.wait_indirect_dma semaphore(%arg12 : memref<!tpu.dma_semaphore, #tpu.memory_space<semaphore_mem>>) src(%dma_wait3A_48 : memref<10112x16xf32, #tpu.memory_space<vmem_shared>>) dst(%arg8 : memref<1024x16xf32, #tpu.memory_space<vmem>>)
      "tpu.region"() ({
        %run_scoped3A_65 = tpu.sem_alloc : memref<!tpu.dma_semaphore, #tpu.memory_space<semaphore_mem>>
        %dma_start3A_66 = arith.constant 0 : i32
        %dma_start3A_67 = tpu.memref_slice %arg7[%mul3A_35, %dma_start3A_66] : memref<10x1024xi32, #tpu.memory_space<vmem>> -> memref<1x1024xi32, #tpu.memory_space<vmem>>
        %dma_start3A_68 = tpu.memref_squeeze %dma_start3A_67 : memref<1x1024xi32, #tpu.memory_space<vmem>> -> memref<1024xi32, #tpu.memory_space<vmem>>
        %dma_start3A_69 = arith.constant 0 : i32
        %dma_start3A_70 = arith.constant 0 : i32
        %dma_start3A_71 = tpu.memref_slice %arg10[%dma_start3A_69, %dma_start3A_70] : memref<10112x16xf32, #tpu.memory_space<vmem_shared>> -> memref<10112x16xf32, #tpu.memory_space<vmem_shared>>
        tpu.enqueue_indirect_dma source(%arg8 : memref<1024x16xf32, #tpu.memory_space<vmem>>) target(%dma_start3A_71 : memref<10112x16xf32, #tpu.memory_space<vmem_shared>>) offsets(%dma_start3A_68 : memref<1024xi32, #tpu.memory_space<vmem>>) semaphore(%run_scoped3A_65 : memref<!tpu.dma_semaphore, #tpu.memory_space<semaphore_mem>>) {add = true}
        %dma_wait3A_72 = arith.constant 0 : i32
        %dma_wait3A_73 = tpu.memref_slice %arg7[%mul3A_35, %dma_wait3A_72] : memref<10x1024xi32, #tpu.memory_space<vmem>> -> memref<1x1024xi32, #tpu.memory_space<vmem>>
        %dma_wait3A_74 = tpu.memref_squeeze %dma_wait3A_73 : memref<1x1024xi32, #tpu.memory_space<vmem>> -> memref<1024xi32, #tpu.memory_space<vmem>>
        %dma_wait3A_75 = arith.constant 0 : i32
        %dma_wait3A_76 = arith.constant 0 : i32
        %dma_wait3A_77 = tpu.memref_slice %arg10[%dma_wait3A_75, %dma_wait3A_76] : memref<10112x16xf32, #tpu.memory_space<vmem_shared>> -> memref<10112x16xf32, #tpu.memory_space<vmem_shared>>
        tpu.wait_indirect_dma semaphore(%run_scoped3A_65 : memref<!tpu.dma_semaphore, #tpu.memory_space<semaphore_mem>>) src(%arg8 : memref<1024x16xf32, #tpu.memory_space<vmem>>) dst(%dma_wait3A_77 : memref<10112x16xf32, #tpu.memory_space<vmem_shared>>)
        tpu.yield
      }) : () -> ()
      %add3A_49 = arith.constant 2 : i32
      %add3A_50 = arith.addi %mul3A_35, %add3A_49 : i32
      %lt3A = arith.constant 10 : i32
      %lt3A_51 = arith.cmpi slt, %add3A_50, %lt3A : i32
      %convert_element_type3A_52 = arith.extui %lt3A_51 : i1 to i32
      %cond3A_53 = arith.constant 0 : i32
      %cond3A_54 = arith.cmpi ne, %convert_element_type3A_52, %cond3A_53 : i32
      scf.if %cond3A_54 {
        %add3A_65 = arith.constant 2 : i32
        %add3A_66 = arith.addi %mul3A_35, %add3A_65 : i32
        %dma_start3A_67 = arith.constant 0 : i32
        %dma_start3A_68 = tpu.memref_slice %arg6[%add3A_66, %dma_start3A_67] : memref<10x1024xi32, #tpu.memory_space<vmem>> -> memref<1x1024xi32, #tpu.memory_space<vmem>>
        %dma_start3A_69 = tpu.memref_squeeze %dma_start3A_68 : memref<1x1024xi32, #tpu.memory_space<vmem>> -> memref<1024xi32, #tpu.memory_space<vmem>>
        %dma_start3A_70 = arith.constant 0 : i32
        %dma_start3A_71 = arith.constant 0 : i32
        %dma_start3A_72 = tpu.memref_slice %arg11[%dma_start3A_70, %dma_start3A_71] : memref<10112x16xf32, #tpu.memory_space<vmem_shared>> -> memref<10112x16xf32, #tpu.memory_space<vmem_shared>>
        tpu.enqueue_indirect_dma source(%dma_start3A_72 : memref<10112x16xf32, #tpu.memory_space<vmem_shared>>) target(%arg8 : memref<1024x16xf32, #tpu.memory_space<vmem>>) offsets(%dma_start3A_69 : memref<1024xi32, #tpu.memory_space<vmem>>) semaphore(%arg12 : memref<!tpu.dma_semaphore, #tpu.memory_space<semaphore_mem>>)
      } else {
      }
      %add3A_55 = arith.constant 1 : i32
      %add3A_56 = arith.addi %mul3A_35, %add3A_55 : i32
      %dma_wait3A_57 = arith.constant 0 : i32
      %dma_wait3A_58 = tpu.memref_slice %arg6[%add3A_56, %dma_wait3A_57] : memref<10x1024xi32, #tpu.memory_space<vmem>> -> memref<1x1024xi32, #tpu.memory_space<vmem>>
      %dma_wait3A_59 = tpu.memref_squeeze %dma_wait3A_58 : memref<1x1024xi32, #tpu.memory_space<vmem>> -> memref<1024xi32, #tpu.memory_space<vmem>>
      %dma_wait3A_60 = arith.constant 0 : i32
      %dma_wait3A_61 = arith.constant 0 : i32
      %dma_wait3A_62 = tpu.memref_slice %arg11[%dma_wait3A_60, %dma_wait3A_61] : memref<10112x16xf32, #tpu.memory_space<vmem_shared>> -> memref<10112x16xf32, #tpu.memory_space<vmem_shared>>
      tpu.wait_indirect_dma semaphore(%arg13 : memref<!tpu.dma_semaphore, #tpu.memory_space<semaphore_mem>>) src(%dma_wait3A_62 : memref<10112x16xf32, #tpu.memory_space<vmem_shared>>) dst(%arg9 : memref<1024x16xf32, #tpu.memory_space<vmem>>)
      %add3A_63 = arith.constant 1 : i32
      %add3A_64 = arith.addi %mul3A_35, %add3A_63 : i32
      "tpu.region"() ({
        %run_scoped3A_65 = tpu.sem_alloc : memref<!tpu.dma_semaphore, #tpu.memory_space<semaphore_mem>>
        %dma_start3A_66 = arith.constant 0 : i32
        %dma_start3A_67 = tpu.memref_slice %arg7[%add3A_64, %dma_start3A_66] : memref<10x1024xi32, #tpu.memory_space<vmem>> -> memref<1x1024xi32, #tpu.memory_space<vmem>>
        %dma_start3A_68 = tpu.memref_squeeze %dma_start3A_67 : memref<1x1024xi32, #tpu.memory_space<vmem>> -> memref<1024xi32, #tpu.memory_space<vmem>>
        %dma_start3A_69 = arith.constant 0 : i32
        %dma_start3A_70 = arith.constant 0 : i32
        %dma_start3A_71 = tpu.memref_slice %arg10[%dma_start3A_69, %dma_start3A_70] : memref<10112x16xf32, #tpu.memory_space<vmem_shared>> -> memref<10112x16xf32, #tpu.memory_space<vmem_shared>>
        tpu.enqueue_indirect_dma source(%arg9 : memref<1024x16xf32, #tpu.memory_space<vmem>>) target(%dma_start3A_71 : memref<10112x16xf32, #tpu.memory_space<vmem_shared>>) offsets(%dma_start3A_68 : memref<1024xi32, #tpu.memory_space<vmem>>) semaphore(%run_scoped3A_65 : memref<!tpu.dma_semaphore, #tpu.memory_space<semaphore_mem>>) {add = true}
        %dma_wait3A_72 = arith.constant 0 : i32
        %dma_wait3A_73 = tpu.memref_slice %arg7[%add3A_64, %dma_wait3A_72] : memref<10x1024xi32, #tpu.memory_space<vmem>> -> memref<1x1024xi32, #tpu.memory_space<vmem>>
        %dma_wait3A_74 = tpu.memref_squeeze %dma_wait3A_73 : memref<1x1024xi32, #tpu.memory_space<vmem>> -> memref<1024xi32, #tpu.memory_space<vmem>>
        %dma_wait3A_75 = arith.constant 0 : i32
        %dma_wait3A_76 = arith.constant 0 : i32
        %dma_wait3A_77 = tpu.memref_slice %arg10[%dma_wait3A_75, %dma_wait3A_76] : memref<10112x16xf32, #tpu.memory_space<vmem_shared>> -> memref<10112x16xf32, #tpu.memory_space<vmem_shared>>
        tpu.wait_indirect_dma semaphore(%run_scoped3A_65 : memref<!tpu.dma_semaphore, #tpu.memory_space<semaphore_mem>>) src(%arg9 : memref<1024x16xf32, #tpu.memory_space<vmem>>) dst(%dma_wait3A_77 : memref<10112x16xf32, #tpu.memory_space<vmem_shared>>)
        tpu.yield
      }) : () -> ()
    }
    %scan3A_24 = arith.constant 5 : i32
    %barrier3A_25 = arith.constant 0 : index
    tpu.barrier barrier_id(%barrier3A_25)
    %eq3A = arith.constant 0 : i32
    %eq3A_26 = arith.cmpi eq, %arg0, %eq3A : i32
    %convert_element_type3A = arith.extui %eq3A_26 : i1 to i32
    %cond3A = arith.constant 0 : i32
    %cond3A_27 = arith.cmpi ne, %convert_element_type3A, %cond3A : i32
    scf.if %cond3A_27 {
      %mul3A_33 = arith.constant 632 : i32
      %mul3A_34 = arith.muli %arg1, %mul3A_33 : i32
      %mul3A_35 = arith.constant 632 : i32
      %mul3A_36 = arith.muli %arg1, %mul3A_35 : i32
      "tpu.region"() ({
        %run_scoped3A_37 = tpu.sem_alloc : memref<!tpu.dma_semaphore, #tpu.memory_space<semaphore_mem>>
        %dma_start3A_38 = arith.constant 0 : i32
        %dma_start3A_39 = tpu.memref_slice %arg4[%mul3A_36, %dma_start3A_38] : memref<10112x16xf32, #tpu.memory_space<hbm>> -> memref<632x16xf32, #tpu.memory_space<hbm>>
        %dma_start3A_40 = arith.constant 0 : i32
        %dma_start3A_41 = tpu.memref_slice %arg10[%mul3A_34, %dma_start3A_40] : memref<10112x16xf32, #tpu.memory_space<vmem_shared>> -> memref<632x16xf32, #tpu.memory_space<vmem_shared>>
        tpu.enqueue_dma source(%dma_start3A_41 : memref<632x16xf32, #tpu.memory_space<vmem_shared>>) target(%dma_start3A_39 : memref<632x16xf32, #tpu.memory_space<hbm>>) target_semaphore(%run_scoped3A_37 : memref<!tpu.dma_semaphore, #tpu.memory_space<semaphore_mem>>)
        %dma_wait3A = arith.constant 0 : i32
        %dma_wait3A_42 = tpu.memref_slice %arg4[%mul3A_36, %dma_wait3A] : memref<10112x16xf32, #tpu.memory_space<hbm>> -> memref<632x16xf32, #tpu.memory_space<hbm>>
        %dma_wait3A_43 = arith.constant 0 : i32
        %dma_wait3A_44 = tpu.memref_slice %arg10[%mul3A_34, %dma_wait3A_43] : memref<10112x16xf32, #tpu.memory_space<vmem_shared>> -> memref<632x16xf32, #tpu.memory_space<vmem_shared>>
        tpu.wait_dma2 semaphore(%run_scoped3A_37 : memref<!tpu.dma_semaphore, #tpu.memory_space<semaphore_mem>>) src(%dma_wait3A_44 : memref<632x16xf32, #tpu.memory_space<vmem_shared>>) dst(%dma_wait3A_42 : memref<632x16xf32, #tpu.memory_space<hbm>>)
        tpu.yield
      }) : () -> ()
    } else {
    }
    %eq3A_28 = arith.constant 1 : i32
    %eq3A_29 = arith.cmpi eq, %arg0, %eq3A_28 : i32
    %convert_element_type3A_30 = arith.extui %eq3A_29 : i1 to i32
    %cond3A_31 = arith.constant 0 : i32
    %cond3A_32 = arith.cmpi ne, %convert_element_type3A_30, %cond3A_31 : i32
    scf.if %cond3A_32 {
      %mul3A_33 = arith.constant 632 : i32
      %mul3A_34 = arith.muli %arg1, %mul3A_33 : i32
      %mul3A_35 = arith.constant 632 : i32
      %mul3A_36 = arith.muli %arg1, %mul3A_35 : i32
      "tpu.region"() ({
        %run_scoped3A_37 = tpu.sem_alloc : memref<!tpu.dma_semaphore, #tpu.memory_space<semaphore_mem>>
        %dma_start3A_38 = arith.constant 0 : i32
        %dma_start3A_39 = tpu.memref_slice %arg5[%mul3A_36, %dma_start3A_38] : memref<10112x16xf32, #tpu.memory_space<hbm>> -> memref<632x16xf32, #tpu.memory_space<hbm>>
        %dma_start3A_40 = arith.constant 0 : i32
        %dma_start3A_41 = tpu.memref_slice %arg10[%mul3A_34, %dma_start3A_40] : memref<10112x16xf32, #tpu.memory_space<vmem_shared>> -> memref<632x16xf32, #tpu.memory_space<vmem_shared>>
        tpu.enqueue_dma source(%dma_start3A_41 : memref<632x16xf32, #tpu.memory_space<vmem_shared>>) target(%dma_start3A_39 : memref<632x16xf32, #tpu.memory_space<hbm>>) target_semaphore(%run_scoped3A_37 : memref<!tpu.dma_semaphore, #tpu.memory_space<semaphore_mem>>)
        %dma_wait3A = arith.constant 0 : i32
        %dma_wait3A_42 = tpu.memref_slice %arg5[%mul3A_36, %dma_wait3A] : memref<10112x16xf32, #tpu.memory_space<hbm>> -> memref<632x16xf32, #tpu.memory_space<hbm>>
        %dma_wait3A_43 = arith.constant 0 : i32
        %dma_wait3A_44 = tpu.memref_slice %arg10[%mul3A_34, %dma_wait3A_43] : memref<10112x16xf32, #tpu.memory_space<vmem_shared>> -> memref<632x16xf32, #tpu.memory_space<vmem_shared>>
        tpu.wait_dma2 semaphore(%run_scoped3A_37 : memref<!tpu.dma_semaphore, #tpu.memory_space<semaphore_mem>>) src(%dma_wait3A_44 : memref<632x16xf32, #tpu.memory_space<vmem_shared>>) dst(%dma_wait3A_42 : memref<632x16xf32, #tpu.memory_space<hbm>>)
        tpu.yield
      }) : () -> ()
    } else {
    }
    return
  }
}

#map = affine_map<(d0, d1) -> (0, 0)>
#map1 = affine_map<(d0, d1) -> (0, 0, 0)>
module attributes {stable_mosaic.version = 14 : i64} {
  func.func @propagate(%arg0: i32, %arg1: i32, %arg2: memref<10112x32xf32, #tpu.memory_space<hbm>>, %arg3: memref<2x320x1024xi32, #tpu.memory_space<hbm>>, %arg4: memref<10112x32xf32, #tpu.memory_space<hbm>>, %arg5: memref<10112x32xf32, #tpu.memory_space<hbm>>, %arg6: memref<10x1024xi32, #tpu.memory_space<vmem>>, %arg7: memref<10x1024xi32, #tpu.memory_space<vmem>>, %arg8: memref<1024x32xf32, #tpu.memory_space<vmem>>, %arg9: memref<1024x32xf32, #tpu.memory_space<vmem>>, %arg10: memref<10112x32xf32, #tpu.memory_space<vmem_shared>>, %arg11: memref<10112x32xf32, #tpu.memory_space<vmem_shared>>, %arg12: memref<!tpu.dma_semaphore, #tpu.memory_space<semaphore_mem>>, %arg13: memref<!tpu.dma_semaphore, #tpu.memory_space<semaphore_mem>>) attributes {dimension_semantics = [#tpu.dimension_semantics<core_parallel>, #tpu.dimension_semantics<subcore_parallel>], iteration_bounds = array<i64: 2, 16>, scalar_prefetch = 0 : i64, scratch_operands = 8 : i64, tpu.core_type = #tpu.core_type<sc_vector_subcore>, window_params = [{transform_indices = #map}, {transform_indices = #map1}, {transform_indices = #map}, {transform_indices = #map}]} {
    %mul3A = arith.constant 16 : i32
    %mul3A_0 = arith.muli %arg0, %mul3A : i32
    %add3A = arith.addi %mul3A_0, %arg1 : i32
    %mul3A_1 = arith.constant 632 : i32
    %mul3A_2 = arith.muli %arg1, %mul3A_1 : i32
    %mul3A_3 = arith.constant 632 : i32
    %mul3A_4 = arith.muli %arg1, %mul3A_3 : i32
    "tpu.region"() ({
      %run_scoped3A_33 = tpu.sem_alloc : memref<!tpu.dma_semaphore, #tpu.memory_space<semaphore_mem>>
      %dma_start3A_34 = arith.constant 0 : i32
      %dma_start3A_35 = tpu.memref_slice %arg10[%mul3A_4, %dma_start3A_34] : memref<10112x32xf32, #tpu.memory_space<vmem_shared>> -> memref<632x32xf32, #tpu.memory_space<vmem_shared>>
      %dma_start3A_36 = arith.constant 0 : i32
      %dma_start3A_37 = tpu.memref_slice %arg2[%mul3A_2, %dma_start3A_36] : memref<10112x32xf32, #tpu.memory_space<hbm>> -> memref<632x32xf32, #tpu.memory_space<hbm>>
      tpu.enqueue_dma source(%dma_start3A_37 : memref<632x32xf32, #tpu.memory_space<hbm>>) target(%dma_start3A_35 : memref<632x32xf32, #tpu.memory_space<vmem_shared>>) target_semaphore(%run_scoped3A_33 : memref<!tpu.dma_semaphore, #tpu.memory_space<semaphore_mem>>)
      %dma_wait3A = arith.constant 0 : i32
      %dma_wait3A_38 = tpu.memref_slice %arg10[%mul3A_4, %dma_wait3A] : memref<10112x32xf32, #tpu.memory_space<vmem_shared>> -> memref<632x32xf32, #tpu.memory_space<vmem_shared>>
      %dma_wait3A_39 = arith.constant 0 : i32
      %dma_wait3A_40 = tpu.memref_slice %arg2[%mul3A_2, %dma_wait3A_39] : memref<10112x32xf32, #tpu.memory_space<hbm>> -> memref<632x32xf32, #tpu.memory_space<hbm>>
      tpu.wait_dma2 semaphore(%run_scoped3A_33 : memref<!tpu.dma_semaphore, #tpu.memory_space<semaphore_mem>>) src(%dma_wait3A_40 : memref<632x32xf32, #tpu.memory_space<hbm>>) dst(%dma_wait3A_38 : memref<632x32xf32, #tpu.memory_space<vmem_shared>>)
      tpu.yield
    }) : () -> ()
    %mul3A_5 = arith.constant 632 : i32
    %mul3A_6 = arith.muli %arg1, %mul3A_5 : i32
    %mul3A_7 = arith.constant 632 : i32
    %mul3A_8 = arith.muli %arg1, %mul3A_7 : i32
    "tpu.region"() ({
      %run_scoped3A_33 = tpu.sem_alloc : memref<!tpu.dma_semaphore, #tpu.memory_space<semaphore_mem>>
      %dma_start3A_34 = arith.constant 0 : i32
      %dma_start3A_35 = tpu.memref_slice %arg11[%mul3A_8, %dma_start3A_34] : memref<10112x32xf32, #tpu.memory_space<vmem_shared>> -> memref<632x32xf32, #tpu.memory_space<vmem_shared>>
      %dma_start3A_36 = arith.constant 0 : i32
      %dma_start3A_37 = tpu.memref_slice %arg2[%mul3A_6, %dma_start3A_36] : memref<10112x32xf32, #tpu.memory_space<hbm>> -> memref<632x32xf32, #tpu.memory_space<hbm>>
      tpu.enqueue_dma source(%dma_start3A_37 : memref<632x32xf32, #tpu.memory_space<hbm>>) target(%dma_start3A_35 : memref<632x32xf32, #tpu.memory_space<vmem_shared>>) target_semaphore(%run_scoped3A_33 : memref<!tpu.dma_semaphore, #tpu.memory_space<semaphore_mem>>)
      %dma_wait3A = arith.constant 0 : i32
      %dma_wait3A_38 = tpu.memref_slice %arg11[%mul3A_8, %dma_wait3A] : memref<10112x32xf32, #tpu.memory_space<vmem_shared>> -> memref<632x32xf32, #tpu.memory_space<vmem_shared>>
      %dma_wait3A_39 = arith.constant 0 : i32
      %dma_wait3A_40 = tpu.memref_slice %arg2[%mul3A_6, %dma_wait3A_39] : memref<10112x32xf32, #tpu.memory_space<hbm>> -> memref<632x32xf32, #tpu.memory_space<hbm>>
      tpu.wait_dma2 semaphore(%run_scoped3A_33 : memref<!tpu.dma_semaphore, #tpu.memory_space<semaphore_mem>>) src(%dma_wait3A_40 : memref<632x32xf32, #tpu.memory_space<hbm>>) dst(%dma_wait3A_38 : memref<632x32xf32, #tpu.memory_space<vmem_shared>>)
      tpu.yield
    }) : () -> ()
    %mul3A_9 = arith.constant 10 : i32
    %mul3A_10 = arith.muli %add3A, %mul3A_9 : i32
    %run_scoped3A = arith.constant 0 : i32
    "tpu.region"() ({
      %run_scoped3A_33 = tpu.sem_alloc : memref<!tpu.dma_semaphore, #tpu.memory_space<semaphore_mem>>
      %dma_start3A_34 = arith.constant 0 : i32
      %dma_start3A_35 = tpu.memref_slice %arg3[%run_scoped3A, %mul3A_10, %dma_start3A_34] : memref<2x320x1024xi32, #tpu.memory_space<hbm>> -> memref<1x10x1024xi32, #tpu.memory_space<hbm>>
      %dma_start3A_36 = tpu.memref_squeeze %dma_start3A_35 : memref<1x10x1024xi32, #tpu.memory_space<hbm>> -> memref<10x1024xi32, #tpu.memory_space<hbm>>
      %dma_start3A_37 = arith.constant 0 : i32
      %dma_start3A_38 = tpu.memref_slice %arg3[%run_scoped3A, %mul3A_10, %dma_start3A_37] : memref<2x320x1024xi32, #tpu.memory_space<hbm>> -> memref<1x10x1024xi32, #tpu.memory_space<hbm>>
      %dma_start3A_39 = tpu.memref_squeeze %dma_start3A_38 : memref<1x10x1024xi32, #tpu.memory_space<hbm>> -> memref<10x1024xi32, #tpu.memory_space<hbm>>
      tpu.enqueue_dma source(%dma_start3A_39 : memref<10x1024xi32, #tpu.memory_space<hbm>>) target(%arg6 : memref<10x1024xi32, #tpu.memory_space<vmem>>) target_semaphore(%run_scoped3A_33 : memref<!tpu.dma_semaphore, #tpu.memory_space<semaphore_mem>>)
      %dma_wait3A = arith.constant 0 : i32
      %dma_wait3A_40 = tpu.memref_slice %arg3[%run_scoped3A, %mul3A_10, %dma_wait3A] : memref<2x320x1024xi32, #tpu.memory_space<hbm>> -> memref<1x10x1024xi32, #tpu.memory_space<hbm>>
      %dma_wait3A_41 = tpu.memref_squeeze %dma_wait3A_40 : memref<1x10x1024xi32, #tpu.memory_space<hbm>> -> memref<10x1024xi32, #tpu.memory_space<hbm>>
      %dma_wait3A_42 = arith.constant 0 : i32
      %dma_wait3A_43 = tpu.memref_slice %arg3[%run_scoped3A, %mul3A_10, %dma_wait3A_42] : memref<2x320x1024xi32, #tpu.memory_space<hbm>> -> memref<1x10x1024xi32, #tpu.memory_space<hbm>>
      %dma_wait3A_44 = tpu.memref_squeeze %dma_wait3A_43 : memref<1x10x1024xi32, #tpu.memory_space<hbm>> -> memref<10x1024xi32, #tpu.memory_space<hbm>>
      tpu.wait_dma2 semaphore(%run_scoped3A_33 : memref<!tpu.dma_semaphore, #tpu.memory_space<semaphore_mem>>) src(%dma_wait3A_44 : memref<10x1024xi32, #tpu.memory_space<hbm>>) dst(%arg6 : memref<10x1024xi32, #tpu.memory_space<vmem>>)
      tpu.yield
    }) : () -> ()
    %mul3A_11 = arith.constant 10 : i32
    %mul3A_12 = arith.muli %add3A, %mul3A_11 : i32
    %run_scoped3A_13 = arith.constant 1 : i32
    "tpu.region"() ({
      %run_scoped3A_33 = tpu.sem_alloc : memref<!tpu.dma_semaphore, #tpu.memory_space<semaphore_mem>>
      %dma_start3A_34 = arith.constant 0 : i32
      %dma_start3A_35 = tpu.memref_slice %arg3[%run_scoped3A_13, %mul3A_12, %dma_start3A_34] : memref<2x320x1024xi32, #tpu.memory_space<hbm>> -> memref<1x10x1024xi32, #tpu.memory_space<hbm>>
      %dma_start3A_36 = tpu.memref_squeeze %dma_start3A_35 : memref<1x10x1024xi32, #tpu.memory_space<hbm>> -> memref<10x1024xi32, #tpu.memory_space<hbm>>
      %dma_start3A_37 = arith.constant 0 : i32
      %dma_start3A_38 = tpu.memref_slice %arg3[%run_scoped3A_13, %mul3A_12, %dma_start3A_37] : memref<2x320x1024xi32, #tpu.memory_space<hbm>> -> memref<1x10x1024xi32, #tpu.memory_space<hbm>>
      %dma_start3A_39 = tpu.memref_squeeze %dma_start3A_38 : memref<1x10x1024xi32, #tpu.memory_space<hbm>> -> memref<10x1024xi32, #tpu.memory_space<hbm>>
      tpu.enqueue_dma source(%dma_start3A_39 : memref<10x1024xi32, #tpu.memory_space<hbm>>) target(%arg7 : memref<10x1024xi32, #tpu.memory_space<vmem>>) target_semaphore(%run_scoped3A_33 : memref<!tpu.dma_semaphore, #tpu.memory_space<semaphore_mem>>)
      %dma_wait3A = arith.constant 0 : i32
      %dma_wait3A_40 = tpu.memref_slice %arg3[%run_scoped3A_13, %mul3A_12, %dma_wait3A] : memref<2x320x1024xi32, #tpu.memory_space<hbm>> -> memref<1x10x1024xi32, #tpu.memory_space<hbm>>
      %dma_wait3A_41 = tpu.memref_squeeze %dma_wait3A_40 : memref<1x10x1024xi32, #tpu.memory_space<hbm>> -> memref<10x1024xi32, #tpu.memory_space<hbm>>
      %dma_wait3A_42 = arith.constant 0 : i32
      %dma_wait3A_43 = tpu.memref_slice %arg3[%run_scoped3A_13, %mul3A_12, %dma_wait3A_42] : memref<2x320x1024xi32, #tpu.memory_space<hbm>> -> memref<1x10x1024xi32, #tpu.memory_space<hbm>>
      %dma_wait3A_44 = tpu.memref_squeeze %dma_wait3A_43 : memref<1x10x1024xi32, #tpu.memory_space<hbm>> -> memref<10x1024xi32, #tpu.memory_space<hbm>>
      tpu.wait_dma2 semaphore(%run_scoped3A_33 : memref<!tpu.dma_semaphore, #tpu.memory_space<semaphore_mem>>) src(%dma_wait3A_44 : memref<10x1024xi32, #tpu.memory_space<hbm>>) dst(%arg7 : memref<10x1024xi32, #tpu.memory_space<vmem>>)
      tpu.yield
    }) : () -> ()
    %barrier3A = arith.constant 0 : index
    tpu.barrier barrier_id(%barrier3A)
    %dma_start3A = arith.constant 0 : i32
    %dma_start3A_14 = arith.constant 0 : i32
    %dma_start3A_15 = tpu.memref_slice %arg6[%dma_start3A, %dma_start3A_14] : memref<10x1024xi32, #tpu.memory_space<vmem>> -> memref<1x1024xi32, #tpu.memory_space<vmem>>
    %dma_start3A_16 = tpu.memref_squeeze %dma_start3A_15 : memref<1x1024xi32, #tpu.memory_space<vmem>> -> memref<1024xi32, #tpu.memory_space<vmem>>
    %dma_start3A_17 = arith.constant 0 : i32
    %dma_start3A_18 = arith.constant 0 : i32
    %dma_start3A_19 = tpu.memref_slice %arg11[%dma_start3A_17, %dma_start3A_18] : memref<10112x32xf32, #tpu.memory_space<vmem_shared>> -> memref<10112x32xf32, #tpu.memory_space<vmem_shared>>
    tpu.enqueue_indirect_dma source(%dma_start3A_19 : memref<10112x32xf32, #tpu.memory_space<vmem_shared>>) target(%arg8 : memref<1024x32xf32, #tpu.memory_space<vmem>>) offsets(%dma_start3A_16 : memref<1024xi32, #tpu.memory_space<vmem>>) semaphore(%arg12 : memref<!tpu.dma_semaphore, #tpu.memory_space<semaphore_mem>>)
    %scan3A = arith.constant 0 : i32
    %scan3A_20 = arith.constant 0 : i32
    %scan3A_21 = arith.constant 5 : i32
    %scan3A_22 = arith.addi %scan3A_20, %scan3A_21 : i32
    %scan3A_23 = arith.constant 1 : i32
    scf.for %scan3A_33 = %scan3A_20 to %scan3A_22 step %scan3A_23  : i32 {
      %mul3A_34 = arith.constant 2 : i32
      %mul3A_35 = arith.muli %mul3A_34, %scan3A_33 : i32
      %add3A_36 = arith.constant 1 : i32
      %add3A_37 = arith.addi %mul3A_35, %add3A_36 : i32
      %dma_start3A_38 = arith.constant 0 : i32
      %dma_start3A_39 = tpu.memref_slice %arg6[%add3A_37, %dma_start3A_38] : memref<10x1024xi32, #tpu.memory_space<vmem>> -> memref<1x1024xi32, #tpu.memory_space<vmem>>
      %dma_start3A_40 = tpu.memref_squeeze %dma_start3A_39 : memref<1x1024xi32, #tpu.memory_space<vmem>> -> memref<1024xi32, #tpu.memory_space<vmem>>
      %dma_start3A_41 = arith.constant 0 : i32
      %dma_start3A_42 = arith.constant 0 : i32
      %dma_start3A_43 = tpu.memref_slice %arg11[%dma_start3A_41, %dma_start3A_42] : memref<10112x32xf32, #tpu.memory_space<vmem_shared>> -> memref<10112x32xf32, #tpu.memory_space<vmem_shared>>
      tpu.enqueue_indirect_dma source(%dma_start3A_43 : memref<10112x32xf32, #tpu.memory_space<vmem_shared>>) target(%arg9 : memref<1024x32xf32, #tpu.memory_space<vmem>>) offsets(%dma_start3A_40 : memref<1024xi32, #tpu.memory_space<vmem>>) semaphore(%arg13 : memref<!tpu.dma_semaphore, #tpu.memory_space<semaphore_mem>>)
      %dma_wait3A = arith.constant 0 : i32
      %dma_wait3A_44 = tpu.memref_slice %arg6[%mul3A_35, %dma_wait3A] : memref<10x1024xi32, #tpu.memory_space<vmem>> -> memref<1x1024xi32, #tpu.memory_space<vmem>>
      %dma_wait3A_45 = tpu.memref_squeeze %dma_wait3A_44 : memref<1x1024xi32, #tpu.memory_space<vmem>> -> memref<1024xi32, #tpu.memory_space<vmem>>
      %dma_wait3A_46 = arith.constant 0 : i32
      %dma_wait3A_47 = arith.constant 0 : i32
      %dma_wait3A_48 = tpu.memref_slice %arg11[%dma_wait3A_46, %dma_wait3A_47] : memref<10112x32xf32, #tpu.memory_space<vmem_shared>> -> memref<10112x32xf32, #tpu.memory_space<vmem_shared>>
      tpu.wait_indirect_dma semaphore(%arg12 : memref<!tpu.dma_semaphore, #tpu.memory_space<semaphore_mem>>) src(%dma_wait3A_48 : memref<10112x32xf32, #tpu.memory_space<vmem_shared>>) dst(%arg8 : memref<1024x32xf32, #tpu.memory_space<vmem>>)
      "tpu.region"() ({
        %run_scoped3A_65 = tpu.sem_alloc : memref<!tpu.dma_semaphore, #tpu.memory_space<semaphore_mem>>
        %dma_start3A_66 = arith.constant 0 : i32
        %dma_start3A_67 = tpu.memref_slice %arg7[%mul3A_35, %dma_start3A_66] : memref<10x1024xi32, #tpu.memory_space<vmem>> -> memref<1x1024xi32, #tpu.memory_space<vmem>>
        %dma_start3A_68 = tpu.memref_squeeze %dma_start3A_67 : memref<1x1024xi32, #tpu.memory_space<vmem>> -> memref<1024xi32, #tpu.memory_space<vmem>>
        %dma_start3A_69 = arith.constant 0 : i32
        %dma_start3A_70 = arith.constant 0 : i32
        %dma_start3A_71 = tpu.memref_slice %arg10[%dma_start3A_69, %dma_start3A_70] : memref<10112x32xf32, #tpu.memory_space<vmem_shared>> -> memref<10112x32xf32, #tpu.memory_space<vmem_shared>>
        tpu.enqueue_indirect_dma source(%arg8 : memref<1024x32xf32, #tpu.memory_space<vmem>>) target(%dma_start3A_71 : memref<10112x32xf32, #tpu.memory_space<vmem_shared>>) offsets(%dma_start3A_68 : memref<1024xi32, #tpu.memory_space<vmem>>) semaphore(%run_scoped3A_65 : memref<!tpu.dma_semaphore, #tpu.memory_space<semaphore_mem>>) {add = true}
        %dma_wait3A_72 = arith.constant 0 : i32
        %dma_wait3A_73 = tpu.memref_slice %arg7[%mul3A_35, %dma_wait3A_72] : memref<10x1024xi32, #tpu.memory_space<vmem>> -> memref<1x1024xi32, #tpu.memory_space<vmem>>
        %dma_wait3A_74 = tpu.memref_squeeze %dma_wait3A_73 : memref<1x1024xi32, #tpu.memory_space<vmem>> -> memref<1024xi32, #tpu.memory_space<vmem>>
        %dma_wait3A_75 = arith.constant 0 : i32
        %dma_wait3A_76 = arith.constant 0 : i32
        %dma_wait3A_77 = tpu.memref_slice %arg10[%dma_wait3A_75, %dma_wait3A_76] : memref<10112x32xf32, #tpu.memory_space<vmem_shared>> -> memref<10112x32xf32, #tpu.memory_space<vmem_shared>>
        tpu.wait_indirect_dma semaphore(%run_scoped3A_65 : memref<!tpu.dma_semaphore, #tpu.memory_space<semaphore_mem>>) src(%arg8 : memref<1024x32xf32, #tpu.memory_space<vmem>>) dst(%dma_wait3A_77 : memref<10112x32xf32, #tpu.memory_space<vmem_shared>>)
        tpu.yield
      }) : () -> ()
      %add3A_49 = arith.constant 2 : i32
      %add3A_50 = arith.addi %mul3A_35, %add3A_49 : i32
      %lt3A = arith.constant 10 : i32
      %lt3A_51 = arith.cmpi slt, %add3A_50, %lt3A : i32
      %convert_element_type3A_52 = arith.extui %lt3A_51 : i1 to i32
      %cond3A_53 = arith.constant 0 : i32
      %cond3A_54 = arith.cmpi ne, %convert_element_type3A_52, %cond3A_53 : i32
      scf.if %cond3A_54 {
        %add3A_65 = arith.constant 2 : i32
        %add3A_66 = arith.addi %mul3A_35, %add3A_65 : i32
        %dma_start3A_67 = arith.constant 0 : i32
        %dma_start3A_68 = tpu.memref_slice %arg6[%add3A_66, %dma_start3A_67] : memref<10x1024xi32, #tpu.memory_space<vmem>> -> memref<1x1024xi32, #tpu.memory_space<vmem>>
        %dma_start3A_69 = tpu.memref_squeeze %dma_start3A_68 : memref<1x1024xi32, #tpu.memory_space<vmem>> -> memref<1024xi32, #tpu.memory_space<vmem>>
        %dma_start3A_70 = arith.constant 0 : i32
        %dma_start3A_71 = arith.constant 0 : i32
        %dma_start3A_72 = tpu.memref_slice %arg11[%dma_start3A_70, %dma_start3A_71] : memref<10112x32xf32, #tpu.memory_space<vmem_shared>> -> memref<10112x32xf32, #tpu.memory_space<vmem_shared>>
        tpu.enqueue_indirect_dma source(%dma_start3A_72 : memref<10112x32xf32, #tpu.memory_space<vmem_shared>>) target(%arg8 : memref<1024x32xf32, #tpu.memory_space<vmem>>) offsets(%dma_start3A_69 : memref<1024xi32, #tpu.memory_space<vmem>>) semaphore(%arg12 : memref<!tpu.dma_semaphore, #tpu.memory_space<semaphore_mem>>)
      } else {
      }
      %add3A_55 = arith.constant 1 : i32
      %add3A_56 = arith.addi %mul3A_35, %add3A_55 : i32
      %dma_wait3A_57 = arith.constant 0 : i32
      %dma_wait3A_58 = tpu.memref_slice %arg6[%add3A_56, %dma_wait3A_57] : memref<10x1024xi32, #tpu.memory_space<vmem>> -> memref<1x1024xi32, #tpu.memory_space<vmem>>
      %dma_wait3A_59 = tpu.memref_squeeze %dma_wait3A_58 : memref<1x1024xi32, #tpu.memory_space<vmem>> -> memref<1024xi32, #tpu.memory_space<vmem>>
      %dma_wait3A_60 = arith.constant 0 : i32
      %dma_wait3A_61 = arith.constant 0 : i32
      %dma_wait3A_62 = tpu.memref_slice %arg11[%dma_wait3A_60, %dma_wait3A_61] : memref<10112x32xf32, #tpu.memory_space<vmem_shared>> -> memref<10112x32xf32, #tpu.memory_space<vmem_shared>>
      tpu.wait_indirect_dma semaphore(%arg13 : memref<!tpu.dma_semaphore, #tpu.memory_space<semaphore_mem>>) src(%dma_wait3A_62 : memref<10112x32xf32, #tpu.memory_space<vmem_shared>>) dst(%arg9 : memref<1024x32xf32, #tpu.memory_space<vmem>>)
      %add3A_63 = arith.constant 1 : i32
      %add3A_64 = arith.addi %mul3A_35, %add3A_63 : i32
      "tpu.region"() ({
        %run_scoped3A_65 = tpu.sem_alloc : memref<!tpu.dma_semaphore, #tpu.memory_space<semaphore_mem>>
        %dma_start3A_66 = arith.constant 0 : i32
        %dma_start3A_67 = tpu.memref_slice %arg7[%add3A_64, %dma_start3A_66] : memref<10x1024xi32, #tpu.memory_space<vmem>> -> memref<1x1024xi32, #tpu.memory_space<vmem>>
        %dma_start3A_68 = tpu.memref_squeeze %dma_start3A_67 : memref<1x1024xi32, #tpu.memory_space<vmem>> -> memref<1024xi32, #tpu.memory_space<vmem>>
        %dma_start3A_69 = arith.constant 0 : i32
        %dma_start3A_70 = arith.constant 0 : i32
        %dma_start3A_71 = tpu.memref_slice %arg10[%dma_start3A_69, %dma_start3A_70] : memref<10112x32xf32, #tpu.memory_space<vmem_shared>> -> memref<10112x32xf32, #tpu.memory_space<vmem_shared>>
        tpu.enqueue_indirect_dma source(%arg9 : memref<1024x32xf32, #tpu.memory_space<vmem>>) target(%dma_start3A_71 : memref<10112x32xf32, #tpu.memory_space<vmem_shared>>) offsets(%dma_start3A_68 : memref<1024xi32, #tpu.memory_space<vmem>>) semaphore(%run_scoped3A_65 : memref<!tpu.dma_semaphore, #tpu.memory_space<semaphore_mem>>) {add = true}
        %dma_wait3A_72 = arith.constant 0 : i32
        %dma_wait3A_73 = tpu.memref_slice %arg7[%add3A_64, %dma_wait3A_72] : memref<10x1024xi32, #tpu.memory_space<vmem>> -> memref<1x1024xi32, #tpu.memory_space<vmem>>
        %dma_wait3A_74 = tpu.memref_squeeze %dma_wait3A_73 : memref<1x1024xi32, #tpu.memory_space<vmem>> -> memref<1024xi32, #tpu.memory_space<vmem>>
        %dma_wait3A_75 = arith.constant 0 : i32
        %dma_wait3A_76 = arith.constant 0 : i32
        %dma_wait3A_77 = tpu.memref_slice %arg10[%dma_wait3A_75, %dma_wait3A_76] : memref<10112x32xf32, #tpu.memory_space<vmem_shared>> -> memref<10112x32xf32, #tpu.memory_space<vmem_shared>>
        tpu.wait_indirect_dma semaphore(%run_scoped3A_65 : memref<!tpu.dma_semaphore, #tpu.memory_space<semaphore_mem>>) src(%arg9 : memref<1024x32xf32, #tpu.memory_space<vmem>>) dst(%dma_wait3A_77 : memref<10112x32xf32, #tpu.memory_space<vmem_shared>>)
        tpu.yield
      }) : () -> ()
    }
    %scan3A_24 = arith.constant 5 : i32
    %barrier3A_25 = arith.constant 0 : index
    tpu.barrier barrier_id(%barrier3A_25)
    %eq3A = arith.constant 0 : i32
    %eq3A_26 = arith.cmpi eq, %arg0, %eq3A : i32
    %convert_element_type3A = arith.extui %eq3A_26 : i1 to i32
    %cond3A = arith.constant 0 : i32
    %cond3A_27 = arith.cmpi ne, %convert_element_type3A, %cond3A : i32
    scf.if %cond3A_27 {
      %mul3A_33 = arith.constant 632 : i32
      %mul3A_34 = arith.muli %arg1, %mul3A_33 : i32
      %mul3A_35 = arith.constant 632 : i32
      %mul3A_36 = arith.muli %arg1, %mul3A_35 : i32
      "tpu.region"() ({
        %run_scoped3A_37 = tpu.sem_alloc : memref<!tpu.dma_semaphore, #tpu.memory_space<semaphore_mem>>
        %dma_start3A_38 = arith.constant 0 : i32
        %dma_start3A_39 = tpu.memref_slice %arg4[%mul3A_36, %dma_start3A_38] : memref<10112x32xf32, #tpu.memory_space<hbm>> -> memref<632x32xf32, #tpu.memory_space<hbm>>
        %dma_start3A_40 = arith.constant 0 : i32
        %dma_start3A_41 = tpu.memref_slice %arg10[%mul3A_34, %dma_start3A_40] : memref<10112x32xf32, #tpu.memory_space<vmem_shared>> -> memref<632x32xf32, #tpu.memory_space<vmem_shared>>
        tpu.enqueue_dma source(%dma_start3A_41 : memref<632x32xf32, #tpu.memory_space<vmem_shared>>) target(%dma_start3A_39 : memref<632x32xf32, #tpu.memory_space<hbm>>) target_semaphore(%run_scoped3A_37 : memref<!tpu.dma_semaphore, #tpu.memory_space<semaphore_mem>>)
        %dma_wait3A = arith.constant 0 : i32
        %dma_wait3A_42 = tpu.memref_slice %arg4[%mul3A_36, %dma_wait3A] : memref<10112x32xf32, #tpu.memory_space<hbm>> -> memref<632x32xf32, #tpu.memory_space<hbm>>
        %dma_wait3A_43 = arith.constant 0 : i32
        %dma_wait3A_44 = tpu.memref_slice %arg10[%mul3A_34, %dma_wait3A_43] : memref<10112x32xf32, #tpu.memory_space<vmem_shared>> -> memref<632x32xf32, #tpu.memory_space<vmem_shared>>
        tpu.wait_dma2 semaphore(%run_scoped3A_37 : memref<!tpu.dma_semaphore, #tpu.memory_space<semaphore_mem>>) src(%dma_wait3A_44 : memref<632x32xf32, #tpu.memory_space<vmem_shared>>) dst(%dma_wait3A_42 : memref<632x32xf32, #tpu.memory_space<hbm>>)
        tpu.yield
      }) : () -> ()
    } else {
    }
    %eq3A_28 = arith.constant 1 : i32
    %eq3A_29 = arith.cmpi eq, %arg0, %eq3A_28 : i32
    %convert_element_type3A_30 = arith.extui %eq3A_29 : i1 to i32
    %cond3A_31 = arith.constant 0 : i32
    %cond3A_32 = arith.cmpi ne, %convert_element_type3A_30, %cond3A_31 : i32
    scf.if %cond3A_32 {
      %mul3A_33 = arith.constant 632 : i32
      %mul3A_34 = arith.muli %arg1, %mul3A_33 : i32
      %mul3A_35 = arith.constant 632 : i32
      %mul3A_36 = arith.muli %arg1, %mul3A_35 : i32
      "tpu.region"() ({
        %run_scoped3A_37 = tpu.sem_alloc : memref<!tpu.dma_semaphore, #tpu.memory_space<semaphore_mem>>
        %dma_start3A_38 = arith.constant 0 : i32
        %dma_start3A_39 = tpu.memref_slice %arg5[%mul3A_36, %dma_start3A_38] : memref<10112x32xf32, #tpu.memory_space<hbm>> -> memref<632x32xf32, #tpu.memory_space<hbm>>
        %dma_start3A_40 = arith.constant 0 : i32
        %dma_start3A_41 = tpu.memref_slice %arg10[%mul3A_34, %dma_start3A_40] : memref<10112x32xf32, #tpu.memory_space<vmem_shared>> -> memref<632x32xf32, #tpu.memory_space<vmem_shared>>
        tpu.enqueue_dma source(%dma_start3A_41 : memref<632x32xf32, #tpu.memory_space<vmem_shared>>) target(%dma_start3A_39 : memref<632x32xf32, #tpu.memory_space<hbm>>) target_semaphore(%run_scoped3A_37 : memref<!tpu.dma_semaphore, #tpu.memory_space<semaphore_mem>>)
        %dma_wait3A = arith.constant 0 : i32
        %dma_wait3A_42 = tpu.memref_slice %arg5[%mul3A_36, %dma_wait3A] : memref<10112x32xf32, #tpu.memory_space<hbm>> -> memref<632x32xf32, #tpu.memory_space<hbm>>
        %dma_wait3A_43 = arith.constant 0 : i32
        %dma_wait3A_44 = tpu.memref_slice %arg10[%mul3A_34, %dma_wait3A_43] : memref<10112x32xf32, #tpu.memory_space<vmem_shared>> -> memref<632x32xf32, #tpu.memory_space<vmem_shared>>
        tpu.wait_dma2 semaphore(%run_scoped3A_37 : memref<!tpu.dma_semaphore, #tpu.memory_space<semaphore_mem>>) src(%dma_wait3A_44 : memref<632x32xf32, #tpu.memory_space<vmem_shared>>) dst(%dma_wait3A_42 : memref<632x32xf32, #tpu.memory_space<hbm>>)
        tpu.yield
      }) : () -> ()
    } else {
    }
    return
  }
}

module attributes {stable_mosaic.version = 14 : i64} {
  func.func @_mm_scale_body(%arg0: i32, %arg1: memref<2528x128xf32, #tpu.memory_space<vmem>>, %arg2: memref<128x128xf32, #tpu.memory_space<vmem>>, %arg3: memref<2528x16xf32, #tpu.memory_space<vmem>>, %arg4: memref<2528x16xf32, #tpu.memory_space<vmem>>, %arg5: memref<2528x128xf32, #tpu.memory_space<vmem>>) attributes {dimension_semantics = [#tpu.dimension_semantics<arbitrary>], iteration_bounds = array<i64: 4>, scalar_prefetch = 0 : i64, scratch_operands = 0 : i64, tpu.core_type = #tpu.core_type<tc>, window_params = [{transform_indices = @transform_0, window_bounds = array<i64: 2528, 128>}, {pipeline_mode = #tpu.pipeline_mode<synchronous>, transform_indices = @transform_1, window_bounds = array<i64: 128, 128>}, {transform_indices = @transform_2, window_bounds = array<i64: 2528, 16>}, {transform_indices = @transform_3, window_bounds = array<i64: 2528, 16>}, {transform_indices = @transform_4, window_bounds = array<i64: 2528, 128>}]} {
    %get3A = arith.constant 0 : index
    %get3A_0 = arith.constant 0 : index
    %get3A_1 = vector.load %arg3[%get3A, %get3A_0] : memref<2528x16xf32, #tpu.memory_space<vmem>>, vector<2528x1xf32>
    %get3A_2 = arith.constant 0 : index
    %get3A_3 = arith.constant 0 : index
    %get3A_4 = vector.load %arg4[%get3A_2, %get3A_3] : memref<2528x16xf32, #tpu.memory_space<vmem>>, vector<2528x1xf32>
    %add3A = arith.addf %get3A_1, %get3A_4 : vector<2528x1xf32>
    %add3A_5 = arith.constant 1.000000e+00 : f32
    %add3A_6 = vector.broadcast %add3A_5 : f32 to vector<2528x1xf32>
    %add3A_7 = arith.addf %add3A, %add3A_6 : vector<2528x1xf32>
    %rsqrt3A = math.rsqrt %add3A_7 : vector<2528x1xf32>
    %get3A_8 = arith.constant 0 : index
    %get3A_9 = arith.constant 0 : index
    %get3A_10 = vector.load %arg1[%get3A_8, %get3A_9] : memref<2528x128xf32, #tpu.memory_space<vmem>>, vector<2528x128xf32>
    %get3A_11 = arith.constant 0 : index
    %get3A_12 = arith.constant 0 : index
    %get3A_13 = vector.load %arg2[%get3A_11, %get3A_12] : memref<128x128xf32, #tpu.memory_space<vmem>>, vector<128x128xf32>
    %dot_general3A = arith.constant dense<0.000000e+00> : vector<2528x128xf32>
    %dot_general3A_14 = tpu.matmul %get3A_10, %get3A_13, %dot_general3A {dimension_numbers = #tpu.dot_dimension_numbers<[1], [0], [0], [1], [0, 0, 1, 1], [], []>, transpose_lhs_hint = false} : vector<2528x128xf32>, vector<128x128xf32>, vector<2528x128xf32> -> vector<2528x128xf32>
    %mul3A = vector.broadcast %rsqrt3A : vector<2528x1xf32> to vector<2528x128xf32>
    %mul3A_15 = arith.mulf %dot_general3A_14, %mul3A : vector<2528x128xf32>
    %swap3A = arith.constant 0 : index
    %swap3A_16 = arith.constant 0 : index
    %swap3A_17 = vector.load %arg5[%swap3A, %swap3A_16] : memref<2528x128xf32, #tpu.memory_space<vmem>>, vector<2528x128xf32>
    tpu.vector_store %arg5[%swap3A, %swap3A_16], %mul3A_15 {strides = array<i32>} : memref<2528x128xf32, #tpu.memory_space<vmem>>, vector<2528x128xf32>,
    return
  }
  func.func @transform_0(%arg0: i32) -> (i32, i32) {
    %c0_i32 = arith.constant 0 : i32
    %c0_i32_0 = arith.constant 0 : i32
    return %arg0, %c0_i32 : i32, i32
  }
  func.func @transform_1(%arg0: i32) -> (i32, i32) {
    %c0_i32 = arith.constant 0 : i32
    %c0_i32_0 = arith.constant 0 : i32
    %c0_i32_1 = arith.constant 0 : i32
    return %c0_i32, %c0_i32_0 : i32, i32
  }
  func.func @transform_2(%arg0: i32) -> (i32, i32) {
    %c0_i32 = arith.constant 0 : i32
    %c0_i32_0 = arith.constant 0 : i32
    return %arg0, %c0_i32 : i32, i32
  }
  func.func @transform_3(%arg0: i32) -> (i32, i32) {
    %c0_i32 = arith.constant 0 : i32
    %c0_i32_0 = arith.constant 0 : i32
    return %arg0, %c0_i32 : i32, i32
  }
  func.func @transform_4(%arg0: i32) -> (i32, i32) {
    %c0_i32 = arith.constant 0 : i32
    %c0_i32_0 = arith.constant 0 : i32
    return %arg0, %c0_i32 : i32, i32
  }
}

module attributes {stable_mosaic.version = 14 : i64} {
  func.func @_combine_mm_body(%arg0: i32, %arg1: memref<2528x128xf32, #tpu.memory_space<vmem>>, %arg2: memref<2528x128xf32, #tpu.memory_space<vmem>>, %arg3: memref<2528x128xf32, #tpu.memory_space<vmem>>, %arg4: memref<2528x16xf32, #tpu.memory_space<vmem>>, %arg5: memref<2528x16xf32, #tpu.memory_space<vmem>>, %arg6: memref<128x32xf32, #tpu.memory_space<vmem>>, %arg7: memref<1x128xf32, #tpu.memory_space<vmem>>, %arg8: memref<2528x32xf32, #tpu.memory_space<vmem>>) attributes {dimension_semantics = [#tpu.dimension_semantics<arbitrary>], iteration_bounds = array<i64: 4>, scalar_prefetch = 0 : i64, scratch_operands = 0 : i64, tpu.core_type = #tpu.core_type<tc>, window_params = [{transform_indices = @transform_0, window_bounds = array<i64: 2528, 128>}, {transform_indices = @transform_1, window_bounds = array<i64: 2528, 128>}, {transform_indices = @transform_2, window_bounds = array<i64: 2528, 128>}, {transform_indices = @transform_3, window_bounds = array<i64: 2528, 16>}, {transform_indices = @transform_4, window_bounds = array<i64: 2528, 16>}, {pipeline_mode = #tpu.pipeline_mode<synchronous>, transform_indices = @transform_5, window_bounds = array<i64: 128, 32>}, {pipeline_mode = #tpu.pipeline_mode<synchronous>, transform_indices = @transform_6, window_bounds = array<i64: 1, 128>}, {transform_indices = @transform_7, window_bounds = array<i64: 2528, 32>}]} {
    %get3A = arith.constant 0 : index
    %get3A_0 = arith.constant 0 : index
    %get3A_1 = vector.load %arg4[%get3A, %get3A_0] : memref<2528x16xf32, #tpu.memory_space<vmem>>, vector<2528x1xf32>
    %get3A_2 = arith.constant 0 : index
    %get3A_3 = arith.constant 0 : index
    %get3A_4 = vector.load %arg5[%get3A_2, %get3A_3] : memref<2528x16xf32, #tpu.memory_space<vmem>>, vector<2528x1xf32>
    %add3A = arith.addf %get3A_1, %get3A_4 : vector<2528x1xf32>
    %add3A_5 = arith.constant 1.000000e+00 : f32
    %add3A_6 = vector.broadcast %add3A_5 : f32 to vector<2528x1xf32>
    %add3A_7 = arith.addf %add3A, %add3A_6 : vector<2528x1xf32>
    %rsqrt3A = math.rsqrt %add3A_7 : vector<2528x1xf32>
    %get3A_8 = arith.constant 0 : index
    %get3A_9 = arith.constant 0 : index
    %get3A_10 = vector.load %arg1[%get3A_8, %get3A_9] : memref<2528x128xf32, #tpu.memory_space<vmem>>, vector<2528x128xf32>
    %get3A_11 = arith.constant 0 : index
    %get3A_12 = arith.constant 0 : index
    %get3A_13 = vector.load %arg2[%get3A_11, %get3A_12] : memref<2528x128xf32, #tpu.memory_space<vmem>>, vector<2528x128xf32>
    %add3A_14 = arith.addf %get3A_10, %get3A_13 : vector<2528x128xf32>
    %get3A_15 = arith.constant 0 : index
    %get3A_16 = arith.constant 0 : index
    %get3A_17 = vector.load %arg3[%get3A_15, %get3A_16] : memref<2528x128xf32, #tpu.memory_space<vmem>>, vector<2528x128xf32>
    %sub3A = arith.subf %add3A_14, %get3A_17 : vector<2528x128xf32>
    %mul3A = vector.broadcast %rsqrt3A : vector<2528x1xf32> to vector<2528x128xf32>
    %mul3A_18 = arith.mulf %mul3A, %sub3A : vector<2528x128xf32>
    %get3A_19 = arith.constant 0 : index
    %get3A_20 = arith.constant 0 : index
    %get3A_21 = vector.load %arg7[%get3A_19, %get3A_20] : memref<1x128xf32, #tpu.memory_space<vmem>>, vector<1x128xf32>
    %add3A_22 = vector.broadcast %get3A_21 : vector<1x128xf32> to vector<2528x128xf32>
    %add3A_23 = arith.addf %mul3A_18, %add3A_22 : vector<2528x128xf32>
    %max3A = arith.constant 0.000000e+00 : f32
    %max3A_24 = vector.broadcast %max3A : f32 to vector<2528x128xf32>
    %max3A_25 = arith.maximumf %add3A_23, %max3A_24 : vector<2528x128xf32>
    %get3A_26 = arith.constant 0 : index
    %get3A_27 = arith.constant 0 : index
    %get3A_28 = vector.load %arg6[%get3A_26, %get3A_27] : memref<128x32xf32, #tpu.memory_space<vmem>>, vector<128x32xf32>
    %dot_general3A = arith.constant dense<0.000000e+00> : vector<2528x32xf32>
    %dot_general3A_29 = tpu.matmul %max3A_25, %get3A_28, %dot_general3A {dimension_numbers = #tpu.dot_dimension_numbers<[1], [0], [0], [1], [0, 0, 1, 1], [], []>, transpose_lhs_hint = false} : vector<2528x128xf32>, vector<128x32xf32>, vector<2528x32xf32> -> vector<2528x32xf32>
    %mul3A_30 = vector.broadcast %rsqrt3A : vector<2528x1xf32> to vector<2528x32xf32>
    %mul3A_31 = arith.mulf %dot_general3A_29, %mul3A_30 : vector<2528x32xf32>
    %swap3A = arith.constant 0 : index
    %swap3A_32 = arith.constant 0 : index
    %swap3A_33 = vector.load %arg8[%swap3A, %swap3A_32] : memref<2528x32xf32, #tpu.memory_space<vmem>>, vector<2528x32xf32>
    tpu.vector_store %arg8[%swap3A, %swap3A_32], %mul3A_31 {strides = array<i32>} : memref<2528x32xf32, #tpu.memory_space<vmem>>, vector<2528x32xf32>,
    return
  }
  func.func @transform_0(%arg0: i32) -> (i32, i32) {
    %c0_i32 = arith.constant 0 : i32
    %c0_i32_0 = arith.constant 0 : i32
    return %arg0, %c0_i32 : i32, i32
  }
  func.func @transform_1(%arg0: i32) -> (i32, i32) {
    %c0_i32 = arith.constant 0 : i32
    %c0_i32_0 = arith.constant 0 : i32
    return %arg0, %c0_i32 : i32, i32
  }
  func.func @transform_2(%arg0: i32) -> (i32, i32) {
    %c0_i32 = arith.constant 0 : i32
    %c0_i32_0 = arith.constant 0 : i32
    return %arg0, %c0_i32 : i32, i32
  }
  func.func @transform_3(%arg0: i32) -> (i32, i32) {
    %c0_i32 = arith.constant 0 : i32
    %c0_i32_0 = arith.constant 0 : i32
    return %arg0, %c0_i32 : i32, i32
  }
  func.func @transform_4(%arg0: i32) -> (i32, i32) {
    %c0_i32 = arith.constant 0 : i32
    %c0_i32_0 = arith.constant 0 : i32
    return %arg0, %c0_i32 : i32, i32
  }
  func.func @transform_5(%arg0: i32) -> (i32, i32) {
    %c0_i32 = arith.constant 0 : i32
    %c0_i32_0 = arith.constant 0 : i32
    %c0_i32_1 = arith.constant 0 : i32
    return %c0_i32, %c0_i32_0 : i32, i32
  }
  func.func @transform_6(%arg0: i32) -> (i32, i32) {
    %c0_i32 = arith.constant 0 : i32
    %c0_i32_0 = arith.constant 0 : i32
    %c0_i32_1 = arith.constant 0 : i32
    return %c0_i32, %c0_i32_0 : i32, i32
  }
  func.func @transform_7(%arg0: i32) -> (i32, i32) {
    %c0_i32 = arith.constant 0 : i32
    %c0_i32_0 = arith.constant 0 : i32
    return %arg0, %c0_i32 : i32, i32
  }
}

module attributes {stable_mosaic.version = 14 : i64} {
  func.func @_combine_mm_body(%arg0: i32, %arg1: memref<2528x32xf32, #tpu.memory_space<vmem>>, %arg2: memref<2528x32xf32, #tpu.memory_space<vmem>>, %arg3: memref<2528x32xf32, #tpu.memory_space<vmem>>, %arg4: memref<2528x16xf32, #tpu.memory_space<vmem>>, %arg5: memref<2528x16xf32, #tpu.memory_space<vmem>>, %arg6: memref<32x16xf32, #tpu.memory_space<vmem>>, %arg7: memref<1x32xf32, #tpu.memory_space<vmem>>, %arg8: memref<2528x16xf32, #tpu.memory_space<vmem>>) attributes {dimension_semantics = [#tpu.dimension_semantics<arbitrary>], iteration_bounds = array<i64: 4>, scalar_prefetch = 0 : i64, scratch_operands = 0 : i64, tpu.core_type = #tpu.core_type<tc>, window_params = [{transform_indices = @transform_0, window_bounds = array<i64: 2528, 32>}, {transform_indices = @transform_1, window_bounds = array<i64: 2528, 32>}, {transform_indices = @transform_2, window_bounds = array<i64: 2528, 32>}, {transform_indices = @transform_3, window_bounds = array<i64: 2528, 16>}, {transform_indices = @transform_4, window_bounds = array<i64: 2528, 16>}, {pipeline_mode = #tpu.pipeline_mode<synchronous>, transform_indices = @transform_5, window_bounds = array<i64: 32, 16>}, {pipeline_mode = #tpu.pipeline_mode<synchronous>, transform_indices = @transform_6, window_bounds = array<i64: 1, 32>}, {transform_indices = @transform_7, window_bounds = array<i64: 2528, 16>}]} {
    %get3A = arith.constant 0 : index
    %get3A_0 = arith.constant 0 : index
    %get3A_1 = vector.load %arg4[%get3A, %get3A_0] : memref<2528x16xf32, #tpu.memory_space<vmem>>, vector<2528x1xf32>
    %get3A_2 = arith.constant 0 : index
    %get3A_3 = arith.constant 0 : index
    %get3A_4 = vector.load %arg5[%get3A_2, %get3A_3] : memref<2528x16xf32, #tpu.memory_space<vmem>>, vector<2528x1xf32>
    %add3A = arith.addf %get3A_1, %get3A_4 : vector<2528x1xf32>
    %add3A_5 = arith.constant 1.000000e+00 : f32
    %add3A_6 = vector.broadcast %add3A_5 : f32 to vector<2528x1xf32>
    %add3A_7 = arith.addf %add3A, %add3A_6 : vector<2528x1xf32>
    %rsqrt3A = math.rsqrt %add3A_7 : vector<2528x1xf32>
    %get3A_8 = arith.constant 0 : index
    %get3A_9 = arith.constant 0 : index
    %get3A_10 = vector.load %arg1[%get3A_8, %get3A_9] : memref<2528x32xf32, #tpu.memory_space<vmem>>, vector<2528x32xf32>
    %get3A_11 = arith.constant 0 : index
    %get3A_12 = arith.constant 0 : index
    %get3A_13 = vector.load %arg2[%get3A_11, %get3A_12] : memref<2528x32xf32, #tpu.memory_space<vmem>>, vector<2528x32xf32>
    %add3A_14 = arith.addf %get3A_10, %get3A_13 : vector<2528x32xf32>
    %get3A_15 = arith.constant 0 : index
    %get3A_16 = arith.constant 0 : index
    %get3A_17 = vector.load %arg3[%get3A_15, %get3A_16] : memref<2528x32xf32, #tpu.memory_space<vmem>>, vector<2528x32xf32>
    %sub3A = arith.subf %add3A_14, %get3A_17 : vector<2528x32xf32>
    %mul3A = vector.broadcast %rsqrt3A : vector<2528x1xf32> to vector<2528x32xf32>
    %mul3A_18 = arith.mulf %mul3A, %sub3A : vector<2528x32xf32>
    %get3A_19 = arith.constant 0 : index
    %get3A_20 = arith.constant 0 : index
    %get3A_21 = vector.load %arg7[%get3A_19, %get3A_20] : memref<1x32xf32, #tpu.memory_space<vmem>>, vector<1x32xf32>
    %add3A_22 = vector.broadcast %get3A_21 : vector<1x32xf32> to vector<2528x32xf32>
    %add3A_23 = arith.addf %mul3A_18, %add3A_22 : vector<2528x32xf32>
    %max3A = arith.constant 0.000000e+00 : f32
    %max3A_24 = vector.broadcast %max3A : f32 to vector<2528x32xf32>
    %max3A_25 = arith.maximumf %add3A_23, %max3A_24 : vector<2528x32xf32>
    %get3A_26 = arith.constant 0 : index
    %get3A_27 = arith.constant 0 : index
    %get3A_28 = vector.load %arg6[%get3A_26, %get3A_27] : memref<32x16xf32, #tpu.memory_space<vmem>>, vector<32x16xf32>
    %dot_general3A = arith.constant dense<0.000000e+00> : vector<2528x16xf32>
    %dot_general3A_29 = tpu.matmul %max3A_25, %get3A_28, %dot_general3A {dimension_numbers = #tpu.dot_dimension_numbers<[1], [0], [0], [1], [0, 0, 1, 1], [], []>, transpose_lhs_hint = false} : vector<2528x32xf32>, vector<32x16xf32>, vector<2528x16xf32> -> vector<2528x16xf32>
    %mul3A_30 = vector.broadcast %rsqrt3A : vector<2528x1xf32> to vector<2528x16xf32>
    %mul3A_31 = arith.mulf %dot_general3A_29, %mul3A_30 : vector<2528x16xf32>
    %swap3A = arith.constant 0 : index
    %swap3A_32 = arith.constant 0 : index
    %swap3A_33 = vector.load %arg8[%swap3A, %swap3A_32] : memref<2528x16xf32, #tpu.memory_space<vmem>>, vector<2528x16xf32>
    tpu.vector_store %arg8[%swap3A, %swap3A_32], %mul3A_31 {strides = array<i32>} : memref<2528x16xf32, #tpu.memory_space<vmem>>, vector<2528x16xf32>,
    return
  }
  func.func @transform_0(%arg0: i32) -> (i32, i32) {
    %c0_i32 = arith.constant 0 : i32
    %c0_i32_0 = arith.constant 0 : i32
    return %arg0, %c0_i32 : i32, i32
  }
  func.func @transform_1(%arg0: i32) -> (i32, i32) {
    %c0_i32 = arith.constant 0 : i32
    %c0_i32_0 = arith.constant 0 : i32
    return %arg0, %c0_i32 : i32, i32
  }
  func.func @transform_2(%arg0: i32) -> (i32, i32) {
    %c0_i32 = arith.constant 0 : i32
    %c0_i32_0 = arith.constant 0 : i32
    return %arg0, %c0_i32 : i32, i32
  }
  func.func @transform_3(%arg0: i32) -> (i32, i32) {
    %c0_i32 = arith.constant 0 : i32
    %c0_i32_0 = arith.constant 0 : i32
    return %arg0, %c0_i32 : i32, i32
  }
  func.func @transform_4(%arg0: i32) -> (i32, i32) {
    %c0_i32 = arith.constant 0 : i32
    %c0_i32_0 = arith.constant 0 : i32
    return %arg0, %c0_i32 : i32, i32
  }
  func.func @transform_5(%arg0: i32) -> (i32, i32) {
    %c0_i32 = arith.constant 0 : i32
    %c0_i32_0 = arith.constant 0 : i32
    %c0_i32_1 = arith.constant 0 : i32
    return %c0_i32, %c0_i32_0 : i32, i32
  }
  func.func @transform_6(%arg0: i32) -> (i32, i32) {
    %c0_i32 = arith.constant 0 : i32
    %c0_i32_0 = arith.constant 0 : i32
    %c0_i32_1 = arith.constant 0 : i32
    return %c0_i32, %c0_i32_0 : i32, i32
  }
  func.func @transform_7(%arg0: i32) -> (i32, i32) {
    %c0_i32 = arith.constant 0 : i32
    %c0_i32_0 = arith.constant 0 : i32
    return %arg0, %c0_i32 : i32, i32
  }
}

module attributes {stable_mosaic.version = 14 : i64} {
  func.func @_head_body(%arg0: i32, %arg1: memref<2528x16xf32, #tpu.memory_space<vmem>>, %arg2: memref<2528x16xf32, #tpu.memory_space<vmem>>, %arg3: memref<2528x16xf32, #tpu.memory_space<vmem>>, %arg4: memref<2528x16xf32, #tpu.memory_space<vmem>>, %arg5: memref<2528x16xf32, #tpu.memory_space<vmem>>, %arg6: memref<1x16xf32, #tpu.memory_space<vmem>>, %arg7: memref<16x8xf32, #tpu.memory_space<vmem>>, %arg8: memref<1x8xf32, #tpu.memory_space<vmem>>, %arg9: memref<8x16xf32, #tpu.memory_space<vmem>>, %arg10: memref<1x16xf32, #tpu.memory_space<vmem>>, %arg11: memref<2528x16xf32, #tpu.memory_space<vmem>>) attributes {dimension_semantics = [#tpu.dimension_semantics<arbitrary>], iteration_bounds = array<i64: 4>, scalar_prefetch = 0 : i64, scratch_operands = 0 : i64, tpu.core_type = #tpu.core_type<tc>, window_params = [{transform_indices = @transform_0, window_bounds = array<i64: 2528, 16>}, {transform_indices = @transform_1, window_bounds = array<i64: 2528, 16>}, {transform_indices = @transform_2, window_bounds = array<i64: 2528, 16>}, {transform_indices = @transform_3, window_bounds = array<i64: 2528, 16>}, {transform_indices = @transform_4, window_bounds = array<i64: 2528, 16>}, {pipeline_mode = #tpu.pipeline_mode<synchronous>, transform_indices = @transform_5, window_bounds = array<i64: 1, 16>}, {pipeline_mode = #tpu.pipeline_mode<synchronous>, transform_indices = @transform_6, window_bounds = array<i64: 16, 8>}, {pipeline_mode = #tpu.pipeline_mode<synchronous>, transform_indices = @transform_7, window_bounds = array<i64: 1, 8>}, {pipeline_mode = #tpu.pipeline_mode<synchronous>, transform_indices = @transform_8, window_bounds = array<i64: 8, 16>}, {pipeline_mode = #tpu.pipeline_mode<synchronous>, transform_indices = @transform_9, window_bounds = array<i64: 1, 16>}, {transform_indices = @transform_10, window_bounds = array<i64: 2528, 16>}]} {
    %get3A = arith.constant 0 : index
    %get3A_0 = arith.constant 0 : index
    %get3A_1 = vector.load %arg4[%get3A, %get3A_0] : memref<2528x16xf32, #tpu.memory_space<vmem>>, vector<2528x1xf32>
    %get3A_2 = arith.constant 0 : index
    %get3A_3 = arith.constant 0 : index
    %get3A_4 = vector.load %arg5[%get3A_2, %get3A_3] : memref<2528x16xf32, #tpu.memory_space<vmem>>, vector<2528x1xf32>
    %add3A = arith.addf %get3A_1, %get3A_4 : vector<2528x1xf32>
    %add3A_5 = arith.constant 1.000000e+00 : f32
    %add3A_6 = vector.broadcast %add3A_5 : f32 to vector<2528x1xf32>
    %add3A_7 = arith.addf %add3A, %add3A_6 : vector<2528x1xf32>
    %rsqrt3A = math.rsqrt %add3A_7 : vector<2528x1xf32>
    %get3A_8 = arith.constant 0 : index
    %get3A_9 = arith.constant 0 : index
    %get3A_10 = vector.load %arg1[%get3A_8, %get3A_9] : memref<2528x16xf32, #tpu.memory_space<vmem>>, vector<2528x16xf32>
    %get3A_11 = arith.constant 0 : index
    %get3A_12 = arith.constant 0 : index
    %get3A_13 = vector.load %arg2[%get3A_11, %get3A_12] : memref<2528x16xf32, #tpu.memory_space<vmem>>, vector<2528x16xf32>
    %add3A_14 = arith.addf %get3A_10, %get3A_13 : vector<2528x16xf32>
    %get3A_15 = arith.constant 0 : index
    %get3A_16 = arith.constant 0 : index
    %get3A_17 = vector.load %arg3[%get3A_15, %get3A_16] : memref<2528x16xf32, #tpu.memory_space<vmem>>, vector<2528x16xf32>
    %sub3A = arith.subf %add3A_14, %get3A_17 : vector<2528x16xf32>
    %mul3A = vector.broadcast %rsqrt3A : vector<2528x1xf32> to vector<2528x16xf32>
    %mul3A_18 = arith.mulf %mul3A, %sub3A : vector<2528x16xf32>
    %get3A_19 = arith.constant 0 : index
    %get3A_20 = arith.constant 0 : index
    %get3A_21 = vector.load %arg6[%get3A_19, %get3A_20] : memref<1x16xf32, #tpu.memory_space<vmem>>, vector<1x16xf32>
    %add3A_22 = vector.broadcast %get3A_21 : vector<1x16xf32> to vector<2528x16xf32>
    %add3A_23 = arith.addf %mul3A_18, %add3A_22 : vector<2528x16xf32>
    %max3A = arith.constant 0.000000e+00 : f32
    %max3A_24 = vector.broadcast %max3A : f32 to vector<2528x16xf32>
    %max3A_25 = arith.maximumf %add3A_23, %max3A_24 : vector<2528x16xf32>
    %get3A_26 = arith.constant 0 : index
    %get3A_27 = arith.constant 0 : index
    %get3A_28 = vector.load %arg7[%get3A_26, %get3A_27] : memref<16x8xf32, #tpu.memory_space<vmem>>, vector<16x8xf32>
    %dot_general3A = arith.constant dense<0.000000e+00> : vector<2528x8xf32>
    %dot_general3A_29 = tpu.matmul %max3A_25, %get3A_28, %dot_general3A {dimension_numbers = #tpu.dot_dimension_numbers<[1], [0], [0], [1], [0, 0, 1, 1], [], []>, transpose_lhs_hint = false} : vector<2528x16xf32>, vector<16x8xf32>, vector<2528x8xf32> -> vector<2528x8xf32>
    %get3A_30 = arith.constant 0 : index
    %get3A_31 = arith.constant 0 : index
    %get3A_32 = vector.load %arg8[%get3A_30, %get3A_31] : memref<1x8xf32, #tpu.memory_space<vmem>>, vector<1x8xf32>
    %add3A_33 = vector.broadcast %get3A_32 : vector<1x8xf32> to vector<2528x8xf32>
    %add3A_34 = arith.addf %dot_general3A_29, %add3A_33 : vector<2528x8xf32>
    %max3A_35 = arith.constant 0.000000e+00 : f32
    %max3A_36 = vector.broadcast %max3A_35 : f32 to vector<2528x8xf32>
    %max3A_37 = arith.maximumf %add3A_34, %max3A_36 : vector<2528x8xf32>
    %get3A_38 = arith.constant 0 : index
    %get3A_39 = arith.constant 0 : index
    %get3A_40 = vector.load %arg9[%get3A_38, %get3A_39] : memref<8x16xf32, #tpu.memory_space<vmem>>, vector<8x16xf32>
    %dot_general3A_41 = arith.constant dense<0.000000e+00> : vector<2528x16xf32>
    %dot_general3A_42 = tpu.matmul %max3A_37, %get3A_40, %dot_general3A_41 {dimension_numbers = #tpu.dot_dimension_numbers<[1], [0], [0], [1], [0, 0, 1, 1], [], []>, transpose_lhs_hint = false} : vector<2528x8xf32>, vector<8x16xf32>, vector<2528x16xf32> -> vector<2528x16xf32>
    %get3A_43 = arith.constant 0 : index
    %get3A_44 = arith.constant 0 : index
    %get3A_45 = vector.load %arg10[%get3A_43, %get3A_44] : memref<1x16xf32, #tpu.memory_space<vmem>>, vector<1x16xf32>
    %add3A_46 = vector.broadcast %get3A_45 : vector<1x16xf32> to vector<2528x16xf32>
    %add3A_47 = arith.addf %dot_general3A_42, %add3A_46 : vector<2528x16xf32>
    %swap3A = arith.constant 0 : index
    %swap3A_48 = arith.constant 0 : index
    %swap3A_49 = vector.load %arg11[%swap3A, %swap3A_48] : memref<2528x16xf32, #tpu.memory_space<vmem>>, vector<2528x16xf32>
    tpu.vector_store %arg11[%swap3A, %swap3A_48], %add3A_47 {strides = array<i32>} : memref<2528x16xf32, #tpu.memory_space<vmem>>, vector<2528x16xf32>,
    return
  }
  func.func @transform_0(%arg0: i32) -> (i32, i32) {
    %c0_i32 = arith.constant 0 : i32
    %c0_i32_0 = arith.constant 0 : i32
    return %arg0, %c0_i32 : i32, i32
  }
  func.func @transform_1(%arg0: i32) -> (i32, i32) {
    %c0_i32 = arith.constant 0 : i32
    %c0_i32_0 = arith.constant 0 : i32
    return %arg0, %c0_i32 : i32, i32
  }
  func.func @transform_2(%arg0: i32) -> (i32, i32) {
    %c0_i32 = arith.constant 0 : i32
    %c0_i32_0 = arith.constant 0 : i32
    return %arg0, %c0_i32 : i32, i32
  }
  func.func @transform_3(%arg0: i32) -> (i32, i32) {
    %c0_i32 = arith.constant 0 : i32
    %c0_i32_0 = arith.constant 0 : i32
    return %arg0, %c0_i32 : i32, i32
  }
  func.func @transform_4(%arg0: i32) -> (i32, i32) {
    %c0_i32 = arith.constant 0 : i32
    %c0_i32_0 = arith.constant 0 : i32
    return %arg0, %c0_i32 : i32, i32
  }
  func.func @transform_5(%arg0: i32) -> (i32, i32) {
    %c0_i32 = arith.constant 0 : i32
    %c0_i32_0 = arith.constant 0 : i32
    %c0_i32_1 = arith.constant 0 : i32
    return %c0_i32, %c0_i32_0 : i32, i32
  }
  func.func @transform_6(%arg0: i32) -> (i32, i32) {
    %c0_i32 = arith.constant 0 : i32
    %c0_i32_0 = arith.constant 0 : i32
    %c0_i32_1 = arith.constant 0 : i32
    return %c0_i32, %c0_i32_0 : i32, i32
  }
  func.func @transform_7(%arg0: i32) -> (i32, i32) {
    %c0_i32 = arith.constant 0 : i32
    %c0_i32_0 = arith.constant 0 : i32
    %c0_i32_1 = arith.constant 0 : i32
    return %c0_i32, %c0_i32_0 : i32, i32
  }
  func.func @transform_8(%arg0: i32) -> (i32, i32) {
    %c0_i32 = arith.constant 0 : i32
    %c0_i32_0 = arith.constant 0 : i32
    %c0_i32_1 = arith.constant 0 : i32
    return %c0_i32, %c0_i32_0 : i32, i32
  }
  func.func @transform_9(%arg0: i32) -> (i32, i32) {
    %c0_i32 = arith.constant 0 : i32
    %c0_i32_0 = arith.constant 0 : i32
    %c0_i32_1 = arith.constant 0 : i32
    return %c0_i32, %c0_i32_0 : i32, i32
  }
  func.func @transform_10(%arg0: i32) -> (i32, i32) {
    %c0_i32 = arith.constant 0 : i32
    %c0_i32_0 = arith.constant 0 : i32
    return %arg0, %c0_i32 : i32, i32
  }
}

</mosaic_0001>

<sc_bundles>
// kernel: kernel.10.cloned.1.call-start
scs
__scs_entry_jumppad:
0x0: {  	(pc) =	sbr.rel $0x88, $3  }
0x1: {  	(tag) =	ssettag $0x0;
	lr =	simm.s32 $0x1  }
0x2: {  	[smem:$0x3F95] =	sst lr;
	_ =	strace $0xD0000000  }
0x3: {  	_ = 	snop  }
0x4: {  	_ = 	snop  }
0x5: {  	_ = 	snop  }
0x6: {  	_ = 	snop  }
0x7: {  	_ = 	snop  }
__scs_overlays_trampoline_lowered:
0x8: {  	[smem:$0x3FA4] =	sst s0  }
0x9: {  	[smem:$0x3FA5] =	sst s1  }
0xa: {  	[smem:$0x3FA6] =	sst s2  }
0xb: {  	[smem:$0x3FA7] =	sst s3  }
0xc: {  	[smem:$0x3FA8] =	sst s4  }
0xd: {  	[smem:$0x3FA9] =	sst s5  }
0xe: {  	[smem:$0x3FAA] =	sst s6  }
0xf: {  	[smem:$0x3FAB] =	sst s7  }
0x10: {  	[smem:$0x3FAC] =	sst s8  }
0x11: {  	[smem:$0x3FAD] =	sst s9;
	s0 =	simm.s32 @!p0 $0x0  }
0x12: {  	s1 =	sld [smem:$0x3F93];
	s0 =	simm.s32 @p0 $0x1  }
0x13: {  	[smem:$0x3FAE] =	sst s0;
	s0 =	simm.s32 @!p1 $0x0  }
0x14: {  	s2 =	sld [smem:$0x3F92];
	s0 =	simm.s32 @p1 $0x1  }
0x15: {  	[smem:$0x3FAF] =	sst s0;
	s0 =	simm.s32 @!p2 $0x0  }
0x16: {  	s3 =	sld [smem:$0x3FDB];
	s0 =	simm.s32 @p2 $0x1  }
0x17: {  	s4 =	simm.s32 $0x1BF5;
	[smem:$0x3FB1] =	sst s0  }
0x18: {  	s0 =	sld [smem:$0x3F94];
	_ =	swait.ge [sflag:s4], $0x0  }
0x19: {  	s7 =	sld [smem:$0x3F95]  }
0x1a: {  	s8 =	sadd.s32 $0xFFFFE003, lr  }
0x1b: {  	s9 =	sadd.s32 $0xFFFFFEF7, lr;
	s5 =	simm.s32 $0xFFFFFFFF;
	p2 =	slt.u32 s8, $0xFFFFF086  }
0x1c: {  	p1 =	slt.u32 s9, $0xF7A;
	s5 =	simm.s32 @!p2 $0x0  }
0x1d: {  	s5 =	simm.s32 @p1 $0x1;
	p0 =	seq.s32 s7, s2  }
0x1e: {  	s7 =	smul.u32 @!p0 $0xF7A, s2;
	p2 =	seq.s32 @!p0 s5, $0x0  }
0x1f: {  	s9 =	smul.u32 $0xF7A, s1;
	s8 =	simm.s32 @!p0 $0x1BF5;
	p2 =	por !p2, p0  }
0x20: {  	[sflag:s8] =	ssyncset.s32 @!p0 $0xFFFFF086;
	s6 =	sadd.s32 @!p0 s3, s7;
	s7 =	simm.s32 @!p0 $0x108  }
0x21: {  	s3 =	sadd.s32 s3, s9;
	s6 =	sadd.s32 @!p0 $0x88, s6;
	s7 =	simm.s32 @p2 $0x1082  }
0x22: {  	[simem:s7], [sflag:s8] =	dma.local @!p0 [hbm:s6], $0xF7A  }
0x23: {  	s9 =	sor.u32 $0xD0000000, s2;
	s6 =	simm.s32 $0x108;
	_ =	swait.ge @!p0 [sflag:s8], $0x0  }
0x24: {  	s3 =	sadd.s32 $0x88, s3;
	s6 =	simm.s32 @!p1 $0x1082;
	[sflag:s4] =	ssyncset.s32 $0xFFFFF086  }
0x25: {  	[simem:s6], [sflag:s4] =	dma.local [hbm:s3], $0xF7A  }
0x26: {  	[smem:$0x3F95] =	sst s1;
	(tag) =	ssettag s2;
	_ =	strace s9  }
0x27: {  	s1 =	sld [smem:$0x3FA5]  }
0x28: {  	s2 =	sld [smem:$0x3FA6]  }
0x29: {  	s4 =	sld [smem:$0x3FA8]  }
0x2a: {  	p0 =	seq.s32 s5, $0x0;
	s5 =	sld [smem:$0x3FA9]  }
0x2b: {  	s6 =	sld [smem:$0x3FAA]  }
0x2c: {  	s7 =	sld [smem:$0x3FAB]  }
0x2d: {  	s3 =	simm.s32 $0x108;
	s8 =	sld [smem:$0x3FAC]  }
0x2e: {  	s3 =	simm.s32 @!p0 $0x1082;
	s9 =	sld [smem:$0x3FAD]  }
0x2f: {  	lr =	sadd.s32 s0, s3;
	s0 =	sld [smem:$0x3FA4]  }
0x30: {  	s3 =	sld [smem:$0x3FA7]  }
0x31: {  	[smem:$0x3FB0] =	sst s10  }
0x32: {  	s10 =	sld [smem:$0x3FAE];
	_ =	sdelay $0x3  }
0x33: {  	p0 =	seq.s32 s10, $0x1;
	s10 =	sld [smem:$0x3FB0];
	_ =	sdelay $0x3  }
0x34: {  	[smem:$0x3FB0] =	sst s10  }
0x35: {  	s10 =	sld [smem:$0x3FAF];
	_ =	sdelay $0x3  }
0x36: {  	p1 =	seq.s32 s10, $0x1;
	s10 =	sld [smem:$0x3FB0];
	_ =	sdelay $0x3  }
0x37: {  	[smem:$0x3FB0] =	sst s10  }
0x38: {  	s10 =	sld [smem:$0x3FB1]  }
0x39: {  	_ = 	snop;
	(pc) =	sbr.ind lr, $3  }
0x3a: {  	_ = 	snop  }
0x3b: {  	_ = 	snop  }
0x3c: {  	p2 =	seq.s32 s10, $0x1;
	s10 =	sld [smem:$0x3FB0]  }
0x3d: {  	_ =	shalt  }
0x3e: {  	_ =	shalt  }
0x3f: {  	_ =	shalt  }
0x40: {  	_ =	shalt  }
0x41: {  	_ =	shalt  }
0x42: {  	_ =	shalt  }
0x43: {  	_ =	shalt  }
0x44: {  	_ =	shalt  }
0x45: {  	_ =	shalt  }
0x46: {  	_ =	shalt  }
0x47: {  	_ =	shalt  }
0x48: {  	_ =	shalt  }
0x49: {  	_ =	shalt  }
0x4a: {  	_ =	shalt  }
0x4b: {  	_ =	shalt  }
0x4c: {  	_ =	shalt  }
0x4d: {  	_ =	shalt  }
0x4e: {  	_ =	shalt  }
0x4f: {  	_ =	shalt  }
0x50: {  	_ =	shalt  }
0x51: {  	_ =	shalt  }
0x52: {  	_ =	shalt  }
0x53: {  	_ =	shalt  }
0x54: {  	_ =	shalt  }
0x55: {  	_ =	shalt  }
0x56: {  	_ =	shalt  }
0x57: {  	_ =	shalt  }
0x58: {  	_ =	shalt  }
0x59: {  	_ =	shalt  }
0x5a: {  	_ =	shalt  }
0x5b: {  	_ =	shalt  }
0x5c: {  	_ =	shalt  }
0x5d: {  	_ =	shalt  }
0x5e: {  	_ =	shalt  }
0x5f: {  	_ =	shalt  }
0x60: {  	_ =	shalt  }
0x61: {  	_ =	shalt  }
0x62: {  	_ =	shalt  }
0x63: {  	_ =	shalt  }
0x64: {  	_ =	shalt  }
0x65: {  	_ =	shalt  }
0x66: {  	_ =	shalt  }
0x67: {  	_ =	shalt  }
0x68: {  	_ =	shalt  }
0x69: {  	_ =	shalt  }
0x6a: {  	_ =	shalt  }
0x6b: {  	_ =	shalt  }
0x6c: {  	_ =	shalt  }
0x6d: {  	_ =	shalt  }
0x6e: {  	_ =	shalt  }
0x6f: {  	_ =	shalt  }
0x70: {  	_ =	shalt  }
0x71: {  	_ =	shalt  }
0x72: {  	_ =	shalt  }
0x73: {  	_ =	shalt  }
0x74: {  	_ =	shalt  }
0x75: {  	_ =	shalt  }
0x76: {  	_ =	shalt  }
0x77: {  	_ =	shalt  }
0x78: {  	_ =	shalt  }
0x79: {  	_ =	shalt  }
0x7a: {  	_ =	shalt  }
0x7b: {  	_ =	shalt  }
0x7c: {  	_ =	shalt  }
0x7d: {  	_ =	shalt  }
0x7e: {  	_ =	shalt  }
0x7f: {  	_ =	shalt  }
0x80: {  	_ =	shalt  }
0x81: {  	_ =	shalt  }
0x82: {  	_ =	shalt  }
0x83: {  	_ =	shalt  }
0x84: {  	_ =	shalt  }
0x85: {  	_ =	shalt  }
0x86: {  	_ =	shalt  }
0x87: {  	_ =	shalt  }
.Lfunc_end0:
.L_simem_size_0:
called_computation_lowered:
.L_overlay_start_0:
0x88: {  	s2 =	sld [smem:$0x3FD9]  }
0x89: {  	s3 =	sld [smem:$0x3FFE];
	_ =	sdelay $0x1  }
0x8a: {  	s1 =	srdreg.scid  }
0x8b: {  	s0 =	sand.u32 $0x1, s1  }
0x8c: {  	s17 =	sshll.u32 s0, $0xA;
	s2 =	sadd.s32 s3, s2  }
0x8d: {  	s2 =	sadd.s32 s2, s17  }
0x8e: {  	[smem:$0x3FBC] =	sst s2  }
0x8f: {  	_ = 	snop  }
0x90: {  	s2 =	sld [smem:$0x3FD0];
	(tm) =	ssettm $0x1  }
0x91: {  	s18 =	sld [smem:$0x3FFB];
	_ =	sdelay $0x3  }
0x92: {  	_ =	strace s18  }
0x93: {  	s3 =	sld [smem:$0x3FFC];
	_ =	sdelay $0x3  }
0x94: {  	_ =	strace s3  }
0x95: {  	s3 =	sld [smem:$0x3FFD];
	_ =	sdelay $0x3  }
0x96: {  	_ =	strace s3  }
0x97: {  	_ =	strace $0x8FFFFFFF  }
0x98: {  	s19 =	sld [smem:$0x3FDB];
	_ =	sdelay $0x1  }
0x99: {  	s4 =	simm.s32 $_scs_section_size  }
0x9a: {  	s5 =	simm.s32 $_size__tile_overlayer_lowered;
	s6 =	simm.s32 $_tile_overlayer_lowered  }
0x9b: {  	s22 =	simm.s32 $0x1BFF;
	s21 =	sshll.u32 s6, $0x1;
	s3 =	sadd.s32 s4, s19  }
0x9c: {  	s7 =	simm.s32 $0x0;
	s20 =	sshll.u32 s5, $0x1;
	s5 =	sadd.s32 s21, s3  }
0x9d: {  	[timem:s7], [sflag:s22] =	dma.local [hbm:s5], s20  }
0x9e: {  	_ =	swait.ge [sflag:s22], s20  }
0x9f: {  	s4 =	ssub.s32 $0x0, s20;
	[sflag:s22] =	ssyncset.done $0x0  }
0xa0: {  	[sflag:s22] =	ssyncadd.s32 s4;
	_ =	sdelay $0x1  }
0xa1: {  	s23 =	simm.s32 $0x1B8B  }
0xa2: {  	_ =	swait.ge [sflag:s23], $0x1  }
0xa3: {  	[sflag:s23] =	ssyncset.done $0x0  }
0xa4: {  	s25 =	simm.s32 $0x1B8E;
	s24 =	sld [smem:$0x3FFE];
	[sflag:s23] =	ssyncadd.s32 $0xFFFFFFFF  }
0xa5: {  	s26 =	simm.s32 $execute0_lowered;
	[smem:$0x3FD2] =	sst s25  }
0xa6: {  	s5 =	sshll.u32 s26, $0x1;
	_ =	strace $0x80000046;
	[dreg:$0x1] =	wrdreg $0xFFFFFFFF  }
0xa7: {  	s28 =	simm.s32 $_size_execute0_lowered;
	s3 =	sadd.s32 s3, s5;
	[dreg:$0x0] =	wrdreg $0x0  }
0xa8: {  	s5 =	sshll.u32 s28, $0x1;
	[dreg:$0x2] =	wrdreg s3  }
0xa9: {  	[dreg:$0x3] =	wrdreg s5  }
0xaa: {  	[dreg:$0x4] =	wrdreg $0xC0  }
0xab: {  	_ =	task [dreg:s7], $0x5FFFF  }
0xac: {  	[dreg:$0x1] =	wrdreg $0xFFFFFFFF  }
0xad: {  	[dreg:$0x0] =	wrdreg $0x60  }
0xae: {  	[dreg:$0x2] =	wrdreg s24  }
0xaf: {  	[dreg:$0x3] =	wrdreg s2  }
0xb0: {  	[dreg:$0x4] =	wrdreg $0x68000  }
0xb1: {  	[dreg:$0x5] =	wrdreg $0x9  }
0xb2: {  	_ =	task.clear_ibuf [dreg:s7], $0x6FFFF;
	_ =	strace $0x90000046  }
0xb3: {  	s29 =	simm.s32 $0x9;
	_ =	strace $0x80000048  }
0xb4: {  	_ =	swait.ge [sflag:s29], $0x1  }
0xb5: {  	[sflag:s29] =	ssyncadd.s32 $0xFFFFFFFF  }
0xb6: {  	_ =	strace $0x90000048  }
0xb7: {  	_ =	sfence  }
0xb8: {  	s30 =	sld [smem:$0x0];
	_ =	sdelay $0x2  }
0xb9: {  	s31 =	sshll.u32 s1, $0xD;
	s1 =	sshrl.u32 s1, $0x2  }
0xba: {  	s3 =	sand.u32 $0x4000, s31;
	s1 =	sadd.s32 s1, s30  }
0xbb: {  	s0 =	sor.u32 s3, s0;
	s1 =	sshll.u32 s1, $0x11  }
0xbc: {  	s0 =	sor.u32 s1, s0  }
0xbd: {  	s0 =	sadd.s32 $0x8F2B, s0  }
0xbe: {  	[sflag:s0] =	ssyncadd.remote.s32 $0x1  }
0xbf: {  	_ =	sfence.sel $0xFFFF  }
0xc0: {  	[dreg:$0x0] =	wrdreg $0xFFFFFFFF;
	(pc) =	sbr.abs _section_cstart, $3  }
0xc1: {  	[dreg:$0x1] =	wrdreg $0xFFFFFFFF  }
0xc2: {  	_ =	task.clear_ibuf [dreg:s7], $0x2FFFF;
	_ =	strace $0x9FFFFFFF  }
0xc3: {  	(tm) =	ssettm $0x7FFFFFFF  }
tec
execute0_lowered:
.L_overlay_start_1:
0x0: {  	(tag) =	ssettag $0x1  }
0x1: {  	s20 =	rddreg [dreg:$0x0]  }
0x2: {  	s4 =	rddreg [dreg:$0x1]  }
0x3: {  	s2 =	rddreg [dreg:$0x2];
	s1 =	stileid.u32  }
0x4: {  	s0 =	rddreg [dreg:$0x3];
	s3 =	simm.s32 $0x0;
	s6 =	srdreg.scid  }
0x5: {  	s5 =	smul.u32 $0x2780, s1;
	[smem:$0x7FF] =	sst s3  }
0x6: {  	s22 =	sand.u32 $0x1, s6;
	s30 =	sshll.u32 s1, $0x6;
	s6 =	simm.s32 $0x1  }
0x7: {  	_ =	strace $0x80000047;
	s21 =	sshrl.u32 s5, $0x3;
	s29 =	sadd.s32 s5, s2  }
0x8: {  	s5 =	sor.u32 $0x1C01, s30;
	s4 =	sadd.s32 s4, s21;
	s7 =	sshrl.u32 s29, $0x3  }
0x9: {  	[spmem:s7], [sflag:s5] =	dma.local [hbm:s4], $0x4F0  }
0xa: {  	s9 =	sshll.u32 s22, $0x4;
	_ =	swait.ge [sflag:s6], $0x4F0  }
0xb: {  	s8 =	sadd.s32 $0x19600, s20;
	s9 =	sor.u32 s1, s9;
	[sflag:s6] =	ssyncset.done $0x0  }
0xc: {  	s10 =	smul.u32 $0x2800, s9;
	s9 =	simm.s32 $0x2800;
	[sflag:s6] =	ssyncadd.s32 $0xFFFFFB10  }
0xd: {  	[tilespmem:s9], [sflag:$0x1] =	stream.linear.gather [hbm4b:s8+s3], $0x4000, $0x38;
	[tilespmem:$0x8F80] =	vst v63  }
0xe: {  	s10 =	sshrl.u32 s10, $0x3;
	_ =	swait.ge [sflag:s6], $0x4000  }
0xf: {  	s10 =	sadd.s32 s20, s10;
	[sflag:s6] =	ssyncset.done $0x0  }
0x10: {  	s10 =	sadd.s32 $0xF600, s10;
	[sflag:s6] =	ssyncadd.s32 $0xFFFFC000  }
0x11: {  	[tilespmem:s3], [sflag:$0x1] =	stream.linear.gather [hbm4b:s10+s3], $0x2800, $0x38;
	[tilespmem:$0x8F80] =	vst v63  }
0x12: {  	_ =	swait.ge [sflag:s6], $0x2800  }
0x13: {  	[sflag:s6] =	ssyncset.done $0x0  }
0x14: {  	[sflag:s6] =	ssyncadd.s32 $0xFFFFD800  }
0x15: {  	s11 =	simm.s32 $0x400;
	[bflag:$0x0] =	sbarrier.arrive $0xFFFF  }
0x16: {  	[spmem:s2] =	stream.indirect.scatter.add.f32 [tilespmem:s9], [sflag:$0x1], $0x10, s3, s11, $0xb8;
	[tilespmem:$0x8F80] =	vst v63  }
0x17: {  	_ =	swait.ge [sflag:s6], $0x4000  }
0x18: {  	[sflag:s6] =	ssyncset.done $0x0  }
0x19: {  	[sflag:s6] =	ssyncadd.s32 $0xFFFFC000  }
0x1a: {  	[spmem:s2] =	stream.indirect.scatter.add.f32 [tilespmem:s9], [sflag:$0x1], $0x10, s11, s11, $0xb8;
	[tilespmem:$0x8F80] =	vst v63  }
0x1b: {  	_ =	swait.ge [sflag:s6], $0x4000  }
0x1c: {  	[sflag:s6] =	ssyncset.done $0x0  }
0x1d: {  	s12 =	simm.s32 $0x800;
	[sflag:s6] =	ssyncadd.s32 $0xFFFFC000  }
0x1e: {  	[spmem:s2] =	stream.indirect.scatter.add.f32 [tilespmem:s9], [sflag:$0x1], $0x10, s12, s11, $0xb8;
	[tilespmem:$0x8F80] =	vst v63  }
0x1f: {  	_ =	swait.ge [sflag:s6], $0x4000  }
0x20: {  	[sflag:s6] =	ssyncset.done $0x0  }
0x21: {  	s13 =	simm.s32 $0xC00;
	[sflag:s6] =	ssyncadd.s32 $0xFFFFC000  }
0x22: {  	[spmem:s2] =	stream.indirect.scatter.add.f32 [tilespmem:s9], [sflag:$0x1], $0x10, s13, s11, $0xb8;
	[tilespmem:$0x8F80] =	vst v63  }
0x23: {  	_ =	swait.ge [sflag:s6], $0x4000  }
0x24: {  	[sflag:s6] =	ssyncset.done $0x0  }
0x25: {  	s14 =	simm.s32 $0x1000;
	[sflag:s6] =	ssyncadd.s32 $0xFFFFC000  }
0x26: {  	[spmem:s2] =	stream.indirect.scatter.add.f32 [tilespmem:s9], [sflag:$0x1], $0x10, s14, s11, $0xb8;
	[tilespmem:$0x8F80] =	vst v63  }
0x27: {  	_ =	swait.ge [sflag:s6], $0x4000  }
0x28: {  	[sflag:s6] =	ssyncset.done $0x0  }
0x29: {  	s15 =	simm.s32 $0x1400;
	[sflag:s6] =	ssyncadd.s32 $0xFFFFC000  }
0x2a: {  	[spmem:s2] =	stream.indirect.scatter.add.f32 [tilespmem:s9], [sflag:$0x1], $0x10, s15, s11, $0xb8;
	[tilespmem:$0x8F80] =	vst v63  }
0x2b: {  	_ =	swait.ge [sflag:s6], $0x4000  }
0x2c: {  	[sflag:s6] =	ssyncset.done $0x0  }
0x2d: {  	s16 =	simm.s32 $0x1800;
	[sflag:s6] =	ssyncadd.s32 $0xFFFFC000  }
0x2e: {  	[spmem:s2] =	stream.indirect.scatter.add.f32 [tilespmem:s9], [sflag:$0x1], $0x10, s16, s11, $0xb8;
	[tilespmem:$0x8F80] =	vst v63  }
0x2f: {  	_ =	swait.ge [sflag:s6], $0x4000  }
0x30: {  	[sflag:s6] =	ssyncset.done $0x0  }
0x31: {  	s17 =	simm.s32 $0x1C00;
	[sflag:s6] =	ssyncadd.s32 $0xFFFFC000  }
0x32: {  	[spmem:s2] =	stream.indirect.scatter.add.f32 [tilespmem:s9], [sflag:$0x1], $0x10, s17, s11, $0xb8;
	[tilespmem:$0x8F80] =	vst v63  }
0x33: {  	_ =	swait.ge [sflag:s6], $0x4000  }
0x34: {  	[sflag:s6] =	ssyncset.done $0x0  }
0x35: {  	s18 =	simm.s32 $0x2000;
	[sflag:s6] =	ssyncadd.s32 $0xFFFFC000  }
0x36: {  	[spmem:s2] =	stream.indirect.scatter.add.f32 [tilespmem:s9], [sflag:$0x1], $0x10, s18, s11, $0xb8;
	[tilespmem:$0x8F80] =	vst v63  }
0x37: {  	s23 =	ssub.s32 $0x2, s22;
	_ =	swait.ge [sflag:s6], $0x4000  }
0x38: {  	s19 =	simm.s32 $0x2400;
	s24 =	sshrl.u32 s23, $0x1;
	[sflag:s6] =	ssyncset.done $0x0  }
0x39: {  	p0 =	seq.s32 s22, $0x1;
	s23 =	ssub.s32 s23, s24;
	[sflag:s6] =	ssyncadd.s32 $0xFFFFC000  }
0x3a: {  	[spmem:s2] =	stream.indirect.scatter.add.f32 [tilespmem:s9], [sflag:$0x1], $0x10, s19, s11, $0xb8;
	[tilespmem:$0x8F80] =	vst v63  }
0x3b: {  	s22 =	simm.s32 $0x19E00;
	s31 =	smax.u32 s23, $0x1;
	_ =	swait.ge [sflag:s6], $0x4000  }
0x3c: {  	s22 =	simm.s32 @!p0 $0x1EE00;
	p0 =	sne.s32 s31, $0x1;
	[sflag:s6] =	ssyncset.done $0x0  }
.Ltmp0:
0x3d: {  	s20 =	sadd.s32 s22, s20;
	[sflag:s6] =	ssyncadd.s32 $0xFFFFC000;
	(pc) =	sbr.rel @!p0 .LBB2_2-.Ltmp0, $4  }
0x3e: {  	s20 =	sadd.s32 s20, s21;
	[bflag:$0x0] =	sbarrier.arrive $0xFFFF  }
0x3f: {  	[hbm:s20], [sflag:s5] =	dma.local [spmem:s7], $0x4F0  }
0x40: {  	_ =	swait.ge [sflag:s6], $0x4F0  }
0x41: {  	s21 =	sadd.s32 $0xFFFFFFFF, s31;
	[sflag:s6] =	ssyncset.done $0x0  }
.LBB2_1:
0x42: {  	p0 =	sne.s32 s21, $0x1;
	s21 =	sadd.s32 $0xFFFFFFFF, s21;
	[sflag:s6] =	ssyncadd.s32 $0xFFFFFB10  }
0x43: {  	[spmem:s7], [sflag:s5] =	dma.local [hbm:s4], $0x4F0  }
0x44: {  	_ =	swait.ge [sflag:s6], $0x4F0  }
0x45: {  	[sflag:s6] =	ssyncset.done $0x0  }
0x46: {  	[sflag:s6] =	ssyncadd.s32 $0xFFFFFB10  }
0x47: {  	[tilespmem:s9], [sflag:$0x1] =	stream.linear.gather [hbm4b:s8+s3], $0x4000, $0x38;
	[tilespmem:$0x8F80] =	vst v63  }
0x48: {  	_ =	swait.ge [sflag:s6], $0x4000  }
0x49: {  	[sflag:s6] =	ssyncset.done $0x0  }
0x4a: {  	[sflag:s6] =	ssyncadd.s32 $0xFFFFC000  }
0x4b: {  	[tilespmem:s3], [sflag:$0x1] =	stream.linear.gather [hbm4b:s10+s3], $0x2800, $0x38;
	[tilespmem:$0x8F80] =	vst v63  }
0x4c: {  	_ =	swait.ge [sflag:s6], $0x2800  }
0x4d: {  	[sflag:s6] =	ssyncset.done $0x0  }
0x4e: {  	[sflag:s6] =	ssyncadd.s32 $0xFFFFD800  }
0x4f: {  	[bflag:$0x0] =	sbarrier.arrive $0xFFFF  }
0x50: {  	[spmem:s2] =	stream.indirect.scatter.add.f32 [tilespmem:s9], [sflag:$0x1], $0x10, s3, s11, $0xb8;
	[tilespmem:$0x8F80] =	vst v63  }
0x51: {  	_ =	swait.ge [sflag:s6], $0x4000  }
0x52: {  	[sflag:s6] =	ssyncset.done $0x0  }
0x53: {  	[sflag:s6] =	ssyncadd.s32 $0xFFFFC000  }
0x54: {  	[spmem:s2] =	stream.indirect.scatter.add.f32 [tilespmem:s9], [sflag:$0x1], $0x10, s11, s11, $0xb8;
	[tilespmem:$0x8F80] =	vst v63  }
0x55: {  	_ =	swait.ge [sflag:s6], $0x4000  }
0x56: {  	[sflag:s6] =	ssyncset.done $0x0  }
0x57: {  	[sflag:s6] =	ssyncadd.s32 $0xFFFFC000  }
0x58: {  	[spmem:s2] =	stream.indirect.scatter.add.f32 [tilespmem:s9], [sflag:$0x1], $0x10, s12, s11, $0xb8;
	[tilespmem:$0x8F80] =	vst v63  }
0x59: {  	_ =	swait.ge [sflag:s6], $0x4000  }
0x5a: {  	[sflag:s6] =	ssyncset.done $0x0  }
0x5b: {  	[sflag:s6] =	ssyncadd.s32 $0xFFFFC000  }
0x5c: {  	[spmem:s2] =	stream.indirect.scatter.add.f32 [tilespmem:s9], [sflag:$0x1], $0x10, s13, s11, $0xb8;
	[tilespmem:$0x8F80] =	vst v63  }
0x5d: {  	_ =	swait.ge [sflag:s6], $0x4000  }
0x5e: {  	[sflag:s6] =	ssyncset.done $0x0  }
0x5f: {  	[sflag:s6] =	ssyncadd.s32 $0xFFFFC000  }
0x60: {  	[spmem:s2] =	stream.indirect.scatter.add.f32 [tilespmem:s9], [sflag:$0x1], $0x10, s14, s11, $0xb8;
	[tilespmem:$0x8F80] =	vst v63  }
0x61: {  	_ =	swait.ge [sflag:s6], $0x4000  }
0x62: {  	[sflag:s6] =	ssyncset.done $0x0  }
0x63: {  	[sflag:s6] =	ssyncadd.s32 $0xFFFFC000  }
0x64: {  	[spmem:s2] =	stream.indirect.scatter.add.f32 [tilespmem:s9], [sflag:$0x1], $0x10, s15, s11, $0xb8;
	[tilespmem:$0x8F80] =	vst v63  }
0x65: {  	_ =	swait.ge [sflag:s6], $0x4000  }
0x66: {  	[sflag:s6] =	ssyncset.done $0x0  }
0x67: {  	[sflag:s6] =	ssyncadd.s32 $0xFFFFC000  }
0x68: {  	[spmem:s2] =	stream.indirect.scatter.add.f32 [tilespmem:s9], [sflag:$0x1], $0x10, s16, s11, $0xb8;
	[tilespmem:$0x8F80] =	vst v63  }
0x69: {  	_ =	swait.ge [sflag:s6], $0x4000  }
0x6a: {  	[sflag:s6] =	ssyncset.done $0x0  }
0x6b: {  	[sflag:s6] =	ssyncadd.s32 $0xFFFFC000  }
0x6c: {  	[spmem:s2] =	stream.indirect.scatter.add.f32 [tilespmem:s9], [sflag:$0x1], $0x10, s17, s11, $0xb8;
	[tilespmem:$0x8F80] =	vst v63  }
0x6d: {  	_ =	swait.ge [sflag:s6], $0x4000  }
0x6e: {  	[sflag:s6] =	ssyncset.done $0x0  }
0x6f: {  	[sflag:s6] =	ssyncadd.s32 $0xFFFFC000  }
0x70: {  	[spmem:s2] =	stream.indirect.scatter.add.f32 [tilespmem:s9], [sflag:$0x1], $0x10, s18, s11, $0xb8;
	[tilespmem:$0x8F80] =	vst v63  }
0x71: {  	_ =	swait.ge [sflag:s6], $0x4000  }
0x72: {  	[sflag:s6] =	ssyncset.done $0x0  }
0x73: {  	[sflag:s6] =	ssyncadd.s32 $0xFFFFC000  }
0x74: {  	[spmem:s2] =	stream.indirect.scatter.add.f32 [tilespmem:s9], [sflag:$0x1], $0x10, s19, s11, $0xb8;
	[tilespmem:$0x8F80] =	vst v63  }
0x75: {  	_ =	swait.ge [sflag:s6], $0x4000  }
0x76: {  	[sflag:s6] =	ssyncset.done $0x0  }
.Ltmp1:
0x77: {  	[sflag:s6] =	ssyncadd.s32 $0xFFFFC000;
	(pc) =	sbr.rel @p0 .LBB2_1-.Ltmp1, $4  }
0x78: {  	[bflag:$0x0] =	sbarrier.arrive $0xFFFF  }
0x79: {  	[hbm:s20], [sflag:s5] =	dma.local [spmem:s7], $0x4F0  }
0x7a: {  	_ =	swait.ge [sflag:s6], $0x4F0  }
0x7b: {  	[sflag:s6] =	ssyncset.done $0x0  }
.LBB2_2:
0x7c: {  	[sflag:s6] =	ssyncadd.s32 $0xFFFFFB10  }
0x7d: {  	_ =	sfence.sel $0x180000  }
0x7e: {  	[bflag:$0x0] =	sbarrier.arrive $0xFFFF  }
0x7f: {  	p0 =	sne.s32 s1, $0x0;
	_ =	strace $0x90000047  }
0x80: {  	s0 =	sadd.s32 @!p0 $0x100000, s0;
	[bflag:$0x2] =	sbarrier.arrive $0xFFFF  }
0x81: {  	[sflag:s0] =	ssyncadd.tile.s32 @!p0 $0x1;
	_ =	shalt  }
.Lfunc_end2:
_tile_overlayer_lowered:
.L_overlay_start_2:
0x82: {  	(tag) =	ssettag $0x2  }
0x83: {  	s0 =	rddreg [dreg:$0x0];
	s2 =	stileid.u32  }
0x84: {  	s1 =	rddreg [dreg:$0x1];
	p0 =	sne.s32 s2, $0x0  }
0x85: {  	s3 =	rddreg [dreg:$0x2];
	[bflag:$0x3] =	sbarrier.arrive $0xFFFF;
	s2 =	simm.s32 @!p0 $0x1C01  }
0x86: {  	[timem:s3], [sflag:s2] =	dma.local @!p0 [hbm:s0], s1  }
0x87: {  	s0 =	simm.s32 @!p0 $0x1  }
0x88: {  	_ =	swait.ge @!p0 [sflag:s0], s1  }
0x89: {  	s1 =	ssub.s32 @!p0 $0x0, s1;
	[sflag:s0] =	ssyncset.done @!p0 $0x0  }
0x8a: {  	[sflag:s0] =	ssyncadd.s32 @!p0 s1  }
0x8b: {  	[bflag:$0x3] =	sbarrier.arrive $0xFFFF  }
0x8c: {  	_ =	shalt  }

// kernel: kernel.13.cloned.1.call-start
scs
__scs_entry_jumppad:
0x0: {  	(pc) =	sbr.rel $0x88, $3  }
0x1: {  	(tag) =	ssettag $0x0;
	lr =	simm.s32 $0x1  }
0x2: {  	[smem:$0x3F95] =	sst lr;
	_ =	strace $0xD0000000  }
0x3: {  	_ = 	snop  }
0x4: {  	_ = 	snop  }
0x5: {  	_ = 	snop  }
0x6: {  	_ = 	snop  }
0x7: {  	_ = 	snop  }
__scs_overlays_trampoline_lowered:
0x8: {  	[smem:$0x3FA4] =	sst s0  }
0x9: {  	[smem:$0x3FA5] =	sst s1  }
0xa: {  	[smem:$0x3FA6] =	sst s2  }
0xb: {  	[smem:$0x3FA7] =	sst s3  }
0xc: {  	[smem:$0x3FA8] =	sst s4  }
0xd: {  	[smem:$0x3FA9] =	sst s5  }
0xe: {  	[smem:$0x3FAA] =	sst s6  }
0xf: {  	[smem:$0x3FAB] =	sst s7  }
0x10: {  	[smem:$0x3FAC] =	sst s8  }
0x11: {  	[smem:$0x3FAD] =	sst s9;
	s0 =	simm.s32 @!p0 $0x0  }
0x12: {  	s1 =	sld [smem:$0x3F93];
	s0 =	simm.s32 @p0 $0x1  }
0x13: {  	[smem:$0x3FAE] =	sst s0;
	s0 =	simm.s32 @!p1 $0x0  }
0x14: {  	s2 =	sld [smem:$0x3F92];
	s0 =	simm.s32 @p1 $0x1  }
0x15: {  	[smem:$0x3FAF] =	sst s0;
	s0 =	simm.s32 @!p2 $0x0  }
0x16: {  	s3 =	sld [smem:$0x3FDB];
	s0 =	simm.s32 @p2 $0x1  }
0x17: {  	s4 =	simm.s32 $0x1BF5;
	[smem:$0x3FB1] =	sst s0  }
0x18: {  	s0 =	sld [smem:$0x3F94];
	_ =	swait.ge [sflag:s4], $0x0  }
0x19: {  	s7 =	sld [smem:$0x3F95]  }
0x1a: {  	s8 =	sadd.s32 $0xFFFFE003, lr  }
0x1b: {  	s9 =	sadd.s32 $0xFFFFFEF7, lr;
	s5 =	simm.s32 $0xFFFFFFFF;
	p2 =	slt.u32 s8, $0xFFFFF086  }
0x1c: {  	p1 =	slt.u32 s9, $0xF7A;
	s5 =	simm.s32 @!p2 $0x0  }
0x1d: {  	s5 =	simm.s32 @p1 $0x1;
	p0 =	seq.s32 s7, s2  }
0x1e: {  	s7 =	smul.u32 @!p0 $0xF7A, s2;
	p2 =	seq.s32 @!p0 s5, $0x0  }
0x1f: {  	s9 =	smul.u32 $0xF7A, s1;
	s8 =	simm.s32 @!p0 $0x1BF5;
	p2 =	por !p2, p0  }
0x20: {  	[sflag:s8] =	ssyncset.s32 @!p0 $0xFFFFF086;
	s6 =	sadd.s32 @!p0 s3, s7;
	s7 =	simm.s32 @!p0 $0x108  }
0x21: {  	s3 =	sadd.s32 s3, s9;
	s6 =	sadd.s32 @!p0 $0x88, s6;
	s7 =	simm.s32 @p2 $0x1082  }
0x22: {  	[simem:s7], [sflag:s8] =	dma.local @!p0 [hbm:s6], $0xF7A  }
0x23: {  	s9 =	sor.u32 $0xD0000000, s2;
	s6 =	simm.s32 $0x108;
	_ =	swait.ge @!p0 [sflag:s8], $0x0  }
0x24: {  	s3 =	sadd.s32 $0x88, s3;
	s6 =	simm.s32 @!p1 $0x1082;
	[sflag:s4] =	ssyncset.s32 $0xFFFFF086  }
0x25: {  	[simem:s6], [sflag:s4] =	dma.local [hbm:s3], $0xF7A  }
0x26: {  	[smem:$0x3F95] =	sst s1;
	(tag) =	ssettag s2;
	_ =	strace s9  }
0x27: {  	s1 =	sld [smem:$0x3FA5]  }
0x28: {  	s2 =	sld [smem:$0x3FA6]  }
0x29: {  	s4 =	sld [smem:$0x3FA8]  }
0x2a: {  	p0 =	seq.s32 s5, $0x0;
	s5 =	sld [smem:$0x3FA9]  }
0x2b: {  	s6 =	sld [smem:$0x3FAA]  }
0x2c: {  	s7 =	sld [smem:$0x3FAB]  }
0x2d: {  	s3 =	simm.s32 $0x108;
	s8 =	sld [smem:$0x3FAC]  }
0x2e: {  	s3 =	simm.s32 @!p0 $0x1082;
	s9 =	sld [smem:$0x3FAD]  }
0x2f: {  	lr =	sadd.s32 s0, s3;
	s0 =	sld [smem:$0x3FA4]  }
0x30: {  	s3 =	sld [smem:$0x3FA7]  }
0x31: {  	[smem:$0x3FB0] =	sst s10  }
0x32: {  	s10 =	sld [smem:$0x3FAE];
	_ =	sdelay $0x3  }
0x33: {  	p0 =	seq.s32 s10, $0x1;
	s10 =	sld [smem:$0x3FB0];
	_ =	sdelay $0x3  }
0x34: {  	[smem:$0x3FB0] =	sst s10  }
0x35: {  	s10 =	sld [smem:$0x3FAF];
	_ =	sdelay $0x3  }
0x36: {  	p1 =	seq.s32 s10, $0x1;
	s10 =	sld [smem:$0x3FB0];
	_ =	sdelay $0x3  }
0x37: {  	[smem:$0x3FB0] =	sst s10  }
0x38: {  	s10 =	sld [smem:$0x3FB1]  }
0x39: {  	_ = 	snop;
	(pc) =	sbr.ind lr, $3  }
0x3a: {  	_ = 	snop  }
0x3b: {  	_ = 	snop  }
0x3c: {  	p2 =	seq.s32 s10, $0x1;
	s10 =	sld [smem:$0x3FB0]  }
0x3d: {  	_ =	shalt  }
0x3e: {  	_ =	shalt  }
0x3f: {  	_ =	shalt  }
0x40: {  	_ =	shalt  }
0x41: {  	_ =	shalt  }
0x42: {  	_ =	shalt  }
0x43: {  	_ =	shalt  }
0x44: {  	_ =	shalt  }
0x45: {  	_ =	shalt  }
0x46: {  	_ =	shalt  }
0x47: {  	_ =	shalt  }
0x48: {  	_ =	shalt  }
0x49: {  	_ =	shalt  }
0x4a: {  	_ =	shalt  }
0x4b: {  	_ =	shalt  }
0x4c: {  	_ =	shalt  }
0x4d: {  	_ =	shalt  }
0x4e: {  	_ =	shalt  }
0x4f: {  	_ =	shalt  }
0x50: {  	_ =	shalt  }
0x51: {  	_ =	shalt  }
0x52: {  	_ =	shalt  }
0x53: {  	_ =	shalt  }
0x54: {  	_ =	shalt  }
0x55: {  	_ =	shalt  }
0x56: {  	_ =	shalt  }
0x57: {  	_ =	shalt  }
0x58: {  	_ =	shalt  }
0x59: {  	_ =	shalt  }
0x5a: {  	_ =	shalt  }
0x5b: {  	_ =	shalt  }
0x5c: {  	_ =	shalt  }
0x5d: {  	_ =	shalt  }
0x5e: {  	_ =	shalt  }
0x5f: {  	_ =	shalt  }
0x60: {  	_ =	shalt  }
0x61: {  	_ =	shalt  }
0x62: {  	_ =	shalt  }
0x63: {  	_ =	shalt  }
0x64: {  	_ =	shalt  }
0x65: {  	_ =	shalt  }
0x66: {  	_ =	shalt  }
0x67: {  	_ =	shalt  }
0x68: {  	_ =	shalt  }
0x69: {  	_ =	shalt  }
0x6a: {  	_ =	shalt  }
0x6b: {  	_ =	shalt  }
0x6c: {  	_ =	shalt  }
0x6d: {  	_ =	shalt  }
0x6e: {  	_ =	shalt  }
0x6f: {  	_ =	shalt  }
0x70: {  	_ =	shalt  }
0x71: {  	_ =	shalt  }
0x72: {  	_ =	shalt  }
0x73: {  	_ =	shalt  }
0x74: {  	_ =	shalt  }
0x75: {  	_ =	shalt  }
0x76: {  	_ =	shalt  }
0x77: {  	_ =	shalt  }
0x78: {  	_ =	shalt  }
0x79: {  	_ =	shalt  }
0x7a: {  	_ =	shalt  }
0x7b: {  	_ =	shalt  }
0x7c: {  	_ =	shalt  }
0x7d: {  	_ =	shalt  }
0x7e: {  	_ =	shalt  }
0x7f: {  	_ =	shalt  }
0x80: {  	_ =	shalt  }
0x81: {  	_ =	shalt  }
0x82: {  	_ =	shalt  }
0x83: {  	_ =	shalt  }
0x84: {  	_ =	shalt  }
0x85: {  	_ =	shalt  }
0x86: {  	_ =	shalt  }
0x87: {  	_ =	shalt  }
.Lfunc_end0:
.L_simem_size_0:
called_computation.1_lowered:
.L_overlay_start_0:
0x88: {  	s2 =	sld [smem:$0x3FD9]  }
0x89: {  	s3 =	sld [smem:$0x3FFE];
	_ =	sdelay $0x1  }
0x8a: {  	s1 =	srdreg.scid  }
0x8b: {  	s0 =	sand.u32 $0x1, s1  }
0x8c: {  	s16 =	sshll.u32 s0, $0xA;
	s2 =	sadd.s32 s3, s2  }
0x8d: {  	s2 =	sadd.s32 s2, s16  }
0x8e: {  	[smem:$0x3FBC] =	sst s2  }
0x8f: {  	_ = 	snop  }
0x90: {  	(tm) =	ssettm $0x1  }
0x91: {  	s17 =	sld [smem:$0x3FFB];
	_ =	sdelay $0x3  }
0x92: {  	_ =	strace s17  }
0x93: {  	s2 =	sld [smem:$0x3FFC];
	_ =	sdelay $0x3  }
0x94: {  	_ =	strace s2  }
0x95: {  	s2 =	sld [smem:$0x3FFD];
	_ =	sdelay $0x3  }
0x96: {  	_ =	strace s2  }
0x97: {  	_ =	strace $0x8FFFFFFF  }
0x98: {  	s18 =	sld [smem:$0x3FDB];
	_ =	sdelay $0x1  }
0x99: {  	s19 =	simm.s32 $_scs_section_size  }
0x9a: {  	s4 =	simm.s32 $_size__tile_overlayer_lowered;
	s5 =	simm.s32 $_tile_overlayer_lowered  }
0x9b: {  	s22 =	simm.s32 $0x1BFF;
	s21 =	sshll.u32 s5, $0x1;
	s2 =	sadd.s32 s19, s18  }
0x9c: {  	s6 =	simm.s32 $0x0;
	s20 =	sshll.u32 s4, $0x1;
	s4 =	sadd.s32 s21, s2  }
0x9d: {  	[timem:s6], [sflag:s22] =	dma.local [hbm:s4], s20  }
0x9e: {  	_ =	swait.ge [sflag:s22], s20  }
0x9f: {  	s3 =	ssub.s32 $0x0, s20;
	[sflag:s22] =	ssyncset.done $0x0  }
0xa0: {  	[sflag:s22] =	ssyncadd.s32 s3;
	_ =	sdelay $0x1  }
0xa1: {  	s23 =	simm.s32 $0x1B8B  }
0xa2: {  	_ =	swait.ge [sflag:s23], $0x1  }
0xa3: {  	[sflag:s23] =	ssyncset.done $0x0  }
0xa4: {  	s25 =	simm.s32 $0x1B8E;
	s24 =	sld [smem:$0x3FFE];
	[sflag:s23] =	ssyncadd.s32 $0xFFFFFFFF  }
0xa5: {  	s26 =	simm.s32 $execute0_lowered;
	[smem:$0x3FD2] =	sst s25  }
0xa6: {  	s4 =	sshll.u32 s26, $0x1;
	_ =	strace $0x80000049;
	[dreg:$0x1] =	wrdreg $0xFFFFFFFF  }
0xa7: {  	s28 =	simm.s32 $_size_execute0_lowered;
	s2 =	sadd.s32 s2, s4;
	[dreg:$0x0] =	wrdreg $0x0  }
0xa8: {  	s4 =	sshll.u32 s28, $0x1;
	[dreg:$0x2] =	wrdreg s2  }
0xa9: {  	[dreg:$0x3] =	wrdreg s4  }
0xaa: {  	[dreg:$0x4] =	wrdreg $0xC0  }
0xab: {  	_ =	task [dreg:s6], $0x5FFFF  }
0xac: {  	[dreg:$0x1] =	wrdreg $0xFFFFFFFF  }
0xad: {  	[dreg:$0x0] =	wrdreg $0x60  }
0xae: {  	[dreg:$0x2] =	wrdreg s24  }
0xaf: {  	[dreg:$0x3] =	wrdreg $0xA8000  }
0xb0: {  	[dreg:$0x4] =	wrdreg $0x9  }
0xb1: {  	_ =	task.clear_ibuf [dreg:s6], $0x5FFFF;
	_ =	strace $0x90000049  }
0xb2: {  	s29 =	simm.s32 $0x9;
	_ =	strace $0x8000004B  }
0xb3: {  	_ =	swait.ge [sflag:s29], $0x1  }
0xb4: {  	[sflag:s29] =	ssyncadd.s32 $0xFFFFFFFF  }
0xb5: {  	_ =	strace $0x9000004B  }
0xb6: {  	_ =	sfence  }
0xb7: {  	s30 =	sld [smem:$0x0];
	_ =	sdelay $0x2  }
0xb8: {  	s31 =	sshll.u32 s1, $0xD;
	s1 =	sshrl.u32 s1, $0x2  }
0xb9: {  	s3 =	sand.u32 $0x4000, s31;
	s1 =	sadd.s32 s1, s30  }
0xba: {  	s0 =	sor.u32 s3, s0;
	s1 =	sshll.u32 s1, $0x11  }
0xbb: {  	s0 =	sor.u32 s1, s0  }
0xbc: {  	s0 =	sadd.s32 $0x8F2B, s0  }
0xbd: {  	[sflag:s0] =	ssyncadd.remote.s32 $0x1  }
0xbe: {  	_ =	sfence.sel $0xFFFF  }
0xbf: {  	[dreg:$0x0] =	wrdreg $0xFFFFFFFF;
	(pc) =	sbr.abs _section_cstart, $3  }
0xc0: {  	[dreg:$0x1] =	wrdreg $0xFFFFFFFF  }
0xc1: {  	_ =	task.clear_ibuf [dreg:s6], $0x2FFFF;
	_ =	strace $0x9FFFFFFF  }
0xc2: {  	(tm) =	ssettm $0x7FFFFFFF  }
0xc3: {  	_ =	shalt  }
tec
execute0_lowered:
.L_overlay_start_1:
0x0: {  	(tag) =	ssettag $0x1  }
0x1: {  	s0 =	srdreg.scid;
	s10 =	rddreg [dreg:$0x0]  }
0x2: {  	s2 =	rddreg [dreg:$0x1];
	s1 =	stileid.u32;
	s3 =	simm.s32 $0x0  }
0x3: {  	s15 =	simm.s32 $0xD5E00;
	s16 =	simm.s32 $0x80;
	s17 =	simm.s32 $0x2800  }
0x4: {  	s18 =	simm.s32 $0x6800;
	s19 =	simm.s32 $0x1;
	s20 =	simm.s32 $0x2  }
0x5: {  	s21 =	simm.s32 $0x1380;
	s22 =	simm.s32 $0x2700;
	s23 =	simm.s32 $0x2780  }
0x6: {  	s6 =	sand.u32 $0x1, s0;
	s0 =	rddreg [dreg:$0x2];
	s7 =	smul.u32 $0x4F000, s1  }
0x7: {  	s24 =	simm.s32 $0x0;
	[smem:$0x7FF] =	sst s3;
	s12 =	smul.u32 $0x2780, s1  }
0x8: {  	s31 =	sshll.u32 s1, $0x6;
	s4 =	sshll.u32 s6, $0x4;
	_ =	strace $0x8000004A  }
0x9: {  	s8 =	ssub.s32 $0x2, s6;
	p0 =	seq.s32 s6, $0x1;
	s4 =	sor.u32 s1, s4  }
0xa: {  	s6 =	sor.u32 $0x1C03, s31;
	s30 =	sshrl.u32 s8, $0x1;
	s5 =	smul.u32 $0x2800, s4  }
0xb: {  	s7 =	sshrl.u32 s7, $0x2;
	s15 =	simm.s32 @!p0 $0xAE600;
	s4 =	sadd.s32 $0x86E00, s10  }
0xc: {  	s13 =	ssub.s32 s8, s30;
	s14 =	sadd.s32 s7, s2;
	s5 =	sshrl.u32 s5, $0x3  }
0xd: {  	s15 =	sadd.s32 s15, s10;
	s11 =	sadd.s32 s5, s10;
	s5 =	sadd.s32 s4, s12  }
0xe: {  	s12 =	sadd.s32 s15, s12;
	s15 =	simm.s32 $0x1400;
	s7 =	sadd.s32 $0x23E00, s11  }
0xf: {  	s8 =	sadd.s32 $0x2DE00, s11;
	s9 =	sadd.s32 $0x24080, s11;
	s10 =	sadd.s32 $0x2E080, s11  }
0x10: {  	s11 =	smax.u32 s13, $0x1;
	s13 =	sshrl.u32 s14, $0x3;
	s14 =	simm.s32 $0x3  }
.LBB2_1:
0x11: {  	[spmem:s13], [sflag:s6] =	dma.local [hbm:s5], $0x2780  }
0x12: {  	_ =	swait.ge [sflag:s14], $0x2780  }
0x13: {  	[sflag:s14] =	ssyncset.done $0x0  }
0x14: {  	[sflag:s14] =	ssyncadd.s32 $0xFFFFD880  }
0x15: {  	[tilespmem:s3], [sflag:$0x3] =	stream.linear.gather [hbm4b:s7+s3], $0x1400, $0x38;
	[tilespmem:$0x1E400] =	vst v63  }
0x16: {  	_ =	swait.ge [sflag:s14], $0x1400  }
0x17: {  	[sflag:s14] =	ssyncset.done $0x0  }
0x18: {  	[sflag:s14] =	ssyncadd.s32 $0xFFFFEC00  }
0x19: {  	[tilespmem:s15], [sflag:$0x3] =	stream.linear.gather [hbm4b:s8+s3], $0x1400, $0x38;
	[tilespmem:$0x1E400] =	vst v63  }
0x1a: {  	_ =	swait.ge [sflag:s14], $0x1400  }
0x1b: {  	[sflag:s14] =	ssyncset.done $0x0  }
0x1c: {  	[sflag:s14] =	ssyncadd.s32 $0xFFFFEC00  }
0x1d: {  	[bflag:$0x0] =	sbarrier.arrive $0xFFFF  }
0x1e: {  	[tilespmem:s17], [sflag:$0x1] =	stream.indirect.gather [hbm4b:s4+s16], $0x80, s3, s16, $0xb8;
	[tilespmem:$0x1E400] =	vst v63  }
0x1f: {  	s25 =	simm.s32 $0x80  }
0x20: {  	[tilespmem:s18], [sflag:$0x2] =	stream.indirect.gather [hbm4b:s4+s16], $0x80, s25, s16, $0xb8;
	[tilespmem:$0x1E400] =	vst v63  }
0x21: {  	_ =	swait.ge [sflag:s19], $0x4000  }
0x22: {  	[sflag:s19] =	ssyncset.done $0x0  }
0x23: {  	s29 =	simm.s32 $0x1400;
	[sflag:s19] =	ssyncadd.s32 $0xFFFFC000  }
0x24: {  	[spmem:s2] =	stream.indirect.scatter.add.f32 [tilespmem:s17], [sflag:$0x3], $0x80, s29, s16, $0xb8;
	[tilespmem:$0x1E400] =	vst v63  }
0x25: {  	_ =	swait.ge [sflag:s14], $0x4000  }
0x26: {  	[sflag:s14] =	ssyncset.done $0x0  }
0x27: {  	s30 =	simm.s32 $0x100;
	[sflag:s14] =	ssyncadd.s32 $0xFFFFC000  }
0x28: {  	[tilespmem:s17], [sflag:$0x1] =	stream.indirect.gather [hbm4b:s4+s16], $0x80, s30, s16, $0xb8;
	[tilespmem:$0x1E400] =	vst v63  }
0x29: {  	_ =	swait.ge [sflag:s20], $0x4000  }
0x2a: {  	[sflag:s20] =	ssyncset.done $0x0  }
0x2b: {  	s31 =	simm.s32 $0x1480;
	[sflag:s20] =	ssyncadd.s32 $0xFFFFC000  }
0x2c: {  	[spmem:s2] =	stream.indirect.scatter.add.f32 [tilespmem:s18], [sflag:$0x3], $0x80, s31, s16, $0xb8;
	[tilespmem:$0x1E400] =	vst v63  }
0x2d: {  	_ =	swait.ge [sflag:s14], $0x4000  }
0x2e: {  	s26 =	simm.s32 $0x800;
	s25 =	simm.s32 $0x100;
	[sflag:s14] =	ssyncset.done $0x0  }
.LBB2_2:
0x2f: {  	s28 =	sadd.s32 $0x80, s25  }
0x30: {  	[sflag:s14] =	ssyncadd.s32 $0xFFFFC000;
	s29 =	smov.u32 s26;
	s30 =	sadd.s32 $0x400, s26  }
0x31: {  	[tilespmem:s18], [sflag:$0x2] =	stream.indirect.gather [hbm4b:s4+s16], $0x80, s28, s16, $0xb8;
	[tilespmem:$0x1E400] =	vst v63  }
0x32: {  	p0 =	sne.s32 s26, $0x4800;
	_ =	swait.ge [sflag:s19], $0x4000  }
0x33: {  	[sflag:s19] =	ssyncset.done $0x0  }
0x34: {  	s26 =	sadd.s32 $0x1400, s25;
	[sflag:s19] =	ssyncadd.s32 $0xFFFFC000  }
0x35: {  	[spmem:s2] =	stream.indirect.scatter.add.f32 [tilespmem:s17], [sflag:$0x3], $0x80, s26, s16, $0xb8;
	[tilespmem:$0x1E400] =	vst v63  }
0x36: {  	_ =	swait.ge [sflag:s14], $0x4000  }
0x37: {  	[sflag:s14] =	ssyncset.done $0x0  }
0x38: {  	s26 =	sadd.s32 $0x100, s25;
	[sflag:s14] =	ssyncadd.s32 $0xFFFFC000  }
0x39: {  	[tilespmem:s17], [sflag:$0x1] =	stream.indirect.gather [hbm4b:s4+s16], $0x80, s26, s16, $0xb8;
	[tilespmem:$0x1E400] =	vst v63  }
0x3a: {  	_ =	swait.ge [sflag:s20], $0x4000  }
.Ltmp0:
0x3b: {  	[sflag:s20] =	ssyncset.done $0x0;
	(pc) =	sbr.rel @p0 .LBB2_2-.Ltmp0, $4  }
0x3c: {  	s25 =	sadd.s32 $0x1480, s25;
	[sflag:s20] =	ssyncadd.s32 $0xFFFFC000  }
0x3d: {  	[spmem:s2] =	stream.indirect.scatter.add.f32 [tilespmem:s18], [sflag:$0x3], $0x80, s25, s16, $0xb8;
	[tilespmem:$0x1E400] =	vst v63  }
0x3e: {  	_ =	swait.ge [sflag:s14], $0x4000  }
0x3f: {  	s26 =	smov.u32 s30;
	s25 =	sshra.s32 s29, $0x2;
	[sflag:s14] =	ssyncset.done $0x0  }
0x40: {  	s26 =	sadd.s32 $0x80, s25;
	[sflag:s14] =	ssyncadd.s32 $0xFFFFC000  }
0x41: {  	[tilespmem:s18], [sflag:$0x2] =	stream.indirect.gather [hbm4b:s4+s16], $0x80, s26, s16, $0xb8;
	[tilespmem:$0x1E400] =	vst v63  }
0x42: {  	_ =	swait.ge [sflag:s19], $0x4000  }
0x43: {  	[sflag:s19] =	ssyncset.done $0x0  }
0x44: {  	s29 =	sadd.s32 $0x1400, s25;
	[sflag:s19] =	ssyncadd.s32 $0xFFFFC000  }
0x45: {  	[spmem:s2] =	stream.indirect.scatter.add.f32 [tilespmem:s17], [sflag:$0x3], $0x80, s29, s16, $0xb8;
	[tilespmem:$0x1E400] =	vst v63  }
0x46: {  	_ =	swait.ge [sflag:s14], $0x4000  }
0x47: {  	[sflag:s14] =	ssyncset.done $0x0  }
0x48: {  	s30 =	sadd.s32 $0x100, s25;
	[sflag:s14] =	ssyncadd.s32 $0xFFFFC000  }
0x49: {  	[tilespmem:s17], [sflag:$0x1] =	stream.indirect.gather [hbm4b:s4+s16], $0x80, s30, s16, $0xb8;
	[tilespmem:$0x1E400] =	vst v63  }
0x4a: {  	_ =	swait.ge [sflag:s20], $0x4000  }
0x4b: {  	[sflag:s20] =	ssyncset.done $0x0  }
0x4c: {  	s31 =	sadd.s32 $0x1480, s25;
	[sflag:s20] =	ssyncadd.s32 $0xFFFFC000  }
0x4d: {  	[spmem:s2] =	stream.indirect.scatter.add.f32 [tilespmem:s18], [sflag:$0x3], $0x80, s31, s16, $0xb8;
	[tilespmem:$0x1E400] =	vst v63  }
0x4e: {  	_ =	swait.ge [sflag:s14], $0x4000  }
0x4f: {  	[sflag:s14] =	ssyncset.done $0x0  }
0x50: {  	[sflag:s14] =	ssyncadd.s32 $0xFFFFC000  }
0x51: {  	[tilespmem:s18], [sflag:$0x2] =	stream.indirect.gather [hbm4b:s4+s16], $0x80, s21, s16, $0xb8;
	[tilespmem:$0x1E400] =	vst v63  }
0x52: {  	_ =	swait.ge [sflag:s19], $0x4000  }
0x53: {  	[sflag:s19] =	ssyncset.done $0x0  }
0x54: {  	[sflag:s19] =	ssyncadd.s32 $0xFFFFC000  }
0x55: {  	[spmem:s2] =	stream.indirect.scatter.add.f32 [tilespmem:s17], [sflag:$0x3], $0x80, s22, s16, $0xb8;
	[tilespmem:$0x1E400] =	vst v63  }
0x56: {  	_ =	swait.ge [sflag:s14], $0x4000  }
0x57: {  	[sflag:s14] =	ssyncset.done $0x0  }
0x58: {  	[sflag:s14] =	ssyncadd.s32 $0xFFFFC000  }
0x59: {  	_ =	swait.ge [sflag:s20], $0x4000  }
0x5a: {  	[sflag:s20] =	ssyncset.done $0x0  }
0x5b: {  	[sflag:s20] =	ssyncadd.s32 $0xFFFFC000  }
0x5c: {  	[spmem:s2] =	stream.indirect.scatter.add.f32 [tilespmem:s18], [sflag:$0x3], $0x80, s23, s16, $0xb8;
	[tilespmem:$0x1E400] =	vst v63  }
0x5d: {  	_ =	swait.ge [sflag:s14], $0x4000  }
0x5e: {  	[sflag:s14] =	ssyncset.done $0x0  }
0x5f: {  	s26 =	simm.s32 $0x0;
	[sflag:s14] =	ssyncadd.s32 $0xFFFFC000  }
0x60: {  	[tilespmem:s26], [sflag:$0x3] =	stream.linear.gather [hbm4b:s9+s26], $0x1400, $0x38;
	[tilespmem:$0x1E400] =	vst v63  }
0x61: {  	_ =	swait.ge [sflag:s14], $0x1400  }
0x62: {  	[sflag:s14] =	ssyncset.done $0x0  }
0x63: {  	[sflag:s14] =	ssyncadd.s32 $0xFFFFEC00  }
0x64: {  	[tilespmem:s15], [sflag:$0x3] =	stream.linear.gather [hbm4b:s10+s26], $0x1400, $0x38;
	[tilespmem:$0x1E400] =	vst v63  }
0x65: {  	_ =	swait.ge [sflag:s14], $0x1400  }
0x66: {  	[sflag:s14] =	ssyncset.done $0x0  }
0x67: {  	[sflag:s14] =	ssyncadd.s32 $0xFFFFEC00  }
0x68: {  	[tilespmem:s17], [sflag:$0x1] =	stream.indirect.gather [hbm4b:s4+s16], $0x80, s26, s16, $0xb8;
	[tilespmem:$0x1E400] =	vst v63  }
0x69: {  	s28 =	simm.s32 $0x80  }
0x6a: {  	[tilespmem:s18], [sflag:$0x2] =	stream.indirect.gather [hbm4b:s4+s16], $0x80, s28, s16, $0xb8;
	[tilespmem:$0x1E400] =	vst v63  }
0x6b: {  	_ =	swait.ge [sflag:s19], $0x4000  }
0x6c: {  	[sflag:s19] =	ssyncset.done $0x0  }
0x6d: {  	s29 =	simm.s32 $0x1400;
	[sflag:s19] =	ssyncadd.s32 $0xFFFFC000  }
0x6e: {  	[spmem:s2] =	stream.indirect.scatter.add.f32 [tilespmem:s17], [sflag:$0x3], $0x80, s29, s16, $0xb8;
	[tilespmem:$0x1E400] =	vst v63  }
0x6f: {  	_ =	swait.ge [sflag:s14], $0x4000  }
0x70: {  	[sflag:s14] =	ssyncset.done $0x0  }
0x71: {  	s30 =	simm.s32 $0x100;
	[sflag:s14] =	ssyncadd.s32 $0xFFFFC000  }
0x72: {  	[tilespmem:s17], [sflag:$0x1] =	stream.indirect.gather [hbm4b:s4+s16], $0x80, s30, s16, $0xb8;
	[tilespmem:$0x1E400] =	vst v63  }
0x73: {  	_ =	swait.ge [sflag:s20], $0x4000  }
0x74: {  	[sflag:s20] =	ssyncset.done $0x0  }
0x75: {  	s31 =	simm.s32 $0x1480;
	[sflag:s20] =	ssyncadd.s32 $0xFFFFC000  }
0x76: {  	[spmem:s2] =	stream.indirect.scatter.add.f32 [tilespmem:s18], [sflag:$0x3], $0x80, s31, s16, $0xb8;
	[tilespmem:$0x1E400] =	vst v63  }
0x77: {  	_ =	swait.ge [sflag:s14], $0x4000  }
0x78: {  	s25 =	simm.s32 $0x100;
	s26 =	simm.s32 $0x800;
	[sflag:s14] =	ssyncset.done $0x0  }
.LBB2_4:
0x79: {  	s28 =	sadd.s32 $0x80, s25  }
0x7a: {  	[sflag:s14] =	ssyncadd.s32 $0xFFFFC000;
	s29 =	smov.u32 s26;
	s30 =	sadd.s32 $0x400, s26  }
0x7b: {  	[tilespmem:s18], [sflag:$0x2] =	stream.indirect.gather [hbm4b:s4+s16], $0x80, s28, s16, $0xb8;
	[tilespmem:$0x1E400] =	vst v63  }
0x7c: {  	p0 =	sne.s32 s26, $0x4800;
	_ =	swait.ge [sflag:s19], $0x4000  }
0x7d: {  	[sflag:s19] =	ssyncset.done $0x0  }
0x7e: {  	s26 =	sadd.s32 $0x1400, s25;
	[sflag:s19] =	ssyncadd.s32 $0xFFFFC000  }
0x7f: {  	[spmem:s2] =	stream.indirect.scatter.add.f32 [tilespmem:s17], [sflag:$0x3], $0x80, s26, s16, $0xb8;
	[tilespmem:$0x1E400] =	vst v63  }
0x80: {  	_ =	swait.ge [sflag:s14], $0x4000  }
0x81: {  	[sflag:s14] =	ssyncset.done $0x0  }
0x82: {  	s26 =	sadd.s32 $0x100, s25;
	[sflag:s14] =	ssyncadd.s32 $0xFFFFC000  }
0x83: {  	[tilespmem:s17], [sflag:$0x1] =	stream.indirect.gather [hbm4b:s4+s16], $0x80, s26, s16, $0xb8;
	[tilespmem:$0x1E400] =	vst v63  }
0x84: {  	_ =	swait.ge [sflag:s20], $0x4000  }
.Ltmp1:
0x85: {  	[sflag:s20] =	ssyncset.done $0x0;
	(pc) =	sbr.rel @p0 .LBB2_4-.Ltmp1, $4  }
0x86: {  	s25 =	sadd.s32 $0x1480, s25;
	[sflag:s20] =	ssyncadd.s32 $0xFFFFC000  }
0x87: {  	[spmem:s2] =	stream.indirect.scatter.add.f32 [tilespmem:s18], [sflag:$0x3], $0x80, s25, s16, $0xb8;
	[tilespmem:$0x1E400] =	vst v63  }
0x88: {  	_ =	swait.ge [sflag:s14], $0x4000  }
0x89: {  	s26 =	smov.u32 s30;
	s25 =	sshra.s32 s29, $0x2;
	[sflag:s14] =	ssyncset.done $0x0  }
0x8a: {  	s26 =	sadd.s32 $0x80, s25;
	[sflag:s14] =	ssyncadd.s32 $0xFFFFC000  }
0x8b: {  	[tilespmem:s18], [sflag:$0x2] =	stream.indirect.gather [hbm4b:s4+s16], $0x80, s26, s16, $0xb8;
	[tilespmem:$0x1E400] =	vst v63  }
0x8c: {  	_ =	swait.ge [sflag:s19], $0x4000  }
0x8d: {  	[sflag:s19] =	ssyncset.done $0x0  }
0x8e: {  	s29 =	sadd.s32 $0x1400, s25;
	[sflag:s19] =	ssyncadd.s32 $0xFFFFC000  }
0x8f: {  	[spmem:s2] =	stream.indirect.scatter.add.f32 [tilespmem:s17], [sflag:$0x3], $0x80, s29, s16, $0xb8;
	[tilespmem:$0x1E400] =	vst v63  }
0x90: {  	_ =	swait.ge [sflag:s14], $0x4000  }
0x91: {  	[sflag:s14] =	ssyncset.done $0x0  }
0x92: {  	s30 =	sadd.s32 $0x100, s25;
	[sflag:s14] =	ssyncadd.s32 $0xFFFFC000  }
0x93: {  	[tilespmem:s17], [sflag:$0x1] =	stream.indirect.gather [hbm4b:s4+s16], $0x80, s30, s16, $0xb8;
	[tilespmem:$0x1E400] =	vst v63  }
0x94: {  	_ =	swait.ge [sflag:s20], $0x4000  }
0x95: {  	[sflag:s20] =	ssyncset.done $0x0  }
0x96: {  	s31 =	sadd.s32 $0x1480, s25;
	[sflag:s20] =	ssyncadd.s32 $0xFFFFC000  }
0x97: {  	[spmem:s2] =	stream.indirect.scatter.add.f32 [tilespmem:s18], [sflag:$0x3], $0x80, s31, s16, $0xb8;
	[tilespmem:$0x1E400] =	vst v63  }
0x98: {  	_ =	swait.ge [sflag:s14], $0x4000  }
0x99: {  	[sflag:s14] =	ssyncset.done $0x0  }
0x9a: {  	[sflag:s14] =	ssyncadd.s32 $0xFFFFC000  }
0x9b: {  	[tilespmem:s18], [sflag:$0x2] =	stream.indirect.gather [hbm4b:s4+s16], $0x80, s21, s16, $0xb8;
	[tilespmem:$0x1E400] =	vst v63  }
0x9c: {  	_ =	swait.ge [sflag:s19], $0x4000  }
0x9d: {  	[sflag:s19] =	ssyncset.done $0x0  }
0x9e: {  	[sflag:s19] =	ssyncadd.s32 $0xFFFFC000  }
0x9f: {  	[spmem:s2] =	stream.indirect.scatter.add.f32 [tilespmem:s17], [sflag:$0x3], $0x80, s22, s16, $0xb8;
	[tilespmem:$0x1E400] =	vst v63  }
0xa0: {  	_ =	swait.ge [sflag:s14], $0x4000  }
0xa1: {  	[sflag:s14] =	ssyncset.done $0x0  }
0xa2: {  	[sflag:s14] =	ssyncadd.s32 $0xFFFFC000  }
0xa3: {  	_ =	swait.ge [sflag:s20], $0x4000  }
0xa4: {  	[sflag:s20] =	ssyncset.done $0x0  }
0xa5: {  	[sflag:s20] =	ssyncadd.s32 $0xFFFFC000  }
0xa6: {  	[spmem:s2] =	stream.indirect.scatter.add.f32 [tilespmem:s18], [sflag:$0x3], $0x80, s23, s16, $0xb8;
	[tilespmem:$0x1E400] =	vst v63  }
0xa7: {  	_ =	swait.ge [sflag:s14], $0x4000  }
0xa8: {  	s24 =	sadd.s32 $0x1, s24;
	[sflag:s14] =	ssyncset.done $0x0  }
0xa9: {  	p0 =	sne.s32 s24, s11;
	[sflag:s14] =	ssyncadd.s32 $0xFFFFC000  }
.Ltmp2:
0xaa: {  	[bflag:$0x0] =	sbarrier.arrive $0xFFFF;
	(pc) =	sbr.rel @p0 .LBB2_1-.Ltmp2, $4  }
0xab: {  	[hbm:s12], [sflag:s6] =	dma.local [spmem:s13], $0x2780  }
0xac: {  	_ =	swait.ge [sflag:s14], $0x2780  }
0xad: {  	[sflag:s14] =	ssyncset.done $0x0  }
0xae: {  	[sflag:s14] =	ssyncadd.s32 $0xFFFFD880  }
0xaf: {  	_ =	sfence.sel $0x180000  }
0xb0: {  	[bflag:$0x0] =	sbarrier.arrive $0xFFFF  }
0xb1: {  	p0 =	sne.s32 s1, $0x0;
	_ =	strace $0x9000004A  }
0xb2: {  	s0 =	sadd.s32 @!p0 $0x100000, s0;
	[bflag:$0x2] =	sbarrier.arrive $0xFFFF  }
0xb3: {  	[sflag:s0] =	ssyncadd.tile.s32 @!p0 $0x1;
	_ =	shalt  }
.Lfunc_end2:
_tile_overlayer_lowered:
.L_overlay_start_2:
0xb4: {  	(tag) =	ssettag $0x2  }
0xb5: {  	s0 =	rddreg [dreg:$0x0];
	s2 =	stileid.u32  }
0xb6: {  	s1 =	rddreg [dreg:$0x1];
	p0 =	sne.s32 s2, $0x0  }
0xb7: {  	s3 =	rddreg [dreg:$0x2];
	[bflag:$0x3] =	sbarrier.arrive $0xFFFF;
	s2 =	simm.s32 @!p0 $0x1C03  }
0xb8: {  	[timem:s3], [sflag:s2] =	dma.local @!p0 [hbm:s0], s1  }
0xb9: {  	s0 =	simm.s32 @!p0 $0x3  }
0xba: {  	_ =	swait.ge @!p0 [sflag:s0], s1  }
0xbb: {  	s1 =	ssub.s32 @!p0 $0x0, s1;
	[sflag:s0] =	ssyncset.done @!p0 $0x0  }
0xbc: {  	[sflag:s0] =	ssyncadd.s32 @!p0 s1  }
0xbd: {  	[bflag:$0x3] =	sbarrier.arrive $0xFFFF  }
0xbe: {  	_ =	shalt  }

// kernel: kernel.16.cloned.1.call-start
scs
__scs_entry_jumppad:
0x0: {  	(pc) =	sbr.rel $0x88, $3  }
0x1: {  	(tag) =	ssettag $0x0;
	lr =	simm.s32 $0x1  }
0x2: {  	[smem:$0x3F95] =	sst lr;
	_ =	strace $0xD0000000  }
0x3: {  	_ = 	snop  }
0x4: {  	_ = 	snop  }
0x5: {  	_ = 	snop  }
0x6: {  	_ = 	snop  }
0x7: {  	_ = 	snop  }
__scs_overlays_trampoline_lowered:
0x8: {  	[smem:$0x3FA4] =	sst s0  }
0x9: {  	[smem:$0x3FA5] =	sst s1  }
0xa: {  	[smem:$0x3FA6] =	sst s2  }
0xb: {  	[smem:$0x3FA7] =	sst s3  }
0xc: {  	[smem:$0x3FA8] =	sst s4  }
0xd: {  	[smem:$0x3FA9] =	sst s5  }
0xe: {  	[smem:$0x3FAA] =	sst s6  }
0xf: {  	[smem:$0x3FAB] =	sst s7  }
0x10: {  	[smem:$0x3FAC] =	sst s8  }
0x11: {  	[smem:$0x3FAD] =	sst s9;
	s0 =	simm.s32 @!p0 $0x0  }
0x12: {  	s1 =	sld [smem:$0x3F93];
	s0 =	simm.s32 @p0 $0x1  }
0x13: {  	[smem:$0x3FAE] =	sst s0;
	s0 =	simm.s32 @!p1 $0x0  }
0x14: {  	s2 =	sld [smem:$0x3F92];
	s0 =	simm.s32 @p1 $0x1  }
0x15: {  	[smem:$0x3FAF] =	sst s0;
	s0 =	simm.s32 @!p2 $0x0  }
0x16: {  	s3 =	sld [smem:$0x3FDB];
	s0 =	simm.s32 @p2 $0x1  }
0x17: {  	s4 =	simm.s32 $0x1BF5;
	[smem:$0x3FB1] =	sst s0  }
0x18: {  	s0 =	sld [smem:$0x3F94];
	_ =	swait.ge [sflag:s4], $0x0  }
0x19: {  	s7 =	sld [smem:$0x3F95]  }
0x1a: {  	s8 =	sadd.s32 $0xFFFFE003, lr  }
0x1b: {  	s9 =	sadd.s32 $0xFFFFFEF7, lr;
	s5 =	simm.s32 $0xFFFFFFFF;
	p2 =	slt.u32 s8, $0xFFFFF086  }
0x1c: {  	p1 =	slt.u32 s9, $0xF7A;
	s5 =	simm.s32 @!p2 $0x0  }
0x1d: {  	s5 =	simm.s32 @p1 $0x1;
	p0 =	seq.s32 s7, s2  }
0x1e: {  	s7 =	smul.u32 @!p0 $0xF7A, s2;
	p2 =	seq.s32 @!p0 s5, $0x0  }
0x1f: {  	s9 =	smul.u32 $0xF7A, s1;
	s8 =	simm.s32 @!p0 $0x1BF5;
	p2 =	por !p2, p0  }
0x20: {  	[sflag:s8] =	ssyncset.s32 @!p0 $0xFFFFF086;
	s6 =	sadd.s32 @!p0 s3, s7;
	s7 =	simm.s32 @!p0 $0x108  }
0x21: {  	s3 =	sadd.s32 s3, s9;
	s6 =	sadd.s32 @!p0 $0x88, s6;
	s7 =	simm.s32 @p2 $0x1082  }
0x22: {  	[simem:s7], [sflag:s8] =	dma.local @!p0 [hbm:s6], $0xF7A  }
0x23: {  	s9 =	sor.u32 $0xD0000000, s2;
	s6 =	simm.s32 $0x108;
	_ =	swait.ge @!p0 [sflag:s8], $0x0  }
0x24: {  	s3 =	sadd.s32 $0x88, s3;
	s6 =	simm.s32 @!p1 $0x1082;
	[sflag:s4] =	ssyncset.s32 $0xFFFFF086  }
0x25: {  	[simem:s6], [sflag:s4] =	dma.local [hbm:s3], $0xF7A  }
0x26: {  	[smem:$0x3F95] =	sst s1;
	(tag) =	ssettag s2;
	_ =	strace s9  }
0x27: {  	s1 =	sld [smem:$0x3FA5]  }
0x28: {  	s2 =	sld [smem:$0x3FA6]  }
0x29: {  	s4 =	sld [smem:$0x3FA8]  }
0x2a: {  	p0 =	seq.s32 s5, $0x0;
	s5 =	sld [smem:$0x3FA9]  }
0x2b: {  	s6 =	sld [smem:$0x3FAA]  }
0x2c: {  	s7 =	sld [smem:$0x3FAB]  }
0x2d: {  	s3 =	simm.s32 $0x108;
	s8 =	sld [smem:$0x3FAC]  }
0x2e: {  	s3 =	simm.s32 @!p0 $0x1082;
	s9 =	sld [smem:$0x3FAD]  }
0x2f: {  	lr =	sadd.s32 s0, s3;
	s0 =	sld [smem:$0x3FA4]  }
0x30: {  	s3 =	sld [smem:$0x3FA7]  }
0x31: {  	[smem:$0x3FB0] =	sst s10  }
0x32: {  	s10 =	sld [smem:$0x3FAE];
	_ =	sdelay $0x3  }
0x33: {  	p0 =	seq.s32 s10, $0x1;
	s10 =	sld [smem:$0x3FB0];
	_ =	sdelay $0x3  }
0x34: {  	[smem:$0x3FB0] =	sst s10  }
0x35: {  	s10 =	sld [smem:$0x3FAF];
	_ =	sdelay $0x3  }
0x36: {  	p1 =	seq.s32 s10, $0x1;
	s10 =	sld [smem:$0x3FB0];
	_ =	sdelay $0x3  }
0x37: {  	[smem:$0x3FB0] =	sst s10  }
0x38: {  	s10 =	sld [smem:$0x3FB1]  }
0x39: {  	_ = 	snop;
	(pc) =	sbr.ind lr, $3  }
0x3a: {  	_ = 	snop  }
0x3b: {  	_ = 	snop  }
0x3c: {  	p2 =	seq.s32 s10, $0x1;
	s10 =	sld [smem:$0x3FB0]  }
0x3d: {  	_ =	shalt  }
0x3e: {  	_ =	shalt  }
0x3f: {  	_ =	shalt  }
0x40: {  	_ =	shalt  }
0x41: {  	_ =	shalt  }
0x42: {  	_ =	shalt  }
0x43: {  	_ =	shalt  }
0x44: {  	_ =	shalt  }
0x45: {  	_ =	shalt  }
0x46: {  	_ =	shalt  }
0x47: {  	_ =	shalt  }
0x48: {  	_ =	shalt  }
0x49: {  	_ =	shalt  }
0x4a: {  	_ =	shalt  }
0x4b: {  	_ =	shalt  }
0x4c: {  	_ =	shalt  }
0x4d: {  	_ =	shalt  }
0x4e: {  	_ =	shalt  }
0x4f: {  	_ =	shalt  }
0x50: {  	_ =	shalt  }
0x51: {  	_ =	shalt  }
0x52: {  	_ =	shalt  }
0x53: {  	_ =	shalt  }
0x54: {  	_ =	shalt  }
0x55: {  	_ =	shalt  }
0x56: {  	_ =	shalt  }
0x57: {  	_ =	shalt  }
0x58: {  	_ =	shalt  }
0x59: {  	_ =	shalt  }
0x5a: {  	_ =	shalt  }
0x5b: {  	_ =	shalt  }
0x5c: {  	_ =	shalt  }
0x5d: {  	_ =	shalt  }
0x5e: {  	_ =	shalt  }
0x5f: {  	_ =	shalt  }
0x60: {  	_ =	shalt  }
0x61: {  	_ =	shalt  }
0x62: {  	_ =	shalt  }
0x63: {  	_ =	shalt  }
0x64: {  	_ =	shalt  }
0x65: {  	_ =	shalt  }
0x66: {  	_ =	shalt  }
0x67: {  	_ =	shalt  }
0x68: {  	_ =	shalt  }
0x69: {  	_ =	shalt  }
0x6a: {  	_ =	shalt  }
0x6b: {  	_ =	shalt  }
0x6c: {  	_ =	shalt  }
0x6d: {  	_ =	shalt  }
0x6e: {  	_ =	shalt  }
0x6f: {  	_ =	shalt  }
0x70: {  	_ =	shalt  }
0x71: {  	_ =	shalt  }
0x72: {  	_ =	shalt  }
0x73: {  	_ =	shalt  }
0x74: {  	_ =	shalt  }
0x75: {  	_ =	shalt  }
0x76: {  	_ =	shalt  }
0x77: {  	_ =	shalt  }
0x78: {  	_ =	shalt  }
0x79: {  	_ =	shalt  }
0x7a: {  	_ =	shalt  }
0x7b: {  	_ =	shalt  }
0x7c: {  	_ =	shalt  }
0x7d: {  	_ =	shalt  }
0x7e: {  	_ =	shalt  }
0x7f: {  	_ =	shalt  }
0x80: {  	_ =	shalt  }
0x81: {  	_ =	shalt  }
0x82: {  	_ =	shalt  }
0x83: {  	_ =	shalt  }
0x84: {  	_ =	shalt  }
0x85: {  	_ =	shalt  }
0x86: {  	_ =	shalt  }
0x87: {  	_ =	shalt  }
.Lfunc_end0:
.L_simem_size_0:
called_computation.2_lowered:
.L_overlay_start_0:
0x88: {  	s2 =	sld [smem:$0x3FD9]  }
0x89: {  	s3 =	sld [smem:$0x3FFE];
	_ =	sdelay $0x1  }
0x8a: {  	s1 =	srdreg.scid  }
0x8b: {  	s0 =	sand.u32 $0x1, s1  }
0x8c: {  	s16 =	sshll.u32 s0, $0xA;
	s2 =	sadd.s32 s3, s2  }
0x8d: {  	s2 =	sadd.s32 s2, s16  }
0x8e: {  	[smem:$0x3FBC] =	sst s2  }
0x8f: {  	_ = 	snop  }
0x90: {  	(tm) =	ssettm $0x1  }
0x91: {  	s17 =	sld [smem:$0x3FFB];
	_ =	sdelay $0x3  }
0x92: {  	_ =	strace s17  }
0x93: {  	s2 =	sld [smem:$0x3FFC];
	_ =	sdelay $0x3  }
0x94: {  	_ =	strace s2  }
0x95: {  	s2 =	sld [smem:$0x3FFD];
	_ =	sdelay $0x3  }
0x96: {  	_ =	strace s2  }
0x97: {  	_ =	strace $0x8FFFFFFF  }
0x98: {  	s18 =	sld [smem:$0x3FDB];
	_ =	sdelay $0x1  }
0x99: {  	s19 =	simm.s32 $_scs_section_size  }
0x9a: {  	s4 =	simm.s32 $_size__tile_overlayer_lowered;
	s5 =	simm.s32 $_tile_overlayer_lowered  }
0x9b: {  	s22 =	simm.s32 $0x1BFF;
	s21 =	sshll.u32 s5, $0x1;
	s2 =	sadd.s32 s19, s18  }
0x9c: {  	s6 =	simm.s32 $0x0;
	s20 =	sshll.u32 s4, $0x1;
	s4 =	sadd.s32 s21, s2  }
0x9d: {  	[timem:s6], [sflag:s22] =	dma.local [hbm:s4], s20  }
0x9e: {  	_ =	swait.ge [sflag:s22], s20  }
0x9f: {  	s3 =	ssub.s32 $0x0, s20;
	[sflag:s22] =	ssyncset.done $0x0  }
0xa0: {  	[sflag:s22] =	ssyncadd.s32 s3;
	_ =	sdelay $0x1  }
0xa1: {  	s23 =	simm.s32 $0x1B8B  }
0xa2: {  	_ =	swait.ge [sflag:s23], $0x1  }
0xa3: {  	[sflag:s23] =	ssyncset.done $0x0  }
0xa4: {  	s25 =	simm.s32 $0x1B8E;
	s24 =	sld [smem:$0x3FFE];
	[sflag:s23] =	ssyncadd.s32 $0xFFFFFFFF  }
0xa5: {  	s26 =	simm.s32 $execute0_lowered;
	[smem:$0x3FD2] =	sst s25  }
0xa6: {  	s4 =	sshll.u32 s26, $0x1;
	_ =	strace $0x8000004C;
	[dreg:$0x1] =	wrdreg $0xFFFFFFFF  }
0xa7: {  	s28 =	simm.s32 $_size_execute0_lowered;
	s2 =	sadd.s32 s2, s4;
	[dreg:$0x0] =	wrdreg $0x0  }
0xa8: {  	s4 =	sshll.u32 s28, $0x1;
	[dreg:$0x2] =	wrdreg s2  }
0xa9: {  	[dreg:$0x3] =	wrdreg s4  }
0xaa: {  	[dreg:$0x4] =	wrdreg $0xC0  }
0xab: {  	_ =	task [dreg:s6], $0x5FFFF  }
0xac: {  	[dreg:$0x1] =	wrdreg $0xFFFFFFFF  }
0xad: {  	[dreg:$0x0] =	wrdreg $0x60  }
0xae: {  	[dreg:$0x2] =	wrdreg s24  }
0xaf: {  	[dreg:$0x3] =	wrdreg $0x150000  }
0xb0: {  	[dreg:$0x4] =	wrdreg $0x19F000  }
0xb1: {  	[dreg:$0x5] =	wrdreg $0x9  }
0xb2: {  	_ =	task.clear_ibuf [dreg:s6], $0x6FFFF;
	_ =	strace $0x9000004C  }
0xb3: {  	s29 =	simm.s32 $0x9;
	_ =	strace $0x8000004E  }
0xb4: {  	_ =	swait.ge [sflag:s29], $0x1  }
0xb5: {  	[sflag:s29] =	ssyncadd.s32 $0xFFFFFFFF  }
0xb6: {  	_ =	strace $0x9000004E  }
0xb7: {  	_ =	sfence  }
0xb8: {  	s30 =	sld [smem:$0x0];
	_ =	sdelay $0x2  }
0xb9: {  	s31 =	sshll.u32 s1, $0xD;
	s1 =	sshrl.u32 s1, $0x2  }
0xba: {  	s3 =	sand.u32 $0x4000, s31;
	s1 =	sadd.s32 s1, s30  }
0xbb: {  	s0 =	sor.u32 s3, s0;
	s1 =	sshll.u32 s1, $0x11  }
0xbc: {  	s0 =	sor.u32 s1, s0  }
0xbd: {  	s0 =	sadd.s32 $0x8F2B, s0  }
0xbe: {  	[sflag:s0] =	ssyncadd.remote.s32 $0x1  }
0xbf: {  	_ =	sfence.sel $0xFFFF  }
0xc0: {  	[dreg:$0x0] =	wrdreg $0xFFFFFFFF;
	(pc) =	sbr.abs _section_cstart, $3  }
0xc1: {  	[dreg:$0x1] =	wrdreg $0xFFFFFFFF  }
0xc2: {  	_ =	task.clear_ibuf [dreg:s6], $0x2FFFF;
	_ =	strace $0x9FFFFFFF  }
0xc3: {  	(tm) =	ssettm $0x7FFFFFFF  }
tec
execute0_lowered:
.L_overlay_start_1:
0x0: {  	(tag) =	ssettag $0x1  }
0x1: {  	s0 =	srdreg.scid;
	s5 =	rddreg [dreg:$0x0]  }
0x2: {  	s2 =	rddreg [dreg:$0x1];
	s19 =	stileid.u32  }
0x3: {  	s3 =	rddreg [dreg:$0x2];
	s11 =	simm.s32 $0x23400;
	s1 =	sand.u32 $0x1, s0  }
0x4: {  	s23 =	simm.s32 $0x800;
	s6 =	smul.u32 $0x4F00, s19;
	s4 =	sshll.u32 s1, $0x4  }
0x5: {  	s21 =	sshll.u32 s19, $0x6;
	p0 =	seq.s32 s1, $0x1;
	s7 =	sor.u32 s19, s4  }
0x6: {  	s4 =	simm.s32 $0x0;
	s8 =	sshrl.u32 s6, $0x3;
	s9 =	sadd.s32 s6, s2  }
0x7: {  	s11 =	simm.s32 @!p0 $0x2D200;
	s6 =	sadd.s32 s6, s3;
	s7 =	smul.u32 $0x2800, s7  }
0x8: {  	[smem:$0x7FF] =	sst s4;
	s8 =	sadd.s32 s8, s5;
	s22 =	sshrl.u32 s6, $0x3  }
0x9: {  	_ =	strace $0x8000004D;
	[dreg:$0x7] =	wrdreg s22;
	s7 =	sshrl.u32 s7, $0x3  }
0xa: {  	s20 =	sadd.s32 s11, s8;
	[dreg:$0x8] =	wrdreg s23;
	s7 =	sadd.s32 s7, s5  }
0xb: {  	s6 =	sor.u32 $0x1C03, s21;
	[dreg:$0x6] =	wrdreg s20;
	s10 =	sadd.s32 $0x5600, s7  }
0xc: {  	s5 =	sadd.s32 $0x19600, s8;
	s7 =	sadd.s32 $0xF600, s7;
	[dreg:$0x4] =	wrdreg s10  }
0xd: {  	s8 =	sshrl.u32 s9, $0x3;
	[dreg:$0x5] =	wrdreg s7;
	s7 =	simm.s32 $0x3  }
0xe: {  	[spmem:s8], [sflag:s6] =	dma.local [hbm:s5], $0x9E0  }
0xf: {  	_ =	swait.ge [sflag:s7], $0x9E0  }
0x10: {  	[sflag:s7] =	ssyncset.done $0x0  }
0x11: {  	s24 =	rddreg [dreg:$0x7];
	[sflag:s7] =	ssyncadd.s32 $0xFFFFF620  }
0x12: {  	[spmem:s24], [sflag:s6] =	dma.local [hbm:s5], $0x9E0  }
0x13: {  	_ =	swait.ge [sflag:s7], $0x9E0  }
0x14: {  	[sflag:s7] =	ssyncset.done $0x0  }
0x15: {  	s25 =	rddreg [dreg:$0x4];
	[sflag:s7] =	ssyncadd.s32 $0xFFFFF620  }
0x16: {  	[tilespmem:s4], [sflag:$0x3] =	stream.linear.gather [hbm4b:s25+s4], $0x2800, $0x38;
	[tilespmem:$0x1EE00] =	vst v63  }
0x17: {  	_ =	swait.ge [sflag:s7], $0x2800  }
0x18: {  	[sflag:s7] =	ssyncset.done $0x0  }
0x19: {  	s9 =	simm.s32 $0x2800;
	s26 =	rddreg [dreg:$0x5];
	[sflag:s7] =	ssyncadd.s32 $0xFFFFD800  }
0x1a: {  	[tilespmem:s9], [sflag:$0x3] =	stream.linear.gather [hbm4b:s26+s4], $0x2800, $0x38;
	[tilespmem:$0x1EE00] =	vst v63  }
0x1b: {  	_ =	swait.ge [sflag:s7], $0x2800  }
0x1c: {  	[sflag:s7] =	ssyncset.done $0x0  }
0x1d: {  	[sflag:s7] =	ssyncadd.s32 $0xFFFFD800  }
0x1e: {  	s11 =	simm.s32 $0x5000;
	s10 =	simm.s32 $0x400;
	[bflag:$0x0] =	sbarrier.arrive $0xFFFF  }
0x1f: {  	[tilespmem:s11], [sflag:$0x1] =	stream.indirect.gather [spmem:s3], $0x20, s4, s10, $0xb8;
	[tilespmem:$0x1EE00] =	vst v63  }
0x20: {  	s12 =	simm.s32 $0xD000;
	s13 =	simm.s32 $0x1  }
0x21: {  	[tilespmem:s12], [sflag:$0x2] =	stream.indirect.gather [spmem:s3], $0x20, s10, s10, $0xb8;
	[tilespmem:$0x1EE00] =	vst v63  }
0x22: {  	_ =	swait.ge [sflag:s13], $0x8000  }
0x23: {  	[sflag:s13] =	ssyncset.done $0x0  }
0x24: {  	[sflag:s13] =	ssyncadd.s32 $0xFFFF8000  }
0x25: {  	[spmem:s2] =	stream.indirect.scatter.add.f32 [tilespmem:s11], [sflag:$0x3], $0x20, s9, s10, $0xb8;
	[tilespmem:$0x1EE00] =	vst v63  }
0x26: {  	_ =	swait.ge [sflag:s7], $0x8000  }
0x27: {  	[sflag:s7] =	ssyncset.done $0x0  }
0x28: {  	s14 =	simm.s32 $0x2;
	s15 =	rddreg [dreg:$0x8];
	[sflag:s7] =	ssyncadd.s32 $0xFFFF8000  }
0x29: {  	[tilespmem:s11], [sflag:$0x1] =	stream.indirect.gather [spmem:s3], $0x20, s15, s10, $0xb8;
	[tilespmem:$0x1EE00] =	vst v63  }
0x2a: {  	_ =	swait.ge [sflag:s14], $0x8000  }
0x2b: {  	[sflag:s14] =	ssyncset.done $0x0  }
0x2c: {  	s15 =	simm.s32 $0x2C00;
	[sflag:s14] =	ssyncadd.s32 $0xFFFF8000  }
0x2d: {  	[spmem:s2] =	stream.indirect.scatter.add.f32 [tilespmem:s12], [sflag:$0x3], $0x20, s15, s10, $0xb8;
	[tilespmem:$0x1EE00] =	vst v63  }
0x2e: {  	_ =	swait.ge [sflag:s7], $0x8000  }
0x2f: {  	[sflag:s7] =	ssyncset.done $0x0  }
0x30: {  	s16 =	simm.s32 $0xC00;
	[sflag:s7] =	ssyncadd.s32 $0xFFFF8000  }
0x31: {  	[tilespmem:s12], [sflag:$0x2] =	stream.indirect.gather [spmem:s3], $0x20, s16, s10, $0xb8;
	[tilespmem:$0x1EE00] =	vst v63  }
0x32: {  	_ =	swait.ge [sflag:s13], $0x8000  }
0x33: {  	[sflag:s13] =	ssyncset.done $0x0  }
0x34: {  	s17 =	simm.s32 $0x3000;
	[sflag:s13] =	ssyncadd.s32 $0xFFFF8000  }
0x35: {  	[spmem:s2] =	stream.indirect.scatter.add.f32 [tilespmem:s11], [sflag:$0x3], $0x20, s17, s10, $0xb8;
	[tilespmem:$0x1EE00] =	vst v63  }
0x36: {  	_ =	swait.ge [sflag:s7], $0x8000  }
0x37: {  	[sflag:s7] =	ssyncset.done $0x0  }
0x38: {  	s18 =	simm.s32 $0x1000;
	[sflag:s7] =	ssyncadd.s32 $0xFFFF8000  }
0x39: {  	[tilespmem:s11], [sflag:$0x1] =	stream.indirect.gather [spmem:s3], $0x20, s18, s10, $0xb8;
	[tilespmem:$0x1EE00] =	vst v63  }
0x3a: {  	_ =	swait.ge [sflag:s14], $0x8000  }
0x3b: {  	[sflag:s14] =	ssyncset.done $0x0  }
0x3c: {  	s19 =	simm.s32 $0x3400;
	[sflag:s14] =	ssyncadd.s32 $0xFFFF8000  }
0x3d: {  	[spmem:s2] =	stream.indirect.scatter.add.f32 [tilespmem:s12], [sflag:$0x3], $0x20, s19, s10, $0xb8;
	[tilespmem:$0x1EE00] =	vst v63  }
0x3e: {  	_ =	swait.ge [sflag:s7], $0x8000  }
0x3f: {  	[sflag:s7] =	ssyncset.done $0x0  }
0x40: {  	s20 =	simm.s32 $0x1400;
	[sflag:s7] =	ssyncadd.s32 $0xFFFF8000  }
0x41: {  	[tilespmem:s12], [sflag:$0x2] =	stream.indirect.gather [spmem:s3], $0x20, s20, s10, $0xb8;
	[tilespmem:$0x1EE00] =	vst v63  }
0x42: {  	_ =	swait.ge [sflag:s13], $0x8000  }
0x43: {  	[sflag:s13] =	ssyncset.done $0x0  }
0x44: {  	s21 =	simm.s32 $0x3800;
	[sflag:s13] =	ssyncadd.s32 $0xFFFF8000  }
0x45: {  	[spmem:s2] =	stream.indirect.scatter.add.f32 [tilespmem:s11], [sflag:$0x3], $0x20, s21, s10, $0xb8;
	[tilespmem:$0x1EE00] =	vst v63  }
0x46: {  	_ =	swait.ge [sflag:s7], $0x8000  }
0x47: {  	[sflag:s7] =	ssyncset.done $0x0  }
0x48: {  	s22 =	simm.s32 $0x1800;
	[sflag:s7] =	ssyncadd.s32 $0xFFFF8000  }
0x49: {  	[tilespmem:s11], [sflag:$0x1] =	stream.indirect.gather [spmem:s3], $0x20, s22, s10, $0xb8;
	[tilespmem:$0x1EE00] =	vst v63  }
0x4a: {  	_ =	swait.ge [sflag:s14], $0x8000  }
0x4b: {  	[sflag:s14] =	ssyncset.done $0x0  }
0x4c: {  	s23 =	simm.s32 $0x3C00;
	[sflag:s14] =	ssyncadd.s32 $0xFFFF8000  }
0x4d: {  	[spmem:s2] =	stream.indirect.scatter.add.f32 [tilespmem:s12], [sflag:$0x3], $0x20, s23, s10, $0xb8;
	[tilespmem:$0x1EE00] =	vst v63  }
0x4e: {  	_ =	swait.ge [sflag:s7], $0x8000  }
0x4f: {  	[sflag:s7] =	ssyncset.done $0x0  }
0x50: {  	s24 =	simm.s32 $0x1C00;
	[sflag:s7] =	ssyncadd.s32 $0xFFFF8000  }
0x51: {  	[tilespmem:s12], [sflag:$0x2] =	stream.indirect.gather [spmem:s3], $0x20, s24, s10, $0xb8;
	[tilespmem:$0x1EE00] =	vst v63  }
0x52: {  	_ =	swait.ge [sflag:s13], $0x8000  }
0x53: {  	[sflag:s13] =	ssyncset.done $0x0  }
0x54: {  	s25 =	simm.s32 $0x4000;
	[sflag:s13] =	ssyncadd.s32 $0xFFFF8000  }
0x55: {  	[spmem:s2] =	stream.indirect.scatter.add.f32 [tilespmem:s11], [sflag:$0x3], $0x20, s25, s10, $0xb8;
	[tilespmem:$0x1EE00] =	vst v63  }
0x56: {  	_ =	swait.ge [sflag:s7], $0x8000  }
0x57: {  	[sflag:s7] =	ssyncset.done $0x0  }
0x58: {  	s26 =	simm.s32 $0x2000;
	[sflag:s7] =	ssyncadd.s32 $0xFFFF8000  }
0x59: {  	[tilespmem:s11], [sflag:$0x1] =	stream.indirect.gather [spmem:s3], $0x20, s26, s10, $0xb8;
	[tilespmem:$0x1EE00] =	vst v63  }
0x5a: {  	_ =	swait.ge [sflag:s14], $0x8000  }
0x5b: {  	[sflag:s14] =	ssyncset.done $0x0  }
0x5c: {  	s28 =	simm.s32 $0x4400;
	[sflag:s14] =	ssyncadd.s32 $0xFFFF8000  }
0x5d: {  	[spmem:s2] =	stream.indirect.scatter.add.f32 [tilespmem:s12], [sflag:$0x3], $0x20, s28, s10, $0xb8;
	[tilespmem:$0x1EE00] =	vst v63  }
0x5e: {  	_ =	swait.ge [sflag:s7], $0x8000  }
0x5f: {  	[sflag:s7] =	ssyncset.done $0x0  }
0x60: {  	s29 =	simm.s32 $0x2400;
	[sflag:s7] =	ssyncadd.s32 $0xFFFF8000  }
0x61: {  	[tilespmem:s12], [sflag:$0x2] =	stream.indirect.gather [spmem:s3], $0x20, s29, s10, $0xb8;
	[tilespmem:$0x1EE00] =	vst v63  }
0x62: {  	_ =	swait.ge [sflag:s13], $0x8000  }
0x63: {  	[sflag:s13] =	ssyncset.done $0x0  }
0x64: {  	s30 =	simm.s32 $0x4800;
	[sflag:s13] =	ssyncadd.s32 $0xFFFF8000  }
0x65: {  	[spmem:s2] =	stream.indirect.scatter.add.f32 [tilespmem:s11], [sflag:$0x3], $0x20, s30, s10, $0xb8;
	[tilespmem:$0x1EE00] =	vst v63  }
0x66: {  	_ =	swait.ge [sflag:s7], $0x8000  }
0x67: {  	[sflag:s7] =	ssyncset.done $0x0  }
0x68: {  	[sflag:s7] =	ssyncadd.s32 $0xFFFF8000  }
0x69: {  	_ =	swait.ge [sflag:s14], $0x8000  }
0x6a: {  	[sflag:s14] =	ssyncset.done $0x0  }
0x6b: {  	s31 =	simm.s32 $0x4C00;
	[sflag:s14] =	ssyncadd.s32 $0xFFFF8000  }
0x6c: {  	[spmem:s2] =	stream.indirect.scatter.add.f32 [tilespmem:s12], [sflag:$0x3], $0x20, s31, s10, $0xb8;
	[tilespmem:$0x1EE00] =	vst v63  }
0x6d: {  	_ =	swait.ge [sflag:s7], $0x8000  }
0x6e: {  	[sflag:s7] =	ssyncset.done $0x0  }
0x6f: {  	[sflag:s7] =	ssyncadd.s32 $0xFFFF8000  }
0x70: {  	[bflag:$0x0] =	sbarrier.arrive $0xFFFF  }
0x71: {  	s1 =	ssub.s32 $0x2, s1;
	s0 =	rddreg [dreg:$0x6]  }
0x72: {  	[dreg:$0x9] =	wrdreg s0;
	s0 =	sshrl.u32 s1, $0x1  }
0x73: {  	s0 =	ssub.s32 s1, s0  }
0x74: {  	s0 =	smax.u32 s0, $0x1  }
0x75: {  	p0 =	sne.s32 s0, $0x1  }
.Ltmp0:
0x76: {  	_ = 	snop;
	(pc) =	sbr.rel @!p0 .LBB2_2-.Ltmp0, $4  }
0x77: {  	s1 =	rddreg [dreg:$0x9]  }
0x78: {  	[hbm:s1], [sflag:s6] =	dma.local [spmem:s8], $0x9E0  }
0x79: {  	_ =	swait.ge [sflag:s7], $0x9E0  }
0x7a: {  	s1 =	sadd.s32 $0xFFFFFFFF, s0;
	[sflag:s7] =	ssyncset.done $0x0  }
.LBB2_1:
0x7b: {  	[sflag:s7] =	ssyncadd.s32 $0xFFFFF620  }
0x7c: {  	[spmem:s8], [sflag:s6] =	dma.local [hbm:s5], $0x9E0  }
0x7d: {  	_ =	swait.ge [sflag:s7], $0x9E0  }
0x7e: {  	[sflag:s7] =	ssyncset.done $0x0  }
0x7f: {  	s0 =	rddreg [dreg:$0x7];
	[sflag:s7] =	ssyncadd.s32 $0xFFFFF620  }
0x80: {  	[spmem:s0], [sflag:s6] =	dma.local [hbm:s5], $0x9E0  }
0x81: {  	_ =	swait.ge [sflag:s7], $0x9E0  }
0x82: {  	[sflag:s7] =	ssyncset.done $0x0  }
0x83: {  	s0 =	rddreg [dreg:$0x4];
	[sflag:s7] =	ssyncadd.s32 $0xFFFFF620  }
0x84: {  	[tilespmem:s4], [sflag:$0x3] =	stream.linear.gather [hbm4b:s0+s4], $0x2800, $0x38;
	[tilespmem:$0x1EE00] =	vst v63  }
0x85: {  	_ =	swait.ge [sflag:s7], $0x2800  }
0x86: {  	[sflag:s7] =	ssyncset.done $0x0  }
0x87: {  	s0 =	rddreg [dreg:$0x5];
	[sflag:s7] =	ssyncadd.s32 $0xFFFFD800  }
0x88: {  	[tilespmem:s9], [sflag:$0x3] =	stream.linear.gather [hbm4b:s0+s4], $0x2800, $0x38;
	[tilespmem:$0x1EE00] =	vst v63  }
0x89: {  	_ =	swait.ge [sflag:s7], $0x2800  }
0x8a: {  	[sflag:s7] =	ssyncset.done $0x0  }
0x8b: {  	[sflag:s7] =	ssyncadd.s32 $0xFFFFD800  }
0x8c: {  	[bflag:$0x0] =	sbarrier.arrive $0xFFFF  }
0x8d: {  	[tilespmem:s11], [sflag:$0x1] =	stream.indirect.gather [spmem:s3], $0x20, s4, s10, $0xb8;
	[tilespmem:$0x1EE00] =	vst v63  }
0x8e: {  	_ = 	snop  }
0x8f: {  	[tilespmem:s12], [sflag:$0x2] =	stream.indirect.gather [spmem:s3], $0x20, s10, s10, $0xb8;
	[tilespmem:$0x1EE00] =	vst v63  }
0x90: {  	_ =	swait.ge [sflag:s13], $0x8000  }
0x91: {  	[sflag:s13] =	ssyncset.done $0x0  }
0x92: {  	[sflag:s13] =	ssyncadd.s32 $0xFFFF8000  }
0x93: {  	[spmem:s2] =	stream.indirect.scatter.add.f32 [tilespmem:s11], [sflag:$0x3], $0x20, s9, s10, $0xb8;
	[tilespmem:$0x1EE00] =	vst v63  }
0x94: {  	_ =	swait.ge [sflag:s7], $0x8000  }
0x95: {  	[sflag:s7] =	ssyncset.done $0x0  }
0x96: {  	s0 =	rddreg [dreg:$0x8];
	[sflag:s7] =	ssyncadd.s32 $0xFFFF8000  }
0x97: {  	[tilespmem:s11], [sflag:$0x1] =	stream.indirect.gather [spmem:s3], $0x20, s0, s10, $0xb8;
	[tilespmem:$0x1EE00] =	vst v63  }
0x98: {  	_ =	swait.ge [sflag:s14], $0x8000  }
0x99: {  	[sflag:s14] =	ssyncset.done $0x0  }
0x9a: {  	[sflag:s14] =	ssyncadd.s32 $0xFFFF8000  }
0x9b: {  	[spmem:s2] =	stream.indirect.scatter.add.f32 [tilespmem:s12], [sflag:$0x3], $0x20, s15, s10, $0xb8;
	[tilespmem:$0x1EE00] =	vst v63  }
0x9c: {  	_ =	swait.ge [sflag:s7], $0x8000  }
0x9d: {  	[sflag:s7] =	ssyncset.done $0x0  }
0x9e: {  	[sflag:s7] =	ssyncadd.s32 $0xFFFF8000  }
0x9f: {  	[tilespmem:s12], [sflag:$0x2] =	stream.indirect.gather [spmem:s3], $0x20, s16, s10, $0xb8;
	[tilespmem:$0x1EE00] =	vst v63  }
0xa0: {  	_ =	swait.ge [sflag:s13], $0x8000  }
0xa1: {  	[sflag:s13] =	ssyncset.done $0x0  }
0xa2: {  	[sflag:s13] =	ssyncadd.s32 $0xFFFF8000  }
0xa3: {  	[spmem:s2] =	stream.indirect.scatter.add.f32 [tilespmem:s11], [sflag:$0x3], $0x20, s17, s10, $0xb8;
	[tilespmem:$0x1EE00] =	vst v63  }
0xa4: {  	_ =	swait.ge [sflag:s7], $0x8000  }
0xa5: {  	[sflag:s7] =	ssyncset.done $0x0  }
0xa6: {  	[sflag:s7] =	ssyncadd.s32 $0xFFFF8000  }
0xa7: {  	[tilespmem:s11], [sflag:$0x1] =	stream.indirect.gather [spmem:s3], $0x20, s18, s10, $0xb8;
	[tilespmem:$0x1EE00] =	vst v63  }
0xa8: {  	_ =	swait.ge [sflag:s14], $0x8000  }
0xa9: {  	[sflag:s14] =	ssyncset.done $0x0  }
0xaa: {  	[sflag:s14] =	ssyncadd.s32 $0xFFFF8000  }
0xab: {  	[spmem:s2] =	stream.indirect.scatter.add.f32 [tilespmem:s12], [sflag:$0x3], $0x20, s19, s10, $0xb8;
	[tilespmem:$0x1EE00] =	vst v63  }
0xac: {  	_ =	swait.ge [sflag:s7], $0x8000  }
0xad: {  	[sflag:s7] =	ssyncset.done $0x0  }
0xae: {  	[sflag:s7] =	ssyncadd.s32 $0xFFFF8000  }
0xaf: {  	[tilespmem:s12], [sflag:$0x2] =	stream.indirect.gather [spmem:s3], $0x20, s20, s10, $0xb8;
	[tilespmem:$0x1EE00] =	vst v63  }
0xb0: {  	_ =	swait.ge [sflag:s13], $0x8000  }
0xb1: {  	[sflag:s13] =	ssyncset.done $0x0  }
0xb2: {  	[sflag:s13] =	ssyncadd.s32 $0xFFFF8000  }
0xb3: {  	[spmem:s2] =	stream.indirect.scatter.add.f32 [tilespmem:s11], [sflag:$0x3], $0x20, s21, s10, $0xb8;
	[tilespmem:$0x1EE00] =	vst v63  }
0xb4: {  	_ =	swait.ge [sflag:s7], $0x8000  }
0xb5: {  	[sflag:s7] =	ssyncset.done $0x0  }
0xb6: {  	[sflag:s7] =	ssyncadd.s32 $0xFFFF8000  }
0xb7: {  	[tilespmem:s11], [sflag:$0x1] =	stream.indirect.gather [spmem:s3], $0x20, s22, s10, $0xb8;
	[tilespmem:$0x1EE00] =	vst v63  }
0xb8: {  	_ =	swait.ge [sflag:s14], $0x8000  }
0xb9: {  	[sflag:s14] =	ssyncset.done $0x0  }
0xba: {  	[sflag:s14] =	ssyncadd.s32 $0xFFFF8000  }
0xbb: {  	[spmem:s2] =	stream.indirect.scatter.add.f32 [tilespmem:s12], [sflag:$0x3], $0x20, s23, s10, $0xb8;
	[tilespmem:$0x1EE00] =	vst v63  }
0xbc: {  	_ =	swait.ge [sflag:s7], $0x8000  }
0xbd: {  	[sflag:s7] =	ssyncset.done $0x0  }
0xbe: {  	[sflag:s7] =	ssyncadd.s32 $0xFFFF8000  }
0xbf: {  	[tilespmem:s12], [sflag:$0x2] =	stream.indirect.gather [spmem:s3], $0x20, s24, s10, $0xb8;
	[tilespmem:$0x1EE00] =	vst v63  }
0xc0: {  	_ =	swait.ge [sflag:s13], $0x8000  }
0xc1: {  	[sflag:s13] =	ssyncset.done $0x0  }
0xc2: {  	[sflag:s13] =	ssyncadd.s32 $0xFFFF8000  }
0xc3: {  	[spmem:s2] =	stream.indirect.scatter.add.f32 [tilespmem:s11], [sflag:$0x3], $0x20, s25, s10, $0xb8;
	[tilespmem:$0x1EE00] =	vst v63  }
0xc4: {  	_ =	swait.ge [sflag:s7], $0x8000  }
0xc5: {  	[sflag:s7] =	ssyncset.done $0x0  }
0xc6: {  	[sflag:s7] =	ssyncadd.s32 $0xFFFF8000  }
0xc7: {  	[tilespmem:s11], [sflag:$0x1] =	stream.indirect.gather [spmem:s3], $0x20, s26, s10, $0xb8;
	[tilespmem:$0x1EE00] =	vst v63  }
0xc8: {  	_ =	swait.ge [sflag:s14], $0x8000  }
0xc9: {  	[sflag:s14] =	ssyncset.done $0x0  }
0xca: {  	[sflag:s14] =	ssyncadd.s32 $0xFFFF8000  }
0xcb: {  	[spmem:s2] =	stream.indirect.scatter.add.f32 [tilespmem:s12], [sflag:$0x3], $0x20, s28, s10, $0xb8;
	[tilespmem:$0x1EE00] =	vst v63  }
0xcc: {  	_ =	swait.ge [sflag:s7], $0x8000  }
0xcd: {  	[sflag:s7] =	ssyncset.done $0x0  }
0xce: {  	[sflag:s7] =	ssyncadd.s32 $0xFFFF8000  }
0xcf: {  	[tilespmem:s12], [sflag:$0x2] =	stream.indirect.gather [spmem:s3], $0x20, s29, s10, $0xb8;
	[tilespmem:$0x1EE00] =	vst v63  }
0xd0: {  	_ =	swait.ge [sflag:s13], $0x8000  }
0xd1: {  	[sflag:s13] =	ssyncset.done $0x0  }
0xd2: {  	[sflag:s13] =	ssyncadd.s32 $0xFFFF8000  }
0xd3: {  	[spmem:s2] =	stream.indirect.scatter.add.f32 [tilespmem:s11], [sflag:$0x3], $0x20, s30, s10, $0xb8;
	[tilespmem:$0x1EE00] =	vst v63  }
0xd4: {  	_ =	swait.ge [sflag:s7], $0x8000  }
0xd5: {  	[sflag:s7] =	ssyncset.done $0x0  }
0xd6: {  	[sflag:s7] =	ssyncadd.s32 $0xFFFF8000  }
0xd7: {  	_ =	swait.ge [sflag:s14], $0x8000  }
0xd8: {  	[sflag:s14] =	ssyncset.done $0x0  }
0xd9: {  	[sflag:s14] =	ssyncadd.s32 $0xFFFF8000  }
0xda: {  	[spmem:s2] =	stream.indirect.scatter.add.f32 [tilespmem:s12], [sflag:$0x3], $0x20, s31, s10, $0xb8;
	[tilespmem:$0x1EE00] =	vst v63  }
0xdb: {  	_ =	swait.ge [sflag:s7], $0x8000  }
0xdc: {  	[sflag:s7] =	ssyncset.done $0x0  }
0xdd: {  	p0 =	sne.s32 s1, $0x1;
	[sflag:s7] =	ssyncadd.s32 $0xFFFF8000  }
.Ltmp1:
0xde: {  	[bflag:$0x0] =	sbarrier.arrive $0xFFFF;
	(pc) =	sbr.rel @p0 .LBB2_1-.Ltmp1, $4  }
0xdf: {  	s0 =	rddreg [dreg:$0x6]  }
0xe0: {  	[hbm:s0], [sflag:s6] =	dma.local [spmem:s8], $0x9E0  }
0xe1: {  	_ =	swait.ge [sflag:s7], $0x9E0  }
0xe2: {  	s1 =	sadd.s32 $0xFFFFFFFF, s1;
	[sflag:s7] =	ssyncset.done $0x0  }
.LBB2_2:
0xe3: {  	[sflag:s7] =	ssyncadd.s32 $0xFFFFF620  }
0xe4: {  	_ =	sfence.sel $0x180000  }
0xe5: {  	[bflag:$0x0] =	sbarrier.arrive $0xFFFF  }
0xe6: {  	_ =	strace $0x9000004D  }
0xe7: {  	s0 =	stileid.u32;
	[bflag:$0x2] =	sbarrier.arrive $0xFFFF  }
0xe8: {  	p0 =	sne.s32 s0, $0x0;
	s0 =	rddreg [dreg:$0x3]  }
0xe9: {  	s0 =	sadd.s32 @!p0 $0x100000, s0  }
0xea: {  	[sflag:s0] =	ssyncadd.tile.s32 @!p0 $0x1;
	_ =	shalt  }
.Lfunc_end2:
_tile_overlayer_lowered:
.L_overlay_start_2:
0xeb: {  	(tag) =	ssettag $0x2  }
0xec: {  	s0 =	rddreg [dreg:$0x0];
	s2 =	stileid.u32  }
0xed: {  	s1 =	rddreg [dreg:$0x1];
	p0 =	sne.s32 s2, $0x0  }
0xee: {  	s3 =	rddreg [dreg:$0x2];
	[bflag:$0x3] =	sbarrier.arrive $0xFFFF;
	s2 =	simm.s32 @!p0 $0x1C03  }
0xef: {  	[timem:s3], [sflag:s2] =	dma.local @!p0 [hbm:s0], s1  }
0xf0: {  	s0 =	simm.s32 @!p0 $0x3  }
0xf1: {  	_ =	swait.ge @!p0 [sflag:s0], s1  }
0xf2: {  	s1 =	ssub.s32 @!p0 $0x0, s1;
	[sflag:s0] =	ssyncset.done @!p0 $0x0  }
0xf3: {  	[sflag:s0] =	ssyncadd.s32 @!p0 s1  }
0xf4: {  	[bflag:$0x3] =	sbarrier.arrive $0xFFFF  }
0xf5: {  	_ =	shalt  }

// kernel: kernel.19.cloned.1.call-start
scs
__scs_entry_jumppad:
0x0: {  	(pc) =	sbr.rel $0x88, $3  }
0x1: {  	(tag) =	ssettag $0x0;
	lr =	simm.s32 $0x1  }
0x2: {  	[smem:$0x3F95] =	sst lr;
	_ =	strace $0xD0000000  }
0x3: {  	_ = 	snop  }
0x4: {  	_ = 	snop  }
0x5: {  	_ = 	snop  }
0x6: {  	_ = 	snop  }
0x7: {  	_ = 	snop  }
__scs_overlays_trampoline_lowered:
0x8: {  	[smem:$0x3FA4] =	sst s0  }
0x9: {  	[smem:$0x3FA5] =	sst s1  }
0xa: {  	[smem:$0x3FA6] =	sst s2  }
0xb: {  	[smem:$0x3FA7] =	sst s3  }
0xc: {  	[smem:$0x3FA8] =	sst s4  }
0xd: {  	[smem:$0x3FA9] =	sst s5  }
0xe: {  	[smem:$0x3FAA] =	sst s6  }
0xf: {  	[smem:$0x3FAB] =	sst s7  }
0x10: {  	[smem:$0x3FAC] =	sst s8  }
0x11: {  	[smem:$0x3FAD] =	sst s9;
	s0 =	simm.s32 @!p0 $0x0  }
0x12: {  	s1 =	sld [smem:$0x3F93];
	s0 =	simm.s32 @p0 $0x1  }
0x13: {  	[smem:$0x3FAE] =	sst s0;
	s0 =	simm.s32 @!p1 $0x0  }
0x14: {  	s2 =	sld [smem:$0x3F92];
	s0 =	simm.s32 @p1 $0x1  }
0x15: {  	[smem:$0x3FAF] =	sst s0;
	s0 =	simm.s32 @!p2 $0x0  }
0x16: {  	s3 =	sld [smem:$0x3FDB];
	s0 =	simm.s32 @p2 $0x1  }
0x17: {  	s4 =	simm.s32 $0x1BF5;
	[smem:$0x3FB1] =	sst s0  }
0x18: {  	s0 =	sld [smem:$0x3F94];
	_ =	swait.ge [sflag:s4], $0x0  }
0x19: {  	s7 =	sld [smem:$0x3F95]  }
0x1a: {  	s8 =	sadd.s32 $0xFFFFE003, lr  }
0x1b: {  	s9 =	sadd.s32 $0xFFFFFEF7, lr;
	s5 =	simm.s32 $0xFFFFFFFF;
	p2 =	slt.u32 s8, $0xFFFFF086  }
0x1c: {  	p1 =	slt.u32 s9, $0xF7A;
	s5 =	simm.s32 @!p2 $0x0  }
0x1d: {  	s5 =	simm.s32 @p1 $0x1;
	p0 =	seq.s32 s7, s2  }
0x1e: {  	s7 =	smul.u32 @!p0 $0xF7A, s2;
	p2 =	seq.s32 @!p0 s5, $0x0  }
0x1f: {  	s9 =	smul.u32 $0xF7A, s1;
	s8 =	simm.s32 @!p0 $0x1BF5;
	p2 =	por !p2, p0  }
0x20: {  	[sflag:s8] =	ssyncset.s32 @!p0 $0xFFFFF086;
	s6 =	sadd.s32 @!p0 s3, s7;
	s7 =	simm.s32 @!p0 $0x108  }
0x21: {  	s3 =	sadd.s32 s3, s9;
	s6 =	sadd.s32 @!p0 $0x88, s6;
	s7 =	simm.s32 @p2 $0x1082  }
0x22: {  	[simem:s7], [sflag:s8] =	dma.local @!p0 [hbm:s6], $0xF7A  }
0x23: {  	s9 =	sor.u32 $0xD0000000, s2;
	s6 =	simm.s32 $0x108;
	_ =	swait.ge @!p0 [sflag:s8], $0x0  }
0x24: {  	s3 =	sadd.s32 $0x88, s3;
	s6 =	simm.s32 @!p1 $0x1082;
	[sflag:s4] =	ssyncset.s32 $0xFFFFF086  }
0x25: {  	[simem:s6], [sflag:s4] =	dma.local [hbm:s3], $0xF7A  }
0x26: {  	[smem:$0x3F95] =	sst s1;
	(tag) =	ssettag s2;
	_ =	strace s9  }
0x27: {  	s1 =	sld [smem:$0x3FA5]  }
0x28: {  	s2 =	sld [smem:$0x3FA6]  }
0x29: {  	s4 =	sld [smem:$0x3FA8]  }
0x2a: {  	p0 =	seq.s32 s5, $0x0;
	s5 =	sld [smem:$0x3FA9]  }
0x2b: {  	s6 =	sld [smem:$0x3FAA]  }
0x2c: {  	s7 =	sld [smem:$0x3FAB]  }
0x2d: {  	s3 =	simm.s32 $0x108;
	s8 =	sld [smem:$0x3FAC]  }
0x2e: {  	s3 =	simm.s32 @!p0 $0x1082;
	s9 =	sld [smem:$0x3FAD]  }
0x2f: {  	lr =	sadd.s32 s0, s3;
	s0 =	sld [smem:$0x3FA4]  }
0x30: {  	s3 =	sld [smem:$0x3FA7]  }
0x31: {  	[smem:$0x3FB0] =	sst s10  }
0x32: {  	s10 =	sld [smem:$0x3FAE];
	_ =	sdelay $0x3  }
0x33: {  	p0 =	seq.s32 s10, $0x1;
	s10 =	sld [smem:$0x3FB0];
	_ =	sdelay $0x3  }
0x34: {  	[smem:$0x3FB0] =	sst s10  }
0x35: {  	s10 =	sld [smem:$0x3FAF];
	_ =	sdelay $0x3  }
0x36: {  	p1 =	seq.s32 s10, $0x1;
	s10 =	sld [smem:$0x3FB0];
	_ =	sdelay $0x3  }
0x37: {  	[smem:$0x3FB0] =	sst s10  }
0x38: {  	s10 =	sld [smem:$0x3FB1]  }
0x39: {  	_ = 	snop;
	(pc) =	sbr.ind lr, $3  }
0x3a: {  	_ = 	snop  }
0x3b: {  	_ = 	snop  }
0x3c: {  	p2 =	seq.s32 s10, $0x1;
	s10 =	sld [smem:$0x3FB0]  }
0x3d: {  	_ =	shalt  }
0x3e: {  	_ =	shalt  }
0x3f: {  	_ =	shalt  }
0x40: {  	_ =	shalt  }
0x41: {  	_ =	shalt  }
0x42: {  	_ =	shalt  }
0x43: {  	_ =	shalt  }
0x44: {  	_ =	shalt  }
0x45: {  	_ =	shalt  }
0x46: {  	_ =	shalt  }
0x47: {  	_ =	shalt  }
0x48: {  	_ =	shalt  }
0x49: {  	_ =	shalt  }
0x4a: {  	_ =	shalt  }
0x4b: {  	_ =	shalt  }
0x4c: {  	_ =	shalt  }
0x4d: {  	_ =	shalt  }
0x4e: {  	_ =	shalt  }
0x4f: {  	_ =	shalt  }
0x50: {  	_ =	shalt  }
0x51: {  	_ =	shalt  }
0x52: {  	_ =	shalt  }
0x53: {  	_ =	shalt  }
0x54: {  	_ =	shalt  }
0x55: {  	_ =	shalt  }
0x56: {  	_ =	shalt  }
0x57: {  	_ =	shalt  }
0x58: {  	_ =	shalt  }
0x59: {  	_ =	shalt  }
0x5a: {  	_ =	shalt  }
0x5b: {  	_ =	shalt  }
0x5c: {  	_ =	shalt  }
0x5d: {  	_ =	shalt  }
0x5e: {  	_ =	shalt  }
0x5f: {  	_ =	shalt  }
0x60: {  	_ =	shalt  }
0x61: {  	_ =	shalt  }
0x62: {  	_ =	shalt  }
0x63: {  	_ =	shalt  }
0x64: {  	_ =	shalt  }
0x65: {  	_ =	shalt  }
0x66: {  	_ =	shalt  }
0x67: {  	_ =	shalt  }
0x68: {  	_ =	shalt  }
0x69: {  	_ =	shalt  }
0x6a: {  	_ =	shalt  }
0x6b: {  	_ =	shalt  }
0x6c: {  	_ =	shalt  }
0x6d: {  	_ =	shalt  }
0x6e: {  	_ =	shalt  }
0x6f: {  	_ =	shalt  }
0x70: {  	_ =	shalt  }
0x71: {  	_ =	shalt  }
0x72: {  	_ =	shalt  }
0x73: {  	_ =	shalt  }
0x74: {  	_ =	shalt  }
0x75: {  	_ =	shalt  }
0x76: {  	_ =	shalt  }
0x77: {  	_ =	shalt  }
0x78: {  	_ =	shalt  }
0x79: {  	_ =	shalt  }
0x7a: {  	_ =	shalt  }
0x7b: {  	_ =	shalt  }
0x7c: {  	_ =	shalt  }
0x7d: {  	_ =	shalt  }
0x7e: {  	_ =	shalt  }
0x7f: {  	_ =	shalt  }
0x80: {  	_ =	shalt  }
0x81: {  	_ =	shalt  }
0x82: {  	_ =	shalt  }
0x83: {  	_ =	shalt  }
0x84: {  	_ =	shalt  }
0x85: {  	_ =	shalt  }
0x86: {  	_ =	shalt  }
0x87: {  	_ =	shalt  }
.Lfunc_end0:
.L_simem_size_0:
called_computation.3_lowered:
.L_overlay_start_0:
0x88: {  	s2 =	sld [smem:$0x3FD9]  }
0x89: {  	s3 =	sld [smem:$0x3FFE];
	_ =	sdelay $0x1  }
0x8a: {  	s1 =	srdreg.scid  }
0x8b: {  	s0 =	sand.u32 $0x1, s1  }
0x8c: {  	s17 =	sshll.u32 s0, $0xA;
	s2 =	sadd.s32 s3, s2  }
0x8d: {  	s2 =	sadd.s32 s2, s17  }
0x8e: {  	[smem:$0x3FBC] =	sst s2  }
0x8f: {  	_ = 	snop  }
0x90: {  	s2 =	sld [smem:$0x3FD0];
	(tm) =	ssettm $0x1  }
0x91: {  	s18 =	sld [smem:$0x3FFB];
	_ =	sdelay $0x3  }
0x92: {  	_ =	strace s18  }
0x93: {  	s3 =	sld [smem:$0x3FFC];
	_ =	sdelay $0x3  }
0x94: {  	_ =	strace s3  }
0x95: {  	s3 =	sld [smem:$0x3FFD];
	_ =	sdelay $0x3  }
0x96: {  	_ =	strace s3  }
0x97: {  	_ =	strace $0x8FFFFFFF  }
0x98: {  	s19 =	sld [smem:$0x3FDB];
	_ =	sdelay $0x1  }
0x99: {  	s4 =	simm.s32 $_scs_section_size  }
0x9a: {  	s5 =	simm.s32 $_size__tile_overlayer_lowered;
	s6 =	simm.s32 $_tile_overlayer_lowered  }
0x9b: {  	s22 =	simm.s32 $0x1BFF;
	s21 =	sshll.u32 s6, $0x1;
	s3 =	sadd.s32 s4, s19  }
0x9c: {  	s7 =	simm.s32 $0x0;
	s20 =	sshll.u32 s5, $0x1;
	s5 =	sadd.s32 s21, s3  }
0x9d: {  	[timem:s7], [sflag:s22] =	dma.local [hbm:s5], s20  }
0x9e: {  	_ =	swait.ge [sflag:s22], s20  }
0x9f: {  	s4 =	ssub.s32 $0x0, s20;
	[sflag:s22] =	ssyncset.done $0x0  }
0xa0: {  	[sflag:s22] =	ssyncadd.s32 s4;
	_ =	sdelay $0x1  }
0xa1: {  	s23 =	simm.s32 $0x1B8B  }
0xa2: {  	_ =	swait.ge [sflag:s23], $0x1  }
0xa3: {  	[sflag:s23] =	ssyncset.done $0x0  }
0xa4: {  	s25 =	simm.s32 $0x1B8E;
	s24 =	sld [smem:$0x3FFE];
	[sflag:s23] =	ssyncadd.s32 $0xFFFFFFFF  }
0xa5: {  	s26 =	simm.s32 $execute0_lowered;
	[smem:$0x3FD2] =	sst s25  }
0xa6: {  	s5 =	sshll.u32 s26, $0x1;
	_ =	strace $0x8000004F;
	[dreg:$0x1] =	wrdreg $0xFFFFFFFF  }
0xa7: {  	s28 =	simm.s32 $_size_execute0_lowered;
	s3 =	sadd.s32 s3, s5;
	[dreg:$0x0] =	wrdreg $0x0  }
0xa8: {  	s5 =	sshll.u32 s28, $0x1;
	[dreg:$0x2] =	wrdreg s3  }
0xa9: {  	[dreg:$0x3] =	wrdreg s5  }
0xaa: {  	[dreg:$0x4] =	wrdreg $0xC0  }
0xab: {  	_ =	task [dreg:s7], $0x5FFFF  }
0xac: {  	[dreg:$0x1] =	wrdreg $0xFFFFFFFF  }
0xad: {  	[dreg:$0x0] =	wrdreg $0x60  }
0xae: {  	[dreg:$0x2] =	wrdreg s2  }
0xaf: {  	[dreg:$0x3] =	wrdreg s24  }
0xb0: {  	[dreg:$0x4] =	wrdreg $0xD0000  }
0xb1: {  	[dreg:$0x5] =	wrdreg $0xF7800  }
0xb2: {  	[dreg:$0x6] =	wrdreg $0x9  }
0xb3: {  	_ =	task.clear_ibuf [dreg:s7], $0x7FFFF;
	_ =	strace $0x9000004F  }
0xb4: {  	s29 =	simm.s32 $0x9;
	_ =	strace $0x80000051  }
0xb5: {  	_ =	swait.ge [sflag:s29], $0x1  }
0xb6: {  	[sflag:s29] =	ssyncadd.s32 $0xFFFFFFFF  }
0xb7: {  	_ =	strace $0x90000051  }
0xb8: {  	_ =	sfence  }
0xb9: {  	s30 =	sld [smem:$0x0];
	_ =	sdelay $0x2  }
0xba: {  	s31 =	sshll.u32 s1, $0xD;
	s1 =	sshrl.u32 s1, $0x2  }
0xbb: {  	s3 =	sand.u32 $0x4000, s31;
	s1 =	sadd.s32 s1, s30  }
0xbc: {  	s0 =	sor.u32 s3, s0;
	s1 =	sshll.u32 s1, $0x11  }
0xbd: {  	s0 =	sor.u32 s1, s0  }
0xbe: {  	s0 =	sadd.s32 $0x8F2B, s0  }
0xbf: {  	[sflag:s0] =	ssyncadd.remote.s32 $0x1  }
0xc0: {  	_ =	sfence.sel $0xFFFF  }
0xc1: {  	[dreg:$0x0] =	wrdreg $0xFFFFFFFF;
	(pc) =	sbr.abs _section_cstart, $3  }
0xc2: {  	[dreg:$0x1] =	wrdreg $0xFFFFFFFF  }
0xc3: {  	_ =	task.clear_ibuf [dreg:s7], $0x2FFFF;
	_ =	strace $0x9FFFFFFF  }
0xc4: {  	(tm) =	ssettm $0x7FFFFFFF  }
0xc5: {  	_ =	shalt  }
tec
execute0_lowered:
.L_overlay_start_1:
0x0: {  	(tag) =	ssettag $0x1  }
0x1: {  	s5 =	rddreg [dreg:$0x0]  }
0x2: {  	s0 =	srdreg.scid;
	s6 =	rddreg [dreg:$0x1]  }
0x3: {  	s21 =	stileid.u32;
	s2 =	rddreg [dreg:$0x2]  }
0x4: {  	s11 =	simm.s32 $0x19600;
	s23 =	simm.s32 $0x800;
	s1 =	sand.u32 $0x1, s0  }
0x5: {  	s8 =	smul.u32 $0x2780, s21;
	s22 =	sshll.u32 s21, $0x6;
	s3 =	sshll.u32 s1, $0x4  }
0x6: {  	p0 =	seq.s32 s1, $0x1;
	s4 =	sor.u32 s21, s3;
	s3 =	rddreg [dreg:$0x3]  }
0x7: {  	s9 =	sadd.s32 s8, s2;
	s10 =	sshrl.u32 s8, $0x3;
	s7 =	smul.u32 $0x2800, s4  }
0x8: {  	s11 =	simm.s32 @!p0 $0x1E600;
	s4 =	simm.s32 $0x0;
	s8 =	sadd.s32 s8, s3  }
0x9: {  	[smem:$0x7FF] =	sst s4;
	s8 =	sshrl.u32 s8, $0x3;
	s7 =	sshrl.u32 s7, $0x3  }
0xa: {  	_ =	strace $0x80000050;
	[dreg:$0x8] =	wrdreg s8;
	s7 =	sadd.s32 s7, s6  }
0xb: {  	s5 =	sadd.s32 s5, s10;
	[dreg:$0x9] =	wrdreg s23;
	s12 =	sadd.s32 $0x5600, s7  }
0xc: {  	s6 =	sadd.s32 s11, s6;
	s7 =	sadd.s32 $0xF600, s7;
	[dreg:$0x5] =	wrdreg s12  }
0xd: {  	s8 =	sshrl.u32 s9, $0x3;
	s6 =	sadd.s32 s6, s10;
	[dreg:$0x6] =	wrdreg s7  }
0xe: {  	[dreg:$0x7] =	wrdreg s6;
	s6 =	sor.u32 $0x1C03, s22;
	s7 =	simm.s32 $0x3  }
0xf: {  	[spmem:s8], [sflag:s6] =	dma.local [hbm:s5], $0x4F0  }
0x10: {  	_ =	swait.ge [sflag:s7], $0x4F0  }
0x11: {  	[sflag:s7] =	ssyncset.done $0x0  }
0x12: {  	s24 =	rddreg [dreg:$0x8];
	[sflag:s7] =	ssyncadd.s32 $0xFFFFFB10  }
0x13: {  	[spmem:s24], [sflag:s6] =	dma.local [hbm:s5], $0x4F0  }
0x14: {  	_ =	swait.ge [sflag:s7], $0x4F0  }
0x15: {  	[sflag:s7] =	ssyncset.done $0x0  }
0x16: {  	s25 =	rddreg [dreg:$0x5];
	[sflag:s7] =	ssyncadd.s32 $0xFFFFFB10  }
0x17: {  	[tilespmem:s4], [sflag:$0x3] =	stream.linear.gather [hbm4b:s25+s4], $0x2800, $0x38;
	[tilespmem:$0x11F00] =	vst v63  }
0x18: {  	_ =	swait.ge [sflag:s7], $0x2800  }
0x19: {  	[sflag:s7] =	ssyncset.done $0x0  }
0x1a: {  	s9 =	simm.s32 $0x2800;
	s26 =	rddreg [dreg:$0x6];
	[sflag:s7] =	ssyncadd.s32 $0xFFFFD800  }
0x1b: {  	[tilespmem:s9], [sflag:$0x3] =	stream.linear.gather [hbm4b:s26+s4], $0x2800, $0x38;
	[tilespmem:$0x11F00] =	vst v63  }
0x1c: {  	_ =	swait.ge [sflag:s7], $0x2800  }
0x1d: {  	[sflag:s7] =	ssyncset.done $0x0  }
0x1e: {  	[sflag:s7] =	ssyncadd.s32 $0xFFFFD800  }
0x1f: {  	s11 =	simm.s32 $0x5000;
	s10 =	simm.s32 $0x400;
	[bflag:$0x0] =	sbarrier.arrive $0xFFFF  }
0x20: {  	[tilespmem:s11], [sflag:$0x1] =	stream.indirect.gather [spmem:s3], $0x10, s4, s10, $0xb8;
	[tilespmem:$0x11F00] =	vst v63  }
0x21: {  	s13 =	simm.s32 $0x1;
	s12 =	simm.s32 $0x9000  }
0x22: {  	[tilespmem:s12], [sflag:$0x2] =	stream.indirect.gather [spmem:s3], $0x10, s10, s10, $0xb8;
	[tilespmem:$0x11F00] =	vst v63  }
0x23: {  	_ =	swait.ge [sflag:s13], $0x4000  }
0x24: {  	[sflag:s13] =	ssyncset.done $0x0  }
0x25: {  	[sflag:s13] =	ssyncadd.s32 $0xFFFFC000  }
0x26: {  	[spmem:s2] =	stream.indirect.scatter.add.f32 [tilespmem:s11], [sflag:$0x3], $0x10, s9, s10, $0xb8;
	[tilespmem:$0x11F00] =	vst v63  }
0x27: {  	_ =	swait.ge [sflag:s7], $0x4000  }
0x28: {  	[sflag:s7] =	ssyncset.done $0x0  }
0x29: {  	s14 =	simm.s32 $0x2;
	s15 =	rddreg [dreg:$0x9];
	[sflag:s7] =	ssyncadd.s32 $0xFFFFC000  }
0x2a: {  	[tilespmem:s11], [sflag:$0x1] =	stream.indirect.gather [spmem:s3], $0x10, s15, s10, $0xb8;
	[tilespmem:$0x11F00] =	vst v63  }
0x2b: {  	_ =	swait.ge [sflag:s14], $0x4000  }
0x2c: {  	[sflag:s14] =	ssyncset.done $0x0  }
0x2d: {  	s15 =	simm.s32 $0x2C00;
	[sflag:s14] =	ssyncadd.s32 $0xFFFFC000  }
0x2e: {  	[spmem:s2] =	stream.indirect.scatter.add.f32 [tilespmem:s12], [sflag:$0x3], $0x10, s15, s10, $0xb8;
	[tilespmem:$0x11F00] =	vst v63  }
0x2f: {  	_ =	swait.ge [sflag:s7], $0x4000  }
0x30: {  	[sflag:s7] =	ssyncset.done $0x0  }
0x31: {  	s16 =	simm.s32 $0xC00;
	[sflag:s7] =	ssyncadd.s32 $0xFFFFC000  }
0x32: {  	[tilespmem:s12], [sflag:$0x2] =	stream.indirect.gather [spmem:s3], $0x10, s16, s10, $0xb8;
	[tilespmem:$0x11F00] =	vst v63  }
0x33: {  	_ =	swait.ge [sflag:s13], $0x4000  }
0x34: {  	[sflag:s13] =	ssyncset.done $0x0  }
0x35: {  	s17 =	simm.s32 $0x3000;
	[sflag:s13] =	ssyncadd.s32 $0xFFFFC000  }
0x36: {  	[spmem:s2] =	stream.indirect.scatter.add.f32 [tilespmem:s11], [sflag:$0x3], $0x10, s17, s10, $0xb8;
	[tilespmem:$0x11F00] =	vst v63  }
0x37: {  	_ =	swait.ge [sflag:s7], $0x4000  }
0x38: {  	[sflag:s7] =	ssyncset.done $0x0  }
0x39: {  	s18 =	simm.s32 $0x1000;
	[sflag:s7] =	ssyncadd.s32 $0xFFFFC000  }
0x3a: {  	[tilespmem:s11], [sflag:$0x1] =	stream.indirect.gather [spmem:s3], $0x10, s18, s10, $0xb8;
	[tilespmem:$0x11F00] =	vst v63  }
0x3b: {  	_ =	swait.ge [sflag:s14], $0x4000  }
0x3c: {  	[sflag:s14] =	ssyncset.done $0x0  }
0x3d: {  	s19 =	simm.s32 $0x3400;
	[sflag:s14] =	ssyncadd.s32 $0xFFFFC000  }
0x3e: {  	[spmem:s2] =	stream.indirect.scatter.add.f32 [tilespmem:s12], [sflag:$0x3], $0x10, s19, s10, $0xb8;
	[tilespmem:$0x11F00] =	vst v63  }
0x3f: {  	_ =	swait.ge [sflag:s7], $0x4000  }
0x40: {  	[sflag:s7] =	ssyncset.done $0x0  }
0x41: {  	s20 =	simm.s32 $0x1400;
	[sflag:s7] =	ssyncadd.s32 $0xFFFFC000  }
0x42: {  	[tilespmem:s12], [sflag:$0x2] =	stream.indirect.gather [spmem:s3], $0x10, s20, s10, $0xb8;
	[tilespmem:$0x11F00] =	vst v63  }
0x43: {  	_ =	swait.ge [sflag:s13], $0x4000  }
0x44: {  	[sflag:s13] =	ssyncset.done $0x0  }
0x45: {  	s21 =	simm.s32 $0x3800;
	[sflag:s13] =	ssyncadd.s32 $0xFFFFC000  }
0x46: {  	[spmem:s2] =	stream.indirect.scatter.add.f32 [tilespmem:s11], [sflag:$0x3], $0x10, s21, s10, $0xb8;
	[tilespmem:$0x11F00] =	vst v63  }
0x47: {  	_ =	swait.ge [sflag:s7], $0x4000  }
0x48: {  	[sflag:s7] =	ssyncset.done $0x0  }
0x49: {  	s22 =	simm.s32 $0x1800;
	[sflag:s7] =	ssyncadd.s32 $0xFFFFC000  }
0x4a: {  	[tilespmem:s11], [sflag:$0x1] =	stream.indirect.gather [spmem:s3], $0x10, s22, s10, $0xb8;
	[tilespmem:$0x11F00] =	vst v63  }
0x4b: {  	_ =	swait.ge [sflag:s14], $0x4000  }
0x4c: {  	[sflag:s14] =	ssyncset.done $0x0  }
0x4d: {  	s23 =	simm.s32 $0x3C00;
	[sflag:s14] =	ssyncadd.s32 $0xFFFFC000  }
0x4e: {  	[spmem:s2] =	stream.indirect.scatter.add.f32 [tilespmem:s12], [sflag:$0x3], $0x10, s23, s10, $0xb8;
	[tilespmem:$0x11F00] =	vst v63  }
0x4f: {  	_ =	swait.ge [sflag:s7], $0x4000  }
0x50: {  	[sflag:s7] =	ssyncset.done $0x0  }
0x51: {  	s24 =	simm.s32 $0x1C00;
	[sflag:s7] =	ssyncadd.s32 $0xFFFFC000  }
0x52: {  	[tilespmem:s12], [sflag:$0x2] =	stream.indirect.gather [spmem:s3], $0x10, s24, s10, $0xb8;
	[tilespmem:$0x11F00] =	vst v63  }
0x53: {  	_ =	swait.ge [sflag:s13], $0x4000  }
0x54: {  	[sflag:s13] =	ssyncset.done $0x0  }
0x55: {  	s25 =	simm.s32 $0x4000;
	[sflag:s13] =	ssyncadd.s32 $0xFFFFC000  }
0x56: {  	[spmem:s2] =	stream.indirect.scatter.add.f32 [tilespmem:s11], [sflag:$0x3], $0x10, s25, s10, $0xb8;
	[tilespmem:$0x11F00] =	vst v63  }
0x57: {  	_ =	swait.ge [sflag:s7], $0x4000  }
0x58: {  	[sflag:s7] =	ssyncset.done $0x0  }
0x59: {  	s26 =	simm.s32 $0x2000;
	[sflag:s7] =	ssyncadd.s32 $0xFFFFC000  }
0x5a: {  	[tilespmem:s11], [sflag:$0x1] =	stream.indirect.gather [spmem:s3], $0x10, s26, s10, $0xb8;
	[tilespmem:$0x11F00] =	vst v63  }
0x5b: {  	_ =	swait.ge [sflag:s14], $0x4000  }
0x5c: {  	[sflag:s14] =	ssyncset.done $0x0  }
0x5d: {  	s28 =	simm.s32 $0x4400;
	[sflag:s14] =	ssyncadd.s32 $0xFFFFC000  }
0x5e: {  	[spmem:s2] =	stream.indirect.scatter.add.f32 [tilespmem:s12], [sflag:$0x3], $0x10, s28, s10, $0xb8;
	[tilespmem:$0x11F00] =	vst v63  }
0x5f: {  	_ =	swait.ge [sflag:s7], $0x4000  }
0x60: {  	[sflag:s7] =	ssyncset.done $0x0  }
0x61: {  	s29 =	simm.s32 $0x2400;
	[sflag:s7] =	ssyncadd.s32 $0xFFFFC000  }
0x62: {  	[tilespmem:s12], [sflag:$0x2] =	stream.indirect.gather [spmem:s3], $0x10, s29, s10, $0xb8;
	[tilespmem:$0x11F00] =	vst v63  }
0x63: {  	_ =	swait.ge [sflag:s13], $0x4000  }
0x64: {  	[sflag:s13] =	ssyncset.done $0x0  }
0x65: {  	s30 =	simm.s32 $0x4800;
	[sflag:s13] =	ssyncadd.s32 $0xFFFFC000  }
0x66: {  	[spmem:s2] =	stream.indirect.scatter.add.f32 [tilespmem:s11], [sflag:$0x3], $0x10, s30, s10, $0xb8;
	[tilespmem:$0x11F00] =	vst v63  }
0x67: {  	_ =	swait.ge [sflag:s7], $0x4000  }
0x68: {  	[sflag:s7] =	ssyncset.done $0x0  }
0x69: {  	[sflag:s7] =	ssyncadd.s32 $0xFFFFC000  }
0x6a: {  	_ =	swait.ge [sflag:s14], $0x4000  }
0x6b: {  	[sflag:s14] =	ssyncset.done $0x0  }
0x6c: {  	s31 =	simm.s32 $0x4C00;
	[sflag:s14] =	ssyncadd.s32 $0xFFFFC000  }
0x6d: {  	[spmem:s2] =	stream.indirect.scatter.add.f32 [tilespmem:s12], [sflag:$0x3], $0x10, s31, s10, $0xb8;
	[tilespmem:$0x11F00] =	vst v63  }
0x6e: {  	_ =	swait.ge [sflag:s7], $0x4000  }
0x6f: {  	[sflag:s7] =	ssyncset.done $0x0  }
0x70: {  	[sflag:s7] =	ssyncadd.s32 $0xFFFFC000  }
0x71: {  	[bflag:$0x0] =	sbarrier.arrive $0xFFFF  }
0x72: {  	s1 =	ssub.s32 $0x2, s1;
	s0 =	rddreg [dreg:$0x7]  }
0x73: {  	[dreg:$0xa] =	wrdreg s0;
	s0 =	sshrl.u32 s1, $0x1  }
0x74: {  	s0 =	ssub.s32 s1, s0  }
0x75: {  	s0 =	smax.u32 s0, $0x1  }
0x76: {  	p0 =	sne.s32 s0, $0x1  }
.Ltmp0:
0x77: {  	_ = 	snop;
	(pc) =	sbr.rel @!p0 .LBB2_2-.Ltmp0, $4  }
0x78: {  	s1 =	rddreg [dreg:$0xa]  }
0x79: {  	[hbm:s1], [sflag:s6] =	dma.local [spmem:s8], $0x4F0  }
0x7a: {  	_ =	swait.ge [sflag:s7], $0x4F0  }
0x7b: {  	s1 =	sadd.s32 $0xFFFFFFFF, s0;
	[sflag:s7] =	ssyncset.done $0x0  }
.LBB2_1:
0x7c: {  	[sflag:s7] =	ssyncadd.s32 $0xFFFFFB10  }
0x7d: {  	[spmem:s8], [sflag:s6] =	dma.local [hbm:s5], $0x4F0  }
0x7e: {  	_ =	swait.ge [sflag:s7], $0x4F0  }
0x7f: {  	[sflag:s7] =	ssyncset.done $0x0  }
0x80: {  	s0 =	rddreg [dreg:$0x8];
	[sflag:s7] =	ssyncadd.s32 $0xFFFFFB10  }
0x81: {  	[spmem:s0], [sflag:s6] =	dma.local [hbm:s5], $0x4F0  }
0x82: {  	_ =	swait.ge [sflag:s7], $0x4F0  }
0x83: {  	[sflag:s7] =	ssyncset.done $0x0  }
0x84: {  	s0 =	rddreg [dreg:$0x5];
	[sflag:s7] =	ssyncadd.s32 $0xFFFFFB10  }
0x85: {  	[tilespmem:s4], [sflag:$0x3] =	stream.linear.gather [hbm4b:s0+s4], $0x2800, $0x38;
	[tilespmem:$0x11F00] =	vst v63  }
0x86: {  	_ =	swait.ge [sflag:s7], $0x2800  }
0x87: {  	[sflag:s7] =	ssyncset.done $0x0  }
0x88: {  	s0 =	rddreg [dreg:$0x6];
	[sflag:s7] =	ssyncadd.s32 $0xFFFFD800  }
0x89: {  	[tilespmem:s9], [sflag:$0x3] =	stream.linear.gather [hbm4b:s0+s4], $0x2800, $0x38;
	[tilespmem:$0x11F00] =	vst v63  }
0x8a: {  	_ =	swait.ge [sflag:s7], $0x2800  }
0x8b: {  	[sflag:s7] =	ssyncset.done $0x0  }
0x8c: {  	[sflag:s7] =	ssyncadd.s32 $0xFFFFD800  }
0x8d: {  	[bflag:$0x0] =	sbarrier.arrive $0xFFFF  }
0x8e: {  	[tilespmem:s11], [sflag:$0x1] =	stream.indirect.gather [spmem:s3], $0x10, s4, s10, $0xb8;
	[tilespmem:$0x11F00] =	vst v63  }
0x8f: {  	_ = 	snop  }
0x90: {  	[tilespmem:s12], [sflag:$0x2] =	stream.indirect.gather [spmem:s3], $0x10, s10, s10, $0xb8;
	[tilespmem:$0x11F00] =	vst v63  }
0x91: {  	_ =	swait.ge [sflag:s13], $0x4000  }
0x92: {  	[sflag:s13] =	ssyncset.done $0x0  }
0x93: {  	[sflag:s13] =	ssyncadd.s32 $0xFFFFC000  }
0x94: {  	[spmem:s2] =	stream.indirect.scatter.add.f32 [tilespmem:s11], [sflag:$0x3], $0x10, s9, s10, $0xb8;
	[tilespmem:$0x11F00] =	vst v63  }
0x95: {  	_ =	swait.ge [sflag:s7], $0x4000  }
0x96: {  	[sflag:s7] =	ssyncset.done $0x0  }
0x97: {  	s0 =	rddreg [dreg:$0x9];
	[sflag:s7] =	ssyncadd.s32 $0xFFFFC000  }
0x98: {  	[tilespmem:s11], [sflag:$0x1] =	stream.indirect.gather [spmem:s3], $0x10, s0, s10, $0xb8;
	[tilespmem:$0x11F00] =	vst v63  }
0x99: {  	_ =	swait.ge [sflag:s14], $0x4000  }
0x9a: {  	[sflag:s14] =	ssyncset.done $0x0  }
0x9b: {  	[sflag:s14] =	ssyncadd.s32 $0xFFFFC000  }
0x9c: {  	[spmem:s2] =	stream.indirect.scatter.add.f32 [tilespmem:s12], [sflag:$0x3], $0x10, s15, s10, $0xb8;
	[tilespmem:$0x11F00] =	vst v63  }
0x9d: {  	_ =	swait.ge [sflag:s7], $0x4000  }
0x9e: {  	[sflag:s7] =	ssyncset.done $0x0  }
0x9f: {  	[sflag:s7] =	ssyncadd.s32 $0xFFFFC000  }
0xa0: {  	[tilespmem:s12], [sflag:$0x2] =	stream.indirect.gather [spmem:s3], $0x10, s16, s10, $0xb8;
	[tilespmem:$0x11F00] =	vst v63  }
0xa1: {  	_ =	swait.ge [sflag:s13], $0x4000  }
0xa2: {  	[sflag:s13] =	ssyncset.done $0x0  }
0xa3: {  	[sflag:s13] =	ssyncadd.s32 $0xFFFFC000  }
0xa4: {  	[spmem:s2] =	stream.indirect.scatter.add.f32 [tilespmem:s11], [sflag:$0x3], $0x10, s17, s10, $0xb8;
	[tilespmem:$0x11F00] =	vst v63  }
0xa5: {  	_ =	swait.ge [sflag:s7], $0x4000  }
0xa6: {  	[sflag:s7] =	ssyncset.done $0x0  }
0xa7: {  	[sflag:s7] =	ssyncadd.s32 $0xFFFFC000  }
0xa8: {  	[tilespmem:s11], [sflag:$0x1] =	stream.indirect.gather [spmem:s3], $0x10, s18, s10, $0xb8;
	[tilespmem:$0x11F00] =	vst v63  }
0xa9: {  	_ =	swait.ge [sflag:s14], $0x4000  }
0xaa: {  	[sflag:s14] =	ssyncset.done $0x0  }
0xab: {  	[sflag:s14] =	ssyncadd.s32 $0xFFFFC000  }
0xac: {  	[spmem:s2] =	stream.indirect.scatter.add.f32 [tilespmem:s12], [sflag:$0x3], $0x10, s19, s10, $0xb8;
	[tilespmem:$0x11F00] =	vst v63  }
0xad: {  	_ =	swait.ge [sflag:s7], $0x4000  }
0xae: {  	[sflag:s7] =	ssyncset.done $0x0  }
0xaf: {  	[sflag:s7] =	ssyncadd.s32 $0xFFFFC000  }
0xb0: {  	[tilespmem:s12], [sflag:$0x2] =	stream.indirect.gather [spmem:s3], $0x10, s20, s10, $0xb8;
	[tilespmem:$0x11F00] =	vst v63  }
0xb1: {  	_ =	swait.ge [sflag:s13], $0x4000  }
0xb2: {  	[sflag:s13] =	ssyncset.done $0x0  }
0xb3: {  	[sflag:s13] =	ssyncadd.s32 $0xFFFFC000  }
0xb4: {  	[spmem:s2] =	stream.indirect.scatter.add.f32 [tilespmem:s11], [sflag:$0x3], $0x10, s21, s10, $0xb8;
	[tilespmem:$0x11F00] =	vst v63  }
0xb5: {  	_ =	swait.ge [sflag:s7], $0x4000  }
0xb6: {  	[sflag:s7] =	ssyncset.done $0x0  }
0xb7: {  	[sflag:s7] =	ssyncadd.s32 $0xFFFFC000  }
0xb8: {  	[tilespmem:s11], [sflag:$0x1] =	stream.indirect.gather [spmem:s3], $0x10, s22, s10, $0xb8;
	[tilespmem:$0x11F00] =	vst v63  }
0xb9: {  	_ =	swait.ge [sflag:s14], $0x4000  }
0xba: {  	[sflag:s14] =	ssyncset.done $0x0  }
0xbb: {  	[sflag:s14] =	ssyncadd.s32 $0xFFFFC000  }
0xbc: {  	[spmem:s2] =	stream.indirect.scatter.add.f32 [tilespmem:s12], [sflag:$0x3], $0x10, s23, s10, $0xb8;
	[tilespmem:$0x11F00] =	vst v63  }
0xbd: {  	_ =	swait.ge [sflag:s7], $0x4000  }
0xbe: {  	[sflag:s7] =	ssyncset.done $0x0  }
0xbf: {  	[sflag:s7] =	ssyncadd.s32 $0xFFFFC000  }
0xc0: {  	[tilespmem:s12], [sflag:$0x2] =	stream.indirect.gather [spmem:s3], $0x10, s24, s10, $0xb8;
	[tilespmem:$0x11F00] =	vst v63  }
0xc1: {  	_ =	swait.ge [sflag:s13], $0x4000  }
0xc2: {  	[sflag:s13] =	ssyncset.done $0x0  }
0xc3: {  	[sflag:s13] =	ssyncadd.s32 $0xFFFFC000  }
0xc4: {  	[spmem:s2] =	stream.indirect.scatter.add.f32 [tilespmem:s11], [sflag:$0x3], $0x10, s25, s10, $0xb8;
	[tilespmem:$0x11F00] =	vst v63  }
0xc5: {  	_ =	swait.ge [sflag:s7], $0x4000  }
0xc6: {  	[sflag:s7] =	ssyncset.done $0x0  }
0xc7: {  	[sflag:s7] =	ssyncadd.s32 $0xFFFFC000  }
0xc8: {  	[tilespmem:s11], [sflag:$0x1] =	stream.indirect.gather [spmem:s3], $0x10, s26, s10, $0xb8;
	[tilespmem:$0x11F00] =	vst v63  }
0xc9: {  	_ =	swait.ge [sflag:s14], $0x4000  }
0xca: {  	[sflag:s14] =	ssyncset.done $0x0  }
0xcb: {  	[sflag:s14] =	ssyncadd.s32 $0xFFFFC000  }
0xcc: {  	[spmem:s2] =	stream.indirect.scatter.add.f32 [tilespmem:s12], [sflag:$0x3], $0x10, s28, s10, $0xb8;
	[tilespmem:$0x11F00] =	vst v63  }
0xcd: {  	_ =	swait.ge [sflag:s7], $0x4000  }
0xce: {  	[sflag:s7] =	ssyncset.done $0x0  }
0xcf: {  	[sflag:s7] =	ssyncadd.s32 $0xFFFFC000  }
0xd0: {  	[tilespmem:s12], [sflag:$0x2] =	stream.indirect.gather [spmem:s3], $0x10, s29, s10, $0xb8;
	[tilespmem:$0x11F00] =	vst v63  }
0xd1: {  	_ =	swait.ge [sflag:s13], $0x4000  }
0xd2: {  	[sflag:s13] =	ssyncset.done $0x0  }
0xd3: {  	[sflag:s13] =	ssyncadd.s32 $0xFFFFC000  }
0xd4: {  	[spmem:s2] =	stream.indirect.scatter.add.f32 [tilespmem:s11], [sflag:$0x3], $0x10, s30, s10, $0xb8;
	[tilespmem:$0x11F00] =	vst v63  }
0xd5: {  	_ =	swait.ge [sflag:s7], $0x4000  }
0xd6: {  	[sflag:s7] =	ssyncset.done $0x0  }
0xd7: {  	[sflag:s7] =	ssyncadd.s32 $0xFFFFC000  }
0xd8: {  	_ =	swait.ge [sflag:s14], $0x4000  }
0xd9: {  	[sflag:s14] =	ssyncset.done $0x0  }
0xda: {  	[sflag:s14] =	ssyncadd.s32 $0xFFFFC000  }
0xdb: {  	[spmem:s2] =	stream.indirect.scatter.add.f32 [tilespmem:s12], [sflag:$0x3], $0x10, s31, s10, $0xb8;
	[tilespmem:$0x11F00] =	vst v63  }
0xdc: {  	_ =	swait.ge [sflag:s7], $0x4000  }
0xdd: {  	[sflag:s7] =	ssyncset.done $0x0  }
0xde: {  	p0 =	sne.s32 s1, $0x1;
	[sflag:s7] =	ssyncadd.s32 $0xFFFFC000  }
.Ltmp1:
0xdf: {  	[bflag:$0x0] =	sbarrier.arrive $0xFFFF;
	(pc) =	sbr.rel @p0 .LBB2_1-.Ltmp1, $4  }
0xe0: {  	s0 =	rddreg [dreg:$0x7]  }
0xe1: {  	[hbm:s0], [sflag:s6] =	dma.local [spmem:s8], $0x4F0  }
0xe2: {  	_ =	swait.ge [sflag:s7], $0x4F0  }
0xe3: {  	s1 =	sadd.s32 $0xFFFFFFFF, s1;
	[sflag:s7] =	ssyncset.done $0x0  }
.LBB2_2:
0xe4: {  	[sflag:s7] =	ssyncadd.s32 $0xFFFFFB10  }
0xe5: {  	_ =	sfence.sel $0x180000  }
0xe6: {  	[bflag:$0x0] =	sbarrier.arrive $0xFFFF  }
0xe7: {  	_ =	strace $0x90000050  }
0xe8: {  	s0 =	stileid.u32;
	[bflag:$0x2] =	sbarrier.arrive $0xFFFF  }
0xe9: {  	p0 =	sne.s32 s0, $0x0;
	s0 =	rddreg [dreg:$0x4]  }
0xea: {  	s0 =	sadd.s32 @!p0 $0x100000, s0  }
0xeb: {  	[sflag:s0] =	ssyncadd.tile.s32 @!p0 $0x1;
	_ =	shalt  }
.Lfunc_end2:
_tile_overlayer_lowered:
.L_overlay_start_2:
0xec: {  	(tag) =	ssettag $0x2  }
0xed: {  	s0 =	rddreg [dreg:$0x0];
	s2 =	stileid.u32  }
0xee: {  	s1 =	rddreg [dreg:$0x1];
	p0 =	sne.s32 s2, $0x0  }
0xef: {  	s3 =	rddreg [dreg:$0x2];
	[bflag:$0x3] =	sbarrier.arrive $0xFFFF;
	s2 =	simm.s32 @!p0 $0x1C03  }
0xf0: {  	[timem:s3], [sflag:s2] =	dma.local @!p0 [hbm:s0], s1  }
0xf1: {  	s0 =	simm.s32 @!p0 $0x3  }
0xf2: {  	_ =	swait.ge @!p0 [sflag:s0], s1  }
0xf3: {  	s1 =	ssub.s32 @!p0 $0x0, s1;
	[sflag:s0] =	ssyncset.done @!p0 $0x0  }
0xf4: {  	[sflag:s0] =	ssyncadd.s32 @!p0 s1  }
0xf5: {  	[bflag:$0x3] =	sbarrier.arrive $0xFFFF  }
0xf6: {  	_ =	shalt  }

</sc_bundles>
